<compile_context>
chip_gen: v7x
topology: tpu7x:2x2x1
jax: 0.10.2.dev20260603
libtpu: 0.0.44.dev20260713+nightly
codegen_flags: <defaults>
</compile_context>

<pallas_src>
import functools

import jax
import jax.numpy as jnp
from jax import lax
from jax.experimental import pallas as pl
from jax.experimental.pallas import tpu as pltpu
from jax.experimental.pallas import tpu_sc as plsc

B = 16384
NNUM = 13
NCAT = 26
NFEAT = 39
VOCAB = 100000
D = 32
HALF = 16
EPS = 1e-5

NW = 32
NFH = 13
PPW = NFH * D // NW
GCHUNK = 4096
NGCH = B // GCHUNK


def _sc_plane_gather(f_base, tab_hbm, idx_hbm, out_hbm, plane_v, idx_v,
                     gout_v, wsem, dsem):
    wid = lax.axis_index("s") * 2 + lax.axis_index("c")
    p0 = f_base * D + wid * PPW
    pltpu.sync_copy(idx_hbm.at[lax.div(p0, D)], idx_v)

    def p_desc(p):
        return pltpu.make_async_copy(
            tab_hbm.at[lax.div(p, D), lax.rem(p, D)], plane_v, dsem)

    def w_desc(f, d, c, buf):
        return pltpu.make_async_copy(
            gout_v.at[buf],
            out_hbm.at[f - f_base, d, pl.ds(c * GCHUNK, GCHUNK)], wsem)

    p_desc(p0).start()

    def plane_body(p, _):
        f = lax.div(p, D)
        d = lax.rem(p, D)

        @pl.when((d == 0) & (p > p0))
        def _():
            pltpu.sync_copy(idx_hbm.at[f], idx_v)

        p_desc(p).wait()

        def chunk_body(c, _):
            buf = lax.rem(c, 2)
            g = (p - p0) * NGCH + c

            @pl.when(g >= 2)
            def _():
                pltpu.make_async_copy(
                    gout_v.at[buf],
                    out_hbm.at[0, 0, pl.ds(0, GCHUNK)], wsem).wait()

            base = c * GCHUNK

            def gbody(i, _):
                ivs = [idx_v[pl.ds(base + i * 256 + u * 16, 16)]
                       for u in range(16)]
                gs = [plsc.load_gather(plane_v, [iv]) for iv in ivs]
                for u in range(16):
                    gout_v[buf, pl.ds(i * 256 + u * 16, 16)] = gs[u]
                return 0

            lax.fori_loop(0, GCHUNK // 256, gbody, 0)
            w_desc(f, d, c, buf).start()
            return 0

        lax.fori_loop(0, NGCH, chunk_body, 0)

        @pl.when(p + 1 < p0 + PPW)
        def _():
            p_desc(p + 1).start()
        return 0

    lax.fori_loop(p0, p0 + PPW, plane_body, 0)
    for buf in range(2):
        pltpu.make_async_copy(
            gout_v.at[buf], out_hbm.at[0, 0, pl.ds(0, GCHUNK)], wsem).wait()


@functools.cache
def _gather_call(f_base):
    return functools.partial(
        pl.kernel,
        out_type=jax.ShapeDtypeStruct((NFH, D, B), jnp.float32),
        mesh=plsc.VectorSubcoreMesh(core_axis_name="c", subcore_axis_name="s"),
        scratch_types=[
            pltpu.VMEM((VOCAB,), jnp.float32),
            pltpu.VMEM((B,), jnp.int32),
            pltpu.VMEM((2, GCHUNK), jnp.float32),
            pltpu.SemaphoreType.DMA,
            pltpu.SemaphoreType.DMA,
        ],
        compiler_params=pltpu.CompilerParams(needs_layout_passes=False),
    )(functools.partial(_sc_plane_gather, f_base))


BCL = 512
_TC_PARAMS = pltpu.CompilerParams(vmem_limit_bytes=100 * 1024 * 1024)


def _tc_num_body(xnT_ref, freq_ref, gam_ref, bet_ref, out_ref):
    gam = gam_ref[...][None, :, :]
    bet = bet_ref[...][None, :, :]
    xnT = xnT_ref[...]
    freq = freq_ref[...]
    v = xnT[:, None, :] * freq[:, :, None]
    s = jnp.sin(v)
    co = jnp.cos(v)
    m = (jnp.sum(s, 1) + jnp.sum(co, 1)) * (1.0 / D)
    inv = lax.rsqrt(0.5 - m * m + EPS)
    sn = (s - m[:, None, :]) * inv[:, None, :]
    cn = (co - m[:, None, :]) * inv[:, None, :]
    out_ref[:, :HALF] = sn * gam[:, :HALF] + bet[:, :HALF]
    out_ref[:, HALF:] = cn * gam[:, HALF:] + bet[:, HALF:]


_tc_num = pl.pallas_call(
    _tc_num_body,
    grid=(B // BCL,),
    in_specs=[
        pl.BlockSpec((NNUM, BCL), lambda i: (0, i)),
        pl.BlockSpec((NNUM, HALF), lambda i: (0, 0)),
        pl.BlockSpec((D, 1), lambda i: (0, 0)),
        pl.BlockSpec((D, 1), lambda i: (0, 0)),
    ],
    out_specs=pl.BlockSpec((NNUM, D, BCL), lambda i: (0, 0, i)),
    out_shape=jax.ShapeDtypeStruct((NFEAT, D, B), jnp.float32),
    compiler_params=_TC_PARAMS,
)


def _tc_cat_body(catT_ref, gam_ref, bet_ref, acc_ref, out_ref):
    del acc_ref
    gam = gam_ref[...][None, :, :]
    bet = bet_ref[...][None, :, :]
    t = catT_ref[...]
    cm = jnp.mean(t, 1)
    cv = jnp.maximum(jnp.mean(t * t, 1) - cm * cm, 0.0)
    cinv = lax.rsqrt(cv + EPS)
    out_ref[...] = ((t - cm[:, None, :]) * cinv[:, None, :]) * gam + bet


def _tc_cat(row_block):
    return pl.pallas_call(
        _tc_cat_body,
        grid=(B // BCL,),
        in_specs=[
            pl.BlockSpec((NFH, D, BCL), lambda i: (0, 0, i)),
            pl.BlockSpec((D, 1), lambda i: (0, 0)),
            pl.BlockSpec((D, 1), lambda i: (0, 0)),
            pl.BlockSpec(memory_space=pl.ANY),
        ],
        out_specs=pl.BlockSpec(
            (NFH, D, BCL), lambda i, r=row_block: (r, 0, i)),
        out_shape=jax.ShapeDtypeStruct((NFEAT, D, B), jnp.float32),
        input_output_aliases={3: 0},
        compiler_params=_TC_PARAMS,
    )


def kernel(x, numerical_frequencies, emb_tables, ln_gamma, ln_beta):
    xT = x.T
    xnT = xT[:NNUM]
    idxT = xT[NNUM:].astype(jnp.int32)
    tabT = emb_tables.transpose(0, 2, 1)
    gam = ln_gamma.reshape(D, 1)
    bet = ln_beta.reshape(D, 1)
    o = _tc_num(xnT, numerical_frequencies, gam, bet)
    cat1 = _gather_call(0)(tabT, idxT)
    cat2 = _gather_call(NFH)(tabT, idxT)
    o = _tc_cat(1)(cat1, gam, bet, o)
    o = _tc_cat(2)(cat2, gam, bet, o)
    return o.transpose(2, 0, 1)

# --- scband reference (transcript-rebuilt; emitter-appended) ---
"""Pipeline reference for scband-feature-tokenizer-62852551410145 (READ-ONLY COPY).

The authoritative reference and input builder live on the scoring server;
editing this copy changes nothing except your own understanding.
"""

import jax, jax.numpy as jnp
import numpy as np

BATCH = 16384
NUM_NUMERICAL = 13
NUM_CATEGORICAL = 26
NUM_FEATURES = 39
VOCAB = 100000
EMBED_DIM = 32
HALF_DIM = EMBED_DIM // 2
SIGMA = 0.1


def setup_inputs(seed: int = 0) -> dict:
    key = jax.random.key(seed)
    k1, k2, k3, k4 = jax.random.split(key, 4)
    # Mixed feature tensor: first 13 columns numerical (gaussian), last 26 categorical ids stored as floats
    x_num = jax.random.normal(k1, (BATCH, NUM_NUMERICAL), dtype=jnp.float32)
    x_cat = jax.random.randint(k2, (BATCH, NUM_CATEGORICAL), 0, VOCAB).astype(jnp.float32)
    x = jnp.concatenate([x_num, x_cat], axis=1)
    numerical_frequencies = jax.random.normal(k3, (NUM_NUMERICAL, HALF_DIM), dtype=jnp.float32) * SIGMA
    # 26 embedding tables stacked: [n_fields, vocab, embed_dim]
    emb_tables = jax.random.normal(k4, (NUM_CATEGORICAL, VOCAB, EMBED_DIM), dtype=jnp.float32)
    ln_gamma = jnp.ones((EMBED_DIM,), dtype=jnp.float32)
    ln_beta = jnp.zeros((EMBED_DIM,), dtype=jnp.float32)
    return {
        "x": x,
        "numerical_frequencies": numerical_frequencies,
        "emb_tables": emb_tables,
        "ln_gamma": ln_gamma,
        "ln_beta": ln_beta,
    }


def _layer_norm(t, gamma, beta, eps=1e-5):
    mean = jnp.mean(t, axis=-1, keepdims=True)
    var = jnp.var(t, axis=-1, keepdims=True)
    return (t - mean) / jnp.sqrt(var + eps) * gamma + beta


def reference(x, numerical_frequencies, emb_tables, ln_gamma, ln_beta):
    # Numerical path: Gaussian Fourier features
    x_numerical = x[:, :NUM_NUMERICAL].astype(jnp.float32)          # [B, 13]
    v = x_numerical[..., None] * numerical_frequencies               # [B, 13, 16]
    numerical_tokens = jnp.concatenate([jnp.sin(v), jnp.cos(v)], axis=-1)  # [B, 13, 32]
    # Categorical path: per-field embedding lookup (gather)
    x_categorical = x[:, NUM_NUMERICAL:NUM_FEATURES].astype(jnp.int32)     # [B, 26]
    field_ids = jnp.arange(NUM_CATEGORICAL)[None, :]                 # [1, 26]
    categorical_tokens = emb_tables[field_ids, x_categorical]        # [B, 26, 32]
    all_tokens = jnp.concatenate([numerical_tokens, categorical_tokens], axis=1)  # [B, 39, 32]
    return _layer_norm(all_tokens, ln_gamma, ln_beta)

if __name__ == "__main__":
    import jax
    _d = setup_inputs()
    print(jax.jit(kernel)(*tuple(_d.values())))

</pallas_src>

<mosaic_0001>
#map = affine_map<(d0, d1) -> (0, 0, 0)>
#map1 = affine_map<(d0, d1) -> (0, 0)>
module attributes {stable_mosaic.version = 14 : i64} {
  func.func @_sc_plane_gather(%arg0: i32, %arg1: i32, %arg2: memref<26x32x100000xf32, #tpu.memory_space<hbm>>, %arg3: memref<26x16384xi32, #tpu.memory_space<hbm>>, %arg4: memref<13x32x16384xf32, #tpu.memory_space<hbm>>, %arg5: memref<100000xf32, #tpu.memory_space<vmem>>, %arg6: memref<16384xi32, #tpu.memory_space<vmem>>, %arg7: memref<2x4096xf32, #tpu.memory_space<vmem>>, %arg8: memref<!tpu.dma_semaphore, #tpu.memory_space<semaphore_mem>>, %arg9: memref<!tpu.dma_semaphore, #tpu.memory_space<semaphore_mem>>) attributes {dimension_semantics = [#tpu.dimension_semantics<core_parallel>, #tpu.dimension_semantics<subcore_parallel>], iteration_bounds = array<i64: 2, 16>, scalar_prefetch = 0 : i64, scratch_operands = 5 : i64, tpu.core_type = #tpu.core_type<sc_vector_subcore>, window_params = [{transform_indices = #map}, {transform_indices = #map1}, {transform_indices = #map}]} {
    %mul3A = arith.constant 2 : i32
    %mul3A_0 = arith.muli %arg1, %mul3A : i32
    %add3A = arith.addi %mul3A_0, %arg0 : i32
    %mul3A_1 = arith.constant 13 : i32
    %mul3A_2 = arith.muli %add3A, %mul3A_1 : i32
    %add3A_3 = arith.constant 416 : i32
    %add3A_4 = arith.addi %add3A_3, %mul3A_2 : i32
    %div3A = arith.constant 32 : i32
    %div3A_5 = arith.divsi %add3A_4, %div3A : i32
    "tpu.region"() ({
      %run_scoped3A = tpu.sem_alloc : memref<!tpu.dma_semaphore, #tpu.memory_space<semaphore_mem>>
      %dma_start3A_55 = arith.constant 0 : i32
      %dma_start3A_56 = tpu.memref_slice %arg3[%div3A_5, %dma_start3A_55] : memref<26x16384xi32, #tpu.memory_space<hbm>> -> memref<1x16384xi32, #tpu.memory_space<hbm>>
      %dma_start3A_57 = tpu.memref_squeeze %dma_start3A_56 : memref<1x16384xi32, #tpu.memory_space<hbm>> -> memref<16384xi32, #tpu.memory_space<hbm>>
      %dma_start3A_58 = arith.constant 0 : i32
      %dma_start3A_59 = tpu.memref_slice %arg3[%div3A_5, %dma_start3A_58] : memref<26x16384xi32, #tpu.memory_space<hbm>> -> memref<1x16384xi32, #tpu.memory_space<hbm>>
      %dma_start3A_60 = tpu.memref_squeeze %dma_start3A_59 : memref<1x16384xi32, #tpu.memory_space<hbm>> -> memref<16384xi32, #tpu.memory_space<hbm>>
      tpu.enqueue_dma source(%dma_start3A_60 : memref<16384xi32, #tpu.memory_space<hbm>>) target(%arg6 : memref<16384xi32, #tpu.memory_space<vmem>>) target_semaphore(%run_scoped3A : memref<!tpu.dma_semaphore, #tpu.memory_space<semaphore_mem>>)
      %dma_wait3A_61 = arith.constant 0 : i32
      %dma_wait3A_62 = tpu.memref_slice %arg3[%div3A_5, %dma_wait3A_61] : memref<26x16384xi32, #tpu.memory_space<hbm>> -> memref<1x16384xi32, #tpu.memory_space<hbm>>
      %dma_wait3A_63 = tpu.memref_squeeze %dma_wait3A_62 : memref<1x16384xi32, #tpu.memory_space<hbm>> -> memref<16384xi32, #tpu.memory_space<hbm>>
      %dma_wait3A_64 = arith.constant 0 : i32
      %dma_wait3A_65 = tpu.memref_slice %arg3[%div3A_5, %dma_wait3A_64] : memref<26x16384xi32, #tpu.memory_space<hbm>> -> memref<1x16384xi32, #tpu.memory_space<hbm>>
      %dma_wait3A_66 = tpu.memref_squeeze %dma_wait3A_65 : memref<1x16384xi32, #tpu.memory_space<hbm>> -> memref<16384xi32, #tpu.memory_space<hbm>>
      tpu.wait_dma2 semaphore(%run_scoped3A : memref<!tpu.dma_semaphore, #tpu.memory_space<semaphore_mem>>) src(%dma_wait3A_66 : memref<16384xi32, #tpu.memory_space<hbm>>) dst(%arg6 : memref<16384xi32, #tpu.memory_space<vmem>>)
      tpu.yield
    }) : () -> ()
    %div3A_6 = arith.constant 32 : i32
    %div3A_7 = arith.divsi %add3A_4, %div3A_6 : i32
    %rem3A = arith.constant 32 : i32
    %rem3A_8 = arith.remsi %add3A_4, %rem3A : i32
    %dma_start3A = arith.constant 0 : i32
    %dma_start3A_9 = tpu.memref_slice %arg2[%div3A_7, %rem3A_8, %dma_start3A] : memref<26x32x100000xf32, #tpu.memory_space<hbm>> -> memref<1x1x100000xf32, #tpu.memory_space<hbm>>
    %dma_start3A_10 = tpu.memref_squeeze %dma_start3A_9 : memref<1x1x100000xf32, #tpu.memory_space<hbm>> -> memref<100000xf32, #tpu.memory_space<hbm>>
    %dma_start3A_11 = arith.constant 0 : i32
    %dma_start3A_12 = tpu.memref_slice %arg2[%div3A_7, %rem3A_8, %dma_start3A_11] : memref<26x32x100000xf32, #tpu.memory_space<hbm>> -> memref<1x1x100000xf32, #tpu.memory_space<hbm>>
    %dma_start3A_13 = tpu.memref_squeeze %dma_start3A_12 : memref<1x1x100000xf32, #tpu.memory_space<hbm>> -> memref<100000xf32, #tpu.memory_space<hbm>>
    tpu.enqueue_dma source(%dma_start3A_13 : memref<100000xf32, #tpu.memory_space<hbm>>) target(%arg5 : memref<100000xf32, #tpu.memory_space<vmem>>) target_semaphore(%arg9 : memref<!tpu.dma_semaphore, #tpu.memory_space<semaphore_mem>>)
    %add3A_14 = arith.constant 13 : i32
    %add3A_15 = arith.addi %add3A_4, %add3A_14 : i32
    %while3A = arith.constant 0 : i32
    %while3A_16 = arith.subi %add3A_15, %add3A_4 : i32
    %while3A_17 = arith.addi %add3A_4, %while3A_16 : i32
    %while3A_18 = arith.constant 1 : i32
    %while3A_19 = arith.divsi %while3A_16, %while3A_18 : i32
    %while3A_20 = arith.muli %while3A_19, %while3A_18 : i32
    %while3A_21 = arith.addi %add3A_4, %while3A_20 : i32
    %while3A_22 = arith.constant 1 : i32
    %while3A_23 = scf.for %while3A_55 = %add3A_4 to %while3A_21 step %while3A_22 iter_args(%while3A_56 = %while3A) -> (i32)  : i32 {
      %div3A_57 = arith.constant 32 : i32
      %div3A_58 = arith.divsi %while3A_55, %div3A_57 : i32
      %rem3A_59 = arith.constant 32 : i32
      %rem3A_60 = arith.remsi %while3A_55, %rem3A_59 : i32
      %eq3A = arith.constant 0 : i32
      %eq3A_61 = arith.cmpi eq, %rem3A_60, %eq3A : i32
      %gt3A = arith.cmpi sgt, %while3A_55, %add3A_4 : i32
      %and3A = arith.andi %eq3A_61, %gt3A : i1
      %convert_element_type3A = arith.extui %and3A : i1 to i32
      %cond3A = arith.constant 0 : i32
      %cond3A_62 = arith.cmpi ne, %convert_element_type3A, %cond3A : i32
      scf.if %cond3A_62 {
        "tpu.region"() ({
          %run_scoped3A = tpu.sem_alloc : memref<!tpu.dma_semaphore, #tpu.memory_space<semaphore_mem>>
          %dma_start3A_87 = arith.constant 0 : i32
          %dma_start3A_88 = tpu.memref_slice %arg3[%div3A_58, %dma_start3A_87] : memref<26x16384xi32, #tpu.memory_space<hbm>> -> memref<1x16384xi32, #tpu.memory_space<hbm>>
          %dma_start3A_89 = tpu.memref_squeeze %dma_start3A_88 : memref<1x16384xi32, #tpu.memory_space<hbm>> -> memref<16384xi32, #tpu.memory_space<hbm>>
          %dma_start3A_90 = arith.constant 0 : i32
          %dma_start3A_91 = tpu.memref_slice %arg3[%div3A_58, %dma_start3A_90] : memref<26x16384xi32, #tpu.memory_space<hbm>> -> memref<1x16384xi32, #tpu.memory_space<hbm>>
          %dma_start3A_92 = tpu.memref_squeeze %dma_start3A_91 : memref<1x16384xi32, #tpu.memory_space<hbm>> -> memref<16384xi32, #tpu.memory_space<hbm>>
          tpu.enqueue_dma source(%dma_start3A_92 : memref<16384xi32, #tpu.memory_space<hbm>>) target(%arg6 : memref<16384xi32, #tpu.memory_space<vmem>>) target_semaphore(%run_scoped3A : memref<!tpu.dma_semaphore, #tpu.memory_space<semaphore_mem>>)
          %dma_wait3A_93 = arith.constant 0 : i32
          %dma_wait3A_94 = tpu.memref_slice %arg3[%div3A_58, %dma_wait3A_93] : memref<26x16384xi32, #tpu.memory_space<hbm>> -> memref<1x16384xi32, #tpu.memory_space<hbm>>
          %dma_wait3A_95 = tpu.memref_squeeze %dma_wait3A_94 : memref<1x16384xi32, #tpu.memory_space<hbm>> -> memref<16384xi32, #tpu.memory_space<hbm>>
          %dma_wait3A_96 = arith.constant 0 : i32
          %dma_wait3A_97 = tpu.memref_slice %arg3[%div3A_58, %dma_wait3A_96] : memref<26x16384xi32, #tpu.memory_space<hbm>> -> memref<1x16384xi32, #tpu.memory_space<hbm>>
          %dma_wait3A_98 = tpu.memref_squeeze %dma_wait3A_97 : memref<1x16384xi32, #tpu.memory_space<hbm>> -> memref<16384xi32, #tpu.memory_space<hbm>>
          tpu.wait_dma2 semaphore(%run_scoped3A : memref<!tpu.dma_semaphore, #tpu.memory_space<semaphore_mem>>) src(%dma_wait3A_98 : memref<16384xi32, #tpu.memory_space<hbm>>) dst(%arg6 : memref<16384xi32, #tpu.memory_space<vmem>>)
          tpu.yield
        }) : () -> ()
      } else {
      }
      %div3A_63 = arith.constant 32 : i32
      %div3A_64 = arith.divsi %while3A_55, %div3A_63 : i32
      %rem3A_65 = arith.constant 32 : i32
      %rem3A_66 = arith.remsi %while3A_55, %rem3A_65 : i32
      %dma_wait3A_67 = arith.constant 0 : i32
      %dma_wait3A_68 = tpu.memref_slice %arg2[%div3A_64, %rem3A_66, %dma_wait3A_67] : memref<26x32x100000xf32, #tpu.memory_space<hbm>> -> memref<1x1x100000xf32, #tpu.memory_space<hbm>>
      %dma_wait3A_69 = tpu.memref_squeeze %dma_wait3A_68 : memref<1x1x100000xf32, #tpu.memory_space<hbm>> -> memref<100000xf32, #tpu.memory_space<hbm>>
      %dma_wait3A_70 = arith.constant 0 : i32
      %dma_wait3A_71 = tpu.memref_slice %arg2[%div3A_64, %rem3A_66, %dma_wait3A_70] : memref<26x32x100000xf32, #tpu.memory_space<hbm>> -> memref<1x1x100000xf32, #tpu.memory_space<hbm>>
      %dma_wait3A_72 = tpu.memref_squeeze %dma_wait3A_71 : memref<1x1x100000xf32, #tpu.memory_space<hbm>> -> memref<100000xf32, #tpu.memory_space<hbm>>
      tpu.wait_dma2 semaphore(%arg9 : memref<!tpu.dma_semaphore, #tpu.memory_space<semaphore_mem>>) src(%dma_wait3A_72 : memref<100000xf32, #tpu.memory_space<hbm>>) dst(%arg5 : memref<100000xf32, #tpu.memory_space<vmem>>)
      %scan3A = arith.constant 0 : i32
      %scan3A_73 = arith.constant 0 : i32
      %scan3A_74 = arith.constant 4 : i32
      %scan3A_75 = arith.addi %scan3A_73, %scan3A_74 : i32
      %scan3A_76 = arith.constant 1 : i32
      %scan3A_77 = scf.for %scan3A_87 = %scan3A_73 to %scan3A_75 step %scan3A_76 iter_args(%scan3A_88 = %scan3A) -> (i32)  : i32 {
        %rem3A_89 = arith.constant 2 : i32
        %rem3A_90 = arith.remsi %scan3A_87, %rem3A_89 : i32
        %sub3A = arith.subi %while3A_55, %add3A_4 : i32
        %mul3A_91 = arith.constant 4 : i32
        %mul3A_92 = arith.muli %sub3A, %mul3A_91 : i32
        %add3A_93 = arith.addi %mul3A_92, %scan3A_87 : i32
        %ge3A = arith.constant 2 : i32
        %ge3A_94 = arith.cmpi sge, %add3A_93, %ge3A : i32
        %convert_element_type3A_95 = arith.extui %ge3A_94 : i1 to i32
        %cond3A_96 = arith.constant 0 : i32
        %cond3A_97 = arith.cmpi ne, %convert_element_type3A_95, %cond3A_96 : i32
        scf.if %cond3A_97 {
          %dma_wait3A_122 = arith.constant 0 : i32
          %dma_wait3A_123 = arith.constant 0 : i32
          %dma_wait3A_124 = arith.constant 0 : i32
          %dma_wait3A_125 = tpu.memref_slice %arg7[%rem3A_90, %dma_wait3A_124] : memref<2x4096xf32, #tpu.memory_space<vmem>> -> memref<1x4096xf32, #tpu.memory_space<vmem>>
          %dma_wait3A_126 = tpu.memref_squeeze %dma_wait3A_125 : memref<1x4096xf32, #tpu.memory_space<vmem>> -> memref<4096xf32, #tpu.memory_space<vmem>>
          %dma_wait3A_127 = arith.constant 0 : i32
          %dma_wait3A_128 = tpu.memref_slice %arg4[%dma_wait3A_122, %dma_wait3A_123, %dma_wait3A_127] : memref<13x32x16384xf32, #tpu.memory_space<hbm>> -> memref<1x1x4096xf32, #tpu.memory_space<hbm>>
          %dma_wait3A_129 = tpu.memref_squeeze %dma_wait3A_128 : memref<1x1x4096xf32, #tpu.memory_space<hbm>> -> memref<4096xf32, #tpu.memory_space<hbm>>
          %dma_wait3A_130 = arith.constant 0 : i32
          %dma_wait3A_131 = tpu.memref_slice %arg4[%dma_wait3A_122, %dma_wait3A_123, %dma_wait3A_130] : memref<13x32x16384xf32, #tpu.memory_space<hbm>> -> memref<1x1x4096xf32, #tpu.memory_space<hbm>>
          %dma_wait3A_132 = tpu.memref_squeeze %dma_wait3A_131 : memref<1x1x4096xf32, #tpu.memory_space<hbm>> -> memref<4096xf32, #tpu.memory_space<hbm>>
          %dma_wait3A_133 = arith.constant 0 : i32
          %dma_wait3A_134 = tpu.memref_slice %arg7[%rem3A_90, %dma_wait3A_133] : memref<2x4096xf32, #tpu.memory_space<vmem>> -> memref<1x4096xf32, #tpu.memory_space<vmem>>
          %dma_wait3A_135 = tpu.memref_squeeze %dma_wait3A_134 : memref<1x4096xf32, #tpu.memory_space<vmem>> -> memref<4096xf32, #tpu.memory_space<vmem>>
          tpu.wait_dma2 semaphore(%arg8 : memref<!tpu.dma_semaphore, #tpu.memory_space<semaphore_mem>>) src(%dma_wait3A_135 : memref<4096xf32, #tpu.memory_space<vmem>>) dst(%dma_wait3A_132 : memref<4096xf32, #tpu.memory_space<hbm>>)
        } else {
        }
        %mul3A_98 = arith.constant 4096 : i32
        %mul3A_99 = arith.muli %scan3A_87, %mul3A_98 : i32
        %scan3A_100 = arith.constant 0 : i32
        %scan3A_101 = arith.constant 0 : i32
        %scan3A_102 = arith.constant 16 : i32
        %scan3A_103 = arith.addi %scan3A_101, %scan3A_102 : i32
        %scan3A_104 = arith.constant 1 : i32
        %scan3A_105 = scf.for %scan3A_122 = %scan3A_101 to %scan3A_103 step %scan3A_104 iter_args(%scan3A_123 = %scan3A_100) -> (i32)  : i32 {
          %mul3A_124 = arith.constant 256 : i32
          %mul3A_125 = arith.muli %scan3A_122, %mul3A_124 : i32
          %add3A_126 = arith.addi %mul3A_99, %mul3A_125 : i32
          %add3A_127 = arith.constant 0 : i32
          %add3A_128 = arith.addi %add3A_126, %add3A_127 : i32
          %get3A = arith.index_cast %add3A_128 : i32 to index
          %get3A_129 = tpu.vector_load %arg6[%get3A] {strides = array<i32>} : memref<16384xi32, #tpu.memory_space<vmem>>, vector<16xi32>,
          %mul3A_130 = arith.constant 256 : i32
          %mul3A_131 = arith.muli %scan3A_122, %mul3A_130 : i32
          %add3A_132 = arith.addi %mul3A_99, %mul3A_131 : i32
          %add3A_133 = arith.constant 16 : i32
          %add3A_134 = arith.addi %add3A_132, %add3A_133 : i32
          %get3A_135 = arith.index_cast %add3A_134 : i32 to index
          %get3A_136 = tpu.vector_load %arg6[%get3A_135] {strides = array<i32>} : memref<16384xi32, #tpu.memory_space<vmem>>, vector<16xi32>,
          %mul3A_137 = arith.constant 256 : i32
          %mul3A_138 = arith.muli %scan3A_122, %mul3A_137 : i32
          %add3A_139 = arith.addi %mul3A_99, %mul3A_138 : i32
          %add3A_140 = arith.constant 32 : i32
          %add3A_141 = arith.addi %add3A_139, %add3A_140 : i32
          %get3A_142 = arith.index_cast %add3A_141 : i32 to index
          %get3A_143 = tpu.vector_load %arg6[%get3A_142] {strides = array<i32>} : memref<16384xi32, #tpu.memory_space<vmem>>, vector<16xi32>,
          %mul3A_144 = arith.constant 256 : i32
          %mul3A_145 = arith.muli %scan3A_122, %mul3A_144 : i32
          %add3A_146 = arith.addi %mul3A_99, %mul3A_145 : i32
          %add3A_147 = arith.constant 48 : i32
          %add3A_148 = arith.addi %add3A_146, %add3A_147 : i32
          %get3A_149 = arith.index_cast %add3A_148 : i32 to index
          %get3A_150 = tpu.vector_load %arg6[%get3A_149] {strides = array<i32>} : memref<16384xi32, #tpu.memory_space<vmem>>, vector<16xi32>,
          %mul3A_151 = arith.constant 256 : i32
          %mul3A_152 = arith.muli %scan3A_122, %mul3A_151 : i32
          %add3A_153 = arith.addi %mul3A_99, %mul3A_152 : i32
          %add3A_154 = arith.constant 64 : i32
          %add3A_155 = arith.addi %add3A_153, %add3A_154 : i32
          %get3A_156 = arith.index_cast %add3A_155 : i32 to index
          %get3A_157 = tpu.vector_load %arg6[%get3A_156] {strides = array<i32>} : memref<16384xi32, #tpu.memory_space<vmem>>, vector<16xi32>,
          %mul3A_158 = arith.constant 256 : i32
          %mul3A_159 = arith.muli %scan3A_122, %mul3A_158 : i32
          %add3A_160 = arith.addi %mul3A_99, %mul3A_159 : i32
          %add3A_161 = arith.constant 80 : i32
          %add3A_162 = arith.addi %add3A_160, %add3A_161 : i32
          %get3A_163 = arith.index_cast %add3A_162 : i32 to index
          %get3A_164 = tpu.vector_load %arg6[%get3A_163] {strides = array<i32>} : memref<16384xi32, #tpu.memory_space<vmem>>, vector<16xi32>,
          %mul3A_165 = arith.constant 256 : i32
          %mul3A_166 = arith.muli %scan3A_122, %mul3A_165 : i32
          %add3A_167 = arith.addi %mul3A_99, %mul3A_166 : i32
          %add3A_168 = arith.constant 96 : i32
          %add3A_169 = arith.addi %add3A_167, %add3A_168 : i32
          %get3A_170 = arith.index_cast %add3A_169 : i32 to index
          %get3A_171 = tpu.vector_load %arg6[%get3A_170] {strides = array<i32>} : memref<16384xi32, #tpu.memory_space<vmem>>, vector<16xi32>,
          %mul3A_172 = arith.constant 256 : i32
          %mul3A_173 = arith.muli %scan3A_122, %mul3A_172 : i32
          %add3A_174 = arith.addi %mul3A_99, %mul3A_173 : i32
          %add3A_175 = arith.constant 112 : i32
          %add3A_176 = arith.addi %add3A_174, %add3A_175 : i32
          %get3A_177 = arith.index_cast %add3A_176 : i32 to index
          %get3A_178 = tpu.vector_load %arg6[%get3A_177] {strides = array<i32>} : memref<16384xi32, #tpu.memory_space<vmem>>, vector<16xi32>,
          %mul3A_179 = arith.constant 256 : i32
          %mul3A_180 = arith.muli %scan3A_122, %mul3A_179 : i32
          %add3A_181 = arith.addi %mul3A_99, %mul3A_180 : i32
          %add3A_182 = arith.constant 128 : i32
          %add3A_183 = arith.addi %add3A_181, %add3A_182 : i32
          %get3A_184 = arith.index_cast %add3A_183 : i32 to index
          %get3A_185 = tpu.vector_load %arg6[%get3A_184] {strides = array<i32>} : memref<16384xi32, #tpu.memory_space<vmem>>, vector<16xi32>,
          %mul3A_186 = arith.constant 256 : i32
          %mul3A_187 = arith.muli %scan3A_122, %mul3A_186 : i32
          %add3A_188 = arith.addi %mul3A_99, %mul3A_187 : i32
          %add3A_189 = arith.constant 144 : i32
          %add3A_190 = arith.addi %add3A_188, %add3A_189 : i32
          %get3A_191 = arith.index_cast %add3A_190 : i32 to index
          %get3A_192 = tpu.vector_load %arg6[%get3A_191] {strides = array<i32>} : memref<16384xi32, #tpu.memory_space<vmem>>, vector<16xi32>,
          %mul3A_193 = arith.constant 256 : i32
          %mul3A_194 = arith.muli %scan3A_122, %mul3A_193 : i32
          %add3A_195 = arith.addi %mul3A_99, %mul3A_194 : i32
          %add3A_196 = arith.constant 160 : i32
          %add3A_197 = arith.addi %add3A_195, %add3A_196 : i32
          %get3A_198 = arith.index_cast %add3A_197 : i32 to index
          %get3A_199 = tpu.vector_load %arg6[%get3A_198] {strides = array<i32>} : memref<16384xi32, #tpu.memory_space<vmem>>, vector<16xi32>,
          %mul3A_200 = arith.constant 256 : i32
          %mul3A_201 = arith.muli %scan3A_122, %mul3A_200 : i32
          %add3A_202 = arith.addi %mul3A_99, %mul3A_201 : i32
          %add3A_203 = arith.constant 176 : i32
          %add3A_204 = arith.addi %add3A_202, %add3A_203 : i32
          %get3A_205 = arith.index_cast %add3A_204 : i32 to index
          %get3A_206 = tpu.vector_load %arg6[%get3A_205] {strides = array<i32>} : memref<16384xi32, #tpu.memory_space<vmem>>, vector<16xi32>,
          %mul3A_207 = arith.constant 256 : i32
          %mul3A_208 = arith.muli %scan3A_122, %mul3A_207 : i32
          %add3A_209 = arith.addi %mul3A_99, %mul3A_208 : i32
          %add3A_210 = arith.constant 192 : i32
          %add3A_211 = arith.addi %add3A_209, %add3A_210 : i32
          %get3A_212 = arith.index_cast %add3A_211 : i32 to index
          %get3A_213 = tpu.vector_load %arg6[%get3A_212] {strides = array<i32>} : memref<16384xi32, #tpu.memory_space<vmem>>, vector<16xi32>,
          %mul3A_214 = arith.constant 256 : i32
          %mul3A_215 = arith.muli %scan3A_122, %mul3A_214 : i32
          %add3A_216 = arith.addi %mul3A_99, %mul3A_215 : i32
          %add3A_217 = arith.constant 208 : i32
          %add3A_218 = arith.addi %add3A_216, %add3A_217 : i32
          %get3A_219 = arith.index_cast %add3A_218 : i32 to index
          %get3A_220 = tpu.vector_load %arg6[%get3A_219] {strides = array<i32>} : memref<16384xi32, #tpu.memory_space<vmem>>, vector<16xi32>,
          %mul3A_221 = arith.constant 256 : i32
          %mul3A_222 = arith.muli %scan3A_122, %mul3A_221 : i32
          %add3A_223 = arith.addi %mul3A_99, %mul3A_222 : i32
          %add3A_224 = arith.constant 224 : i32
          %add3A_225 = arith.addi %add3A_223, %add3A_224 : i32
          %get3A_226 = arith.index_cast %add3A_225 : i32 to index
          %get3A_227 = tpu.vector_load %arg6[%get3A_226] {strides = array<i32>} : memref<16384xi32, #tpu.memory_space<vmem>>, vector<16xi32>,
          %mul3A_228 = arith.constant 256 : i32
          %mul3A_229 = arith.muli %scan3A_122, %mul3A_228 : i32
          %add3A_230 = arith.addi %mul3A_99, %mul3A_229 : i32
          %add3A_231 = arith.constant 240 : i32
          %add3A_232 = arith.addi %add3A_230, %add3A_231 : i32
          %get3A_233 = arith.index_cast %add3A_232 : i32 to index
          %get3A_234 = tpu.vector_load %arg6[%get3A_233] {strides = array<i32>} : memref<16384xi32, #tpu.memory_space<vmem>>, vector<16xi32>,
          %gather3A = tpu.vector_load_idx %arg5[%get3A_129] : memref<100000xf32, #tpu.memory_space<vmem>>[vector<16xi32>], vector<16xf32>,
          %gather3A_235 = tpu.vector_load_idx %arg5[%get3A_136] : memref<100000xf32, #tpu.memory_space<vmem>>[vector<16xi32>], vector<16xf32>,
          %gather3A_236 = tpu.vector_load_idx %arg5[%get3A_143] : memref<100000xf32, #tpu.memory_space<vmem>>[vector<16xi32>], vector<16xf32>,
          %gather3A_237 = tpu.vector_load_idx %arg5[%get3A_150] : memref<100000xf32, #tpu.memory_space<vmem>>[vector<16xi32>], vector<16xf32>,
          %gather3A_238 = tpu.vector_load_idx %arg5[%get3A_157] : memref<100000xf32, #tpu.memory_space<vmem>>[vector<16xi32>], vector<16xf32>,
          %gather3A_239 = tpu.vector_load_idx %arg5[%get3A_164] : memref<100000xf32, #tpu.memory_space<vmem>>[vector<16xi32>], vector<16xf32>,
          %gather3A_240 = tpu.vector_load_idx %arg5[%get3A_171] : memref<100000xf32, #tpu.memory_space<vmem>>[vector<16xi32>], vector<16xf32>,
          %gather3A_241 = tpu.vector_load_idx %arg5[%get3A_178] : memref<100000xf32, #tpu.memory_space<vmem>>[vector<16xi32>], vector<16xf32>,
          %gather3A_242 = tpu.vector_load_idx %arg5[%get3A_185] : memref<100000xf32, #tpu.memory_space<vmem>>[vector<16xi32>], vector<16xf32>,
          %gather3A_243 = tpu.vector_load_idx %arg5[%get3A_192] : memref<100000xf32, #tpu.memory_space<vmem>>[vector<16xi32>], vector<16xf32>,
          %gather3A_244 = tpu.vector_load_idx %arg5[%get3A_199] : memref<100000xf32, #tpu.memory_space<vmem>>[vector<16xi32>], vector<16xf32>,
          %gather3A_245 = tpu.vector_load_idx %arg5[%get3A_206] : memref<100000xf32, #tpu.memory_space<vmem>>[vector<16xi32>], vector<16xf32>,
          %gather3A_246 = tpu.vector_load_idx %arg5[%get3A_213] : memref<100000xf32, #tpu.memory_space<vmem>>[vector<16xi32>], vector<16xf32>,
          %gather3A_247 = tpu.vector_load_idx %arg5[%get3A_220] : memref<100000xf32, #tpu.memory_space<vmem>>[vector<16xi32>], vector<16xf32>,
          %gather3A_248 = tpu.vector_load_idx %arg5[%get3A_227] : memref<100000xf32, #tpu.memory_space<vmem>>[vector<16xi32>], vector<16xf32>,
          %gather3A_249 = tpu.vector_load_idx %arg5[%get3A_234] : memref<100000xf32, #tpu.memory_space<vmem>>[vector<16xi32>], vector<16xf32>,
          %mul3A_250 = arith.constant 256 : i32
          %mul3A_251 = arith.muli %scan3A_122, %mul3A_250 : i32
          %add3A_252 = arith.constant 0 : i32
          %add3A_253 = arith.addi %mul3A_251, %add3A_252 : i32
          %swap3A = arith.index_cast %rem3A_90 : i32 to index
          %swap3A_254 = arith.index_cast %add3A_253 : i32 to index
          %swap3A_255 = tpu.vector_load %arg7[%swap3A, %swap3A_254] {strides = array<i32>} : memref<2x4096xf32, #tpu.memory_space<vmem>>, vector<16xf32>,
          tpu.vector_store %arg7[%swap3A, %swap3A_254], %gather3A {strides = array<i32>} : memref<2x4096xf32, #tpu.memory_space<vmem>>, vector<16xf32>,
          %mul3A_256 = arith.constant 256 : i32
          %mul3A_257 = arith.muli %scan3A_122, %mul3A_256 : i32
          %add3A_258 = arith.constant 16 : i32
          %add3A_259 = arith.addi %mul3A_257, %add3A_258 : i32
          %swap3A_260 = arith.index_cast %rem3A_90 : i32 to index
          %swap3A_261 = arith.index_cast %add3A_259 : i32 to index
          %swap3A_262 = tpu.vector_load %arg7[%swap3A_260, %swap3A_261] {strides = array<i32>} : memref<2x4096xf32, #tpu.memory_space<vmem>>, vector<16xf32>,
          tpu.vector_store %arg7[%swap3A_260, %swap3A_261], %gather3A_235 {strides = array<i32>} : memref<2x4096xf32, #tpu.memory_space<vmem>>, vector<16xf32>,
          %mul3A_263 = arith.constant 256 : i32
          %mul3A_264 = arith.muli %scan3A_122, %mul3A_263 : i32
          %add3A_265 = arith.constant 32 : i32
          %add3A_266 = arith.addi %mul3A_264, %add3A_265 : i32
          %swap3A_267 = arith.index_cast %rem3A_90 : i32 to index
          %swap3A_268 = arith.index_cast %add3A_266 : i32 to index
          %swap3A_269 = tpu.vector_load %arg7[%swap3A_267, %swap3A_268] {strides = array<i32>} : memref<2x4096xf32, #tpu.memory_space<vmem>>, vector<16xf32>,
          tpu.vector_store %arg7[%swap3A_267, %swap3A_268], %gather3A_236 {strides = array<i32>} : memref<2x4096xf32, #tpu.memory_space<vmem>>, vector<16xf32>,
          %mul3A_270 = arith.constant 256 : i32
          %mul3A_271 = arith.muli %scan3A_122, %mul3A_270 : i32
          %add3A_272 = arith.constant 48 : i32
          %add3A_273 = arith.addi %mul3A_271, %add3A_272 : i32
          %swap3A_274 = arith.index_cast %rem3A_90 : i32 to index
          %swap3A_275 = arith.index_cast %add3A_273 : i32 to index
          %swap3A_276 = tpu.vector_load %arg7[%swap3A_274, %swap3A_275] {strides = array<i32>} : memref<2x4096xf32, #tpu.memory_space<vmem>>, vector<16xf32>,
          tpu.vector_store %arg7[%swap3A_274, %swap3A_275], %gather3A_237 {strides = array<i32>} : memref<2x4096xf32, #tpu.memory_space<vmem>>, vector<16xf32>,
          %mul3A_277 = arith.constant 256 : i32
          %mul3A_278 = arith.muli %scan3A_122, %mul3A_277 : i32
          %add3A_279 = arith.constant 64 : i32
          %add3A_280 = arith.addi %mul3A_278, %add3A_279 : i32
          %swap3A_281 = arith.index_cast %rem3A_90 : i32 to index
          %swap3A_282 = arith.index_cast %add3A_280 : i32 to index
          %swap3A_283 = tpu.vector_load %arg7[%swap3A_281, %swap3A_282] {strides = array<i32>} : memref<2x4096xf32, #tpu.memory_space<vmem>>, vector<16xf32>,
          tpu.vector_store %arg7[%swap3A_281, %swap3A_282], %gather3A_238 {strides = array<i32>} : memref<2x4096xf32, #tpu.memory_space<vmem>>, vector<16xf32>,
          %mul3A_284 = arith.constant 256 : i32
          %mul3A_285 = arith.muli %scan3A_122, %mul3A_284 : i32
          %add3A_286 = arith.constant 80 : i32
          %add3A_287 = arith.addi %mul3A_285, %add3A_286 : i32
          %swap3A_288 = arith.index_cast %rem3A_90 : i32 to index
          %swap3A_289 = arith.index_cast %add3A_287 : i32 to index
          %swap3A_290 = tpu.vector_load %arg7[%swap3A_288, %swap3A_289] {strides = array<i32>} : memref<2x4096xf32, #tpu.memory_space<vmem>>, vector<16xf32>,
          tpu.vector_store %arg7[%swap3A_288, %swap3A_289], %gather3A_239 {strides = array<i32>} : memref<2x4096xf32, #tpu.memory_space<vmem>>, vector<16xf32>,
          %mul3A_291 = arith.constant 256 : i32
          %mul3A_292 = arith.muli %scan3A_122, %mul3A_291 : i32
          %add3A_293 = arith.constant 96 : i32
          %add3A_294 = arith.addi %mul3A_292, %add3A_293 : i32
          %swap3A_295 = arith.index_cast %rem3A_90 : i32 to index
          %swap3A_296 = arith.index_cast %add3A_294 : i32 to index
          %swap3A_297 = tpu.vector_load %arg7[%swap3A_295, %swap3A_296] {strides = array<i32>} : memref<2x4096xf32, #tpu.memory_space<vmem>>, vector<16xf32>,
          tpu.vector_store %arg7[%swap3A_295, %swap3A_296], %gather3A_240 {strides = array<i32>} : memref<2x4096xf32, #tpu.memory_space<vmem>>, vector<16xf32>,
          %mul3A_298 = arith.constant 256 : i32
          %mul3A_299 = arith.muli %scan3A_122, %mul3A_298 : i32
          %add3A_300 = arith.constant 112 : i32
          %add3A_301 = arith.addi %mul3A_299, %add3A_300 : i32
          %swap3A_302 = arith.index_cast %rem3A_90 : i32 to index
          %swap3A_303 = arith.index_cast %add3A_301 : i32 to index
          %swap3A_304 = tpu.vector_load %arg7[%swap3A_302, %swap3A_303] {strides = array<i32>} : memref<2x4096xf32, #tpu.memory_space<vmem>>, vector<16xf32>,
          tpu.vector_store %arg7[%swap3A_302, %swap3A_303], %gather3A_241 {strides = array<i32>} : memref<2x4096xf32, #tpu.memory_space<vmem>>, vector<16xf32>,
          %mul3A_305 = arith.constant 256 : i32
          %mul3A_306 = arith.muli %scan3A_122, %mul3A_305 : i32
          %add3A_307 = arith.constant 128 : i32
          %add3A_308 = arith.addi %mul3A_306, %add3A_307 : i32
          %swap3A_309 = arith.index_cast %rem3A_90 : i32 to index
          %swap3A_310 = arith.index_cast %add3A_308 : i32 to index
          %swap3A_311 = tpu.vector_load %arg7[%swap3A_309, %swap3A_310] {strides = array<i32>} : memref<2x4096xf32, #tpu.memory_space<vmem>>, vector<16xf32>,
          tpu.vector_store %arg7[%swap3A_309, %swap3A_310], %gather3A_242 {strides = array<i32>} : memref<2x4096xf32, #tpu.memory_space<vmem>>, vector<16xf32>,
          %mul3A_312 = arith.constant 256 : i32
          %mul3A_313 = arith.muli %scan3A_122, %mul3A_312 : i32
          %add3A_314 = arith.constant 144 : i32
          %add3A_315 = arith.addi %mul3A_313, %add3A_314 : i32
          %swap3A_316 = arith.index_cast %rem3A_90 : i32 to index
          %swap3A_317 = arith.index_cast %add3A_315 : i32 to index
          %swap3A_318 = tpu.vector_load %arg7[%swap3A_316, %swap3A_317] {strides = array<i32>} : memref<2x4096xf32, #tpu.memory_space<vmem>>, vector<16xf32>,
          tpu.vector_store %arg7[%swap3A_316, %swap3A_317], %gather3A_243 {strides = array<i32>} : memref<2x4096xf32, #tpu.memory_space<vmem>>, vector<16xf32>,
          %mul3A_319 = arith.constant 256 : i32
          %mul3A_320 = arith.muli %scan3A_122, %mul3A_319 : i32
          %add3A_321 = arith.constant 160 : i32
          %add3A_322 = arith.addi %mul3A_320, %add3A_321 : i32
          %swap3A_323 = arith.index_cast %rem3A_90 : i32 to index
          %swap3A_324 = arith.index_cast %add3A_322 : i32 to index
          %swap3A_325 = tpu.vector_load %arg7[%swap3A_323, %swap3A_324] {strides = array<i32>} : memref<2x4096xf32, #tpu.memory_space<vmem>>, vector<16xf32>,
          tpu.vector_store %arg7[%swap3A_323, %swap3A_324], %gather3A_244 {strides = array<i32>} : memref<2x4096xf32, #tpu.memory_space<vmem>>, vector<16xf32>,
          %mul3A_326 = arith.constant 256 : i32
          %mul3A_327 = arith.muli %scan3A_122, %mul3A_326 : i32
          %add3A_328 = arith.constant 176 : i32
          %add3A_329 = arith.addi %mul3A_327, %add3A_328 : i32
          %swap3A_330 = arith.index_cast %rem3A_90 : i32 to index
          %swap3A_331 = arith.index_cast %add3A_329 : i32 to index
          %swap3A_332 = tpu.vector_load %arg7[%swap3A_330, %swap3A_331] {strides = array<i32>} : memref<2x4096xf32, #tpu.memory_space<vmem>>, vector<16xf32>,
          tpu.vector_store %arg7[%swap3A_330, %swap3A_331], %gather3A_245 {strides = array<i32>} : memref<2x4096xf32, #tpu.memory_space<vmem>>, vector<16xf32>,
          %mul3A_333 = arith.constant 256 : i32
          %mul3A_334 = arith.muli %scan3A_122, %mul3A_333 : i32
          %add3A_335 = arith.constant 192 : i32
          %add3A_336 = arith.addi %mul3A_334, %add3A_335 : i32
          %swap3A_337 = arith.index_cast %rem3A_90 : i32 to index
          %swap3A_338 = arith.index_cast %add3A_336 : i32 to index
          %swap3A_339 = tpu.vector_load %arg7[%swap3A_337, %swap3A_338] {strides = array<i32>} : memref<2x4096xf32, #tpu.memory_space<vmem>>, vector<16xf32>,
          tpu.vector_store %arg7[%swap3A_337, %swap3A_338], %gather3A_246 {strides = array<i32>} : memref<2x4096xf32, #tpu.memory_space<vmem>>, vector<16xf32>,
          %mul3A_340 = arith.constant 256 : i32
          %mul3A_341 = arith.muli %scan3A_122, %mul3A_340 : i32
          %add3A_342 = arith.constant 208 : i32
          %add3A_343 = arith.addi %mul3A_341, %add3A_342 : i32
          %swap3A_344 = arith.index_cast %rem3A_90 : i32 to index
          %swap3A_345 = arith.index_cast %add3A_343 : i32 to index
          %swap3A_346 = tpu.vector_load %arg7[%swap3A_344, %swap3A_345] {strides = array<i32>} : memref<2x4096xf32, #tpu.memory_space<vmem>>, vector<16xf32>,
          tpu.vector_store %arg7[%swap3A_344, %swap3A_345], %gather3A_247 {strides = array<i32>} : memref<2x4096xf32, #tpu.memory_space<vmem>>, vector<16xf32>,
          %mul3A_347 = arith.constant 256 : i32
          %mul3A_348 = arith.muli %scan3A_122, %mul3A_347 : i32
          %add3A_349 = arith.constant 224 : i32
          %add3A_350 = arith.addi %mul3A_348, %add3A_349 : i32
          %swap3A_351 = arith.index_cast %rem3A_90 : i32 to index
          %swap3A_352 = arith.index_cast %add3A_350 : i32 to index
          %swap3A_353 = tpu.vector_load %arg7[%swap3A_351, %swap3A_352] {strides = array<i32>} : memref<2x4096xf32, #tpu.memory_space<vmem>>, vector<16xf32>,
          tpu.vector_store %arg7[%swap3A_351, %swap3A_352], %gather3A_248 {strides = array<i32>} : memref<2x4096xf32, #tpu.memory_space<vmem>>, vector<16xf32>,
          %mul3A_354 = arith.constant 256 : i32
          %mul3A_355 = arith.muli %scan3A_122, %mul3A_354 : i32
          %add3A_356 = arith.constant 240 : i32
          %add3A_357 = arith.addi %mul3A_355, %add3A_356 : i32
          %swap3A_358 = arith.index_cast %rem3A_90 : i32 to index
          %swap3A_359 = arith.index_cast %add3A_357 : i32 to index
          %swap3A_360 = tpu.vector_load %arg7[%swap3A_358, %swap3A_359] {strides = array<i32>} : memref<2x4096xf32, #tpu.memory_space<vmem>>, vector<16xf32>,
          tpu.vector_store %arg7[%swap3A_358, %swap3A_359], %gather3A_249 {strides = array<i32>} : memref<2x4096xf32, #tpu.memory_space<vmem>>, vector<16xf32>,
          %scan3A_361 = arith.constant 0 : i32
          scf.yield %scan3A_361 : i32
        }
        %scan3A_106 = arith.constant 16 : i32
        %sub3A_107 = arith.constant 13 : i32
        %sub3A_108 = arith.subi %div3A_58, %sub3A_107 : i32
        %mul3A_109 = arith.constant 4096 : i32
        %mul3A_110 = arith.muli %scan3A_87, %mul3A_109 : i32
        %dma_start3A_111 = arith.constant 0 : i32
        %dma_start3A_112 = tpu.memref_slice %arg7[%rem3A_90, %dma_start3A_111] : memref<2x4096xf32, #tpu.memory_space<vmem>> -> memref<1x4096xf32, #tpu.memory_space<vmem>>
        %dma_start3A_113 = tpu.memref_squeeze %dma_start3A_112 : memref<1x4096xf32, #tpu.memory_space<vmem>> -> memref<4096xf32, #tpu.memory_space<vmem>>
        %dma_start3A_114 = tpu.memref_slice %arg4[%sub3A_108, %rem3A_60, %mul3A_110] : memref<13x32x16384xf32, #tpu.memory_space<hbm>> -> memref<1x1x4096xf32, #tpu.memory_space<hbm>>
        %dma_start3A_115 = tpu.memref_squeeze %dma_start3A_114 : memref<1x1x4096xf32, #tpu.memory_space<hbm>> -> memref<4096xf32, #tpu.memory_space<hbm>>
        %dma_start3A_116 = tpu.memref_slice %arg4[%sub3A_108, %rem3A_60, %mul3A_110] : memref<13x32x16384xf32, #tpu.memory_space<hbm>> -> memref<1x1x4096xf32, #tpu.memory_space<hbm>>
        %dma_start3A_117 = tpu.memref_squeeze %dma_start3A_116 : memref<1x1x4096xf32, #tpu.memory_space<hbm>> -> memref<4096xf32, #tpu.memory_space<hbm>>
        %dma_start3A_118 = arith.constant 0 : i32
        %dma_start3A_119 = tpu.memref_slice %arg7[%rem3A_90, %dma_start3A_118] : memref<2x4096xf32, #tpu.memory_space<vmem>> -> memref<1x4096xf32, #tpu.memory_space<vmem>>
        %dma_start3A_120 = tpu.memref_squeeze %dma_start3A_119 : memref<1x4096xf32, #tpu.memory_space<vmem>> -> memref<4096xf32, #tpu.memory_space<vmem>>
        tpu.enqueue_dma source(%dma_start3A_120 : memref<4096xf32, #tpu.memory_space<vmem>>) target(%dma_start3A_117 : memref<4096xf32, #tpu.memory_space<hbm>>) target_semaphore(%arg8 : memref<!tpu.dma_semaphore, #tpu.memory_space<semaphore_mem>>)
        %scan3A_121 = arith.constant 0 : i32
        scf.yield %scan3A_121 : i32
      }
      %scan3A_78 = arith.constant 4 : i32
      %add3A_79 = arith.constant 1 : i32
      %add3A_80 = arith.addi %while3A_55, %add3A_79 : i32
      %add3A_81 = arith.constant 13 : i32
      %add3A_82 = arith.addi %add3A_4, %add3A_81 : i32
      %lt3A = arith.cmpi slt, %add3A_80, %add3A_82 : i32
      %convert_element_type3A_83 = arith.extui %lt3A : i1 to i32
      %cond3A_84 = arith.constant 0 : i32
      %cond3A_85 = arith.cmpi ne, %convert_element_type3A_83, %cond3A_84 : i32
      scf.if %cond3A_85 {
        %add3A_87 = arith.constant 1 : i32
        %add3A_88 = arith.addi %while3A_55, %add3A_87 : i32
        %div3A_89 = arith.constant 32 : i32
        %div3A_90 = arith.divsi %add3A_88, %div3A_89 : i32
        %rem3A_91 = arith.constant 32 : i32
        %rem3A_92 = arith.remsi %add3A_88, %rem3A_91 : i32
        %dma_start3A_93 = arith.constant 0 : i32
        %dma_start3A_94 = tpu.memref_slice %arg2[%div3A_90, %rem3A_92, %dma_start3A_93] : memref<26x32x100000xf32, #tpu.memory_space<hbm>> -> memref<1x1x100000xf32, #tpu.memory_space<hbm>>
        %dma_start3A_95 = tpu.memref_squeeze %dma_start3A_94 : memref<1x1x100000xf32, #tpu.memory_space<hbm>> -> memref<100000xf32, #tpu.memory_space<hbm>>
        %dma_start3A_96 = arith.constant 0 : i32
        %dma_start3A_97 = tpu.memref_slice %arg2[%div3A_90, %rem3A_92, %dma_start3A_96] : memref<26x32x100000xf32, #tpu.memory_space<hbm>> -> memref<1x1x100000xf32, #tpu.memory_space<hbm>>
        %dma_start3A_98 = tpu.memref_squeeze %dma_start3A_97 : memref<1x1x100000xf32, #tpu.memory_space<hbm>> -> memref<100000xf32, #tpu.memory_space<hbm>>
        tpu.enqueue_dma source(%dma_start3A_98 : memref<100000xf32, #tpu.memory_space<hbm>>) target(%arg5 : memref<100000xf32, #tpu.memory_space<vmem>>) target_semaphore(%arg9 : memref<!tpu.dma_semaphore, #tpu.memory_space<semaphore_mem>>)
      } else {
      }
      %while3A_86 = arith.constant 0 : i32
      scf.yield %while3A_86 : i32
    }
    %while3A_24 = arith.constant 1 : i32
    %while3A_25 = scf.for %while3A_55 = %while3A_21 to %while3A_17 step %while3A_24 iter_args(%while3A_56 = %while3A_23) -> (i32)  : i32 {
      %div3A_57 = arith.constant 32 : i32
      %div3A_58 = arith.divsi %while3A_55, %div3A_57 : i32
      %rem3A_59 = arith.constant 32 : i32
      %rem3A_60 = arith.remsi %while3A_55, %rem3A_59 : i32
      %eq3A = arith.constant 0 : i32
      %eq3A_61 = arith.cmpi eq, %rem3A_60, %eq3A : i32
      %gt3A = arith.cmpi sgt, %while3A_55, %add3A_4 : i32
      %and3A = arith.andi %eq3A_61, %gt3A : i1
      %convert_element_type3A = arith.extui %and3A : i1 to i32
      %cond3A = arith.constant 0 : i32
      %cond3A_62 = arith.cmpi ne, %convert_element_type3A, %cond3A : i32
      scf.if %cond3A_62 {
        "tpu.region"() ({
          %run_scoped3A = tpu.sem_alloc : memref<!tpu.dma_semaphore, #tpu.memory_space<semaphore_mem>>
          %dma_start3A_87 = arith.constant 0 : i32
          %dma_start3A_88 = tpu.memref_slice %arg3[%div3A_58, %dma_start3A_87] : memref<26x16384xi32, #tpu.memory_space<hbm>> -> memref<1x16384xi32, #tpu.memory_space<hbm>>
          %dma_start3A_89 = tpu.memref_squeeze %dma_start3A_88 : memref<1x16384xi32, #tpu.memory_space<hbm>> -> memref<16384xi32, #tpu.memory_space<hbm>>
          %dma_start3A_90 = arith.constant 0 : i32
          %dma_start3A_91 = tpu.memref_slice %arg3[%div3A_58, %dma_start3A_90] : memref<26x16384xi32, #tpu.memory_space<hbm>> -> memref<1x16384xi32, #tpu.memory_space<hbm>>
          %dma_start3A_92 = tpu.memref_squeeze %dma_start3A_91 : memref<1x16384xi32, #tpu.memory_space<hbm>> -> memref<16384xi32, #tpu.memory_space<hbm>>
          tpu.enqueue_dma source(%dma_start3A_92 : memref<16384xi32, #tpu.memory_space<hbm>>) target(%arg6 : memref<16384xi32, #tpu.memory_space<vmem>>) target_semaphore(%run_scoped3A : memref<!tpu.dma_semaphore, #tpu.memory_space<semaphore_mem>>)
          %dma_wait3A_93 = arith.constant 0 : i32
          %dma_wait3A_94 = tpu.memref_slice %arg3[%div3A_58, %dma_wait3A_93] : memref<26x16384xi32, #tpu.memory_space<hbm>> -> memref<1x16384xi32, #tpu.memory_space<hbm>>
          %dma_wait3A_95 = tpu.memref_squeeze %dma_wait3A_94 : memref<1x16384xi32, #tpu.memory_space<hbm>> -> memref<16384xi32, #tpu.memory_space<hbm>>
          %dma_wait3A_96 = arith.constant 0 : i32
          %dma_wait3A_97 = tpu.memref_slice %arg3[%div3A_58, %dma_wait3A_96] : memref<26x16384xi32, #tpu.memory_space<hbm>> -> memref<1x16384xi32, #tpu.memory_space<hbm>>
          %dma_wait3A_98 = tpu.memref_squeeze %dma_wait3A_97 : memref<1x16384xi32, #tpu.memory_space<hbm>> -> memref<16384xi32, #tpu.memory_space<hbm>>
          tpu.wait_dma2 semaphore(%run_scoped3A : memref<!tpu.dma_semaphore, #tpu.memory_space<semaphore_mem>>) src(%dma_wait3A_98 : memref<16384xi32, #tpu.memory_space<hbm>>) dst(%arg6 : memref<16384xi32, #tpu.memory_space<vmem>>)
          tpu.yield
        }) : () -> ()
      } else {
      }
      %div3A_63 = arith.constant 32 : i32
      %div3A_64 = arith.divsi %while3A_55, %div3A_63 : i32
      %rem3A_65 = arith.constant 32 : i32
      %rem3A_66 = arith.remsi %while3A_55, %rem3A_65 : i32
      %dma_wait3A_67 = arith.constant 0 : i32
      %dma_wait3A_68 = tpu.memref_slice %arg2[%div3A_64, %rem3A_66, %dma_wait3A_67] : memref<26x32x100000xf32, #tpu.memory_space<hbm>> -> memref<1x1x100000xf32, #tpu.memory_space<hbm>>
      %dma_wait3A_69 = tpu.memref_squeeze %dma_wait3A_68 : memref<1x1x100000xf32, #tpu.memory_space<hbm>> -> memref<100000xf32, #tpu.memory_space<hbm>>
      %dma_wait3A_70 = arith.constant 0 : i32
      %dma_wait3A_71 = tpu.memref_slice %arg2[%div3A_64, %rem3A_66, %dma_wait3A_70] : memref<26x32x100000xf32, #tpu.memory_space<hbm>> -> memref<1x1x100000xf32, #tpu.memory_space<hbm>>
      %dma_wait3A_72 = tpu.memref_squeeze %dma_wait3A_71 : memref<1x1x100000xf32, #tpu.memory_space<hbm>> -> memref<100000xf32, #tpu.memory_space<hbm>>
      tpu.wait_dma2 semaphore(%arg9 : memref<!tpu.dma_semaphore, #tpu.memory_space<semaphore_mem>>) src(%dma_wait3A_72 : memref<100000xf32, #tpu.memory_space<hbm>>) dst(%arg5 : memref<100000xf32, #tpu.memory_space<vmem>>)
      %scan3A = arith.constant 0 : i32
      %scan3A_73 = arith.constant 0 : i32
      %scan3A_74 = arith.constant 4 : i32
      %scan3A_75 = arith.addi %scan3A_73, %scan3A_74 : i32
      %scan3A_76 = arith.constant 1 : i32
      %scan3A_77 = scf.for %scan3A_87 = %scan3A_73 to %scan3A_75 step %scan3A_76 iter_args(%scan3A_88 = %scan3A) -> (i32)  : i32 {
        %rem3A_89 = arith.constant 2 : i32
        %rem3A_90 = arith.remsi %scan3A_87, %rem3A_89 : i32
        %sub3A = arith.subi %while3A_55, %add3A_4 : i32
        %mul3A_91 = arith.constant 4 : i32
        %mul3A_92 = arith.muli %sub3A, %mul3A_91 : i32
        %add3A_93 = arith.addi %mul3A_92, %scan3A_87 : i32
        %ge3A = arith.constant 2 : i32
        %ge3A_94 = arith.cmpi sge, %add3A_93, %ge3A : i32
        %convert_element_type3A_95 = arith.extui %ge3A_94 : i1 to i32
        %cond3A_96 = arith.constant 0 : i32
        %cond3A_97 = arith.cmpi ne, %convert_element_type3A_95, %cond3A_96 : i32
        scf.if %cond3A_97 {
          %dma_wait3A_122 = arith.constant 0 : i32
          %dma_wait3A_123 = arith.constant 0 : i32
          %dma_wait3A_124 = arith.constant 0 : i32
          %dma_wait3A_125 = tpu.memref_slice %arg7[%rem3A_90, %dma_wait3A_124] : memref<2x4096xf32, #tpu.memory_space<vmem>> -> memref<1x4096xf32, #tpu.memory_space<vmem>>
          %dma_wait3A_126 = tpu.memref_squeeze %dma_wait3A_125 : memref<1x4096xf32, #tpu.memory_space<vmem>> -> memref<4096xf32, #tpu.memory_space<vmem>>
          %dma_wait3A_127 = arith.constant 0 : i32
          %dma_wait3A_128 = tpu.memref_slice %arg4[%dma_wait3A_122, %dma_wait3A_123, %dma_wait3A_127] : memref<13x32x16384xf32, #tpu.memory_space<hbm>> -> memref<1x1x4096xf32, #tpu.memory_space<hbm>>
          %dma_wait3A_129 = tpu.memref_squeeze %dma_wait3A_128 : memref<1x1x4096xf32, #tpu.memory_space<hbm>> -> memref<4096xf32, #tpu.memory_space<hbm>>
          %dma_wait3A_130 = arith.constant 0 : i32
          %dma_wait3A_131 = tpu.memref_slice %arg4[%dma_wait3A_122, %dma_wait3A_123, %dma_wait3A_130] : memref<13x32x16384xf32, #tpu.memory_space<hbm>> -> memref<1x1x4096xf32, #tpu.memory_space<hbm>>
          %dma_wait3A_132 = tpu.memref_squeeze %dma_wait3A_131 : memref<1x1x4096xf32, #tpu.memory_space<hbm>> -> memref<4096xf32, #tpu.memory_space<hbm>>
          %dma_wait3A_133 = arith.constant 0 : i32
          %dma_wait3A_134 = tpu.memref_slice %arg7[%rem3A_90, %dma_wait3A_133] : memref<2x4096xf32, #tpu.memory_space<vmem>> -> memref<1x4096xf32, #tpu.memory_space<vmem>>
          %dma_wait3A_135 = tpu.memref_squeeze %dma_wait3A_134 : memref<1x4096xf32, #tpu.memory_space<vmem>> -> memref<4096xf32, #tpu.memory_space<vmem>>
          tpu.wait_dma2 semaphore(%arg8 : memref<!tpu.dma_semaphore, #tpu.memory_space<semaphore_mem>>) src(%dma_wait3A_135 : memref<4096xf32, #tpu.memory_space<vmem>>) dst(%dma_wait3A_132 : memref<4096xf32, #tpu.memory_space<hbm>>)
        } else {
        }
        %mul3A_98 = arith.constant 4096 : i32
        %mul3A_99 = arith.muli %scan3A_87, %mul3A_98 : i32
        %scan3A_100 = arith.constant 0 : i32
        %scan3A_101 = arith.constant 0 : i32
        %scan3A_102 = arith.constant 16 : i32
        %scan3A_103 = arith.addi %scan3A_101, %scan3A_102 : i32
        %scan3A_104 = arith.constant 1 : i32
        %scan3A_105 = scf.for %scan3A_122 = %scan3A_101 to %scan3A_103 step %scan3A_104 iter_args(%scan3A_123 = %scan3A_100) -> (i32)  : i32 {
          %mul3A_124 = arith.constant 256 : i32
          %mul3A_125 = arith.muli %scan3A_122, %mul3A_124 : i32
          %add3A_126 = arith.addi %mul3A_99, %mul3A_125 : i32
          %add3A_127 = arith.constant 0 : i32
          %add3A_128 = arith.addi %add3A_126, %add3A_127 : i32
          %get3A = arith.index_cast %add3A_128 : i32 to index
          %get3A_129 = tpu.vector_load %arg6[%get3A] {strides = array<i32>} : memref<16384xi32, #tpu.memory_space<vmem>>, vector<16xi32>,
          %mul3A_130 = arith.constant 256 : i32
          %mul3A_131 = arith.muli %scan3A_122, %mul3A_130 : i32
          %add3A_132 = arith.addi %mul3A_99, %mul3A_131 : i32
          %add3A_133 = arith.constant 16 : i32
          %add3A_134 = arith.addi %add3A_132, %add3A_133 : i32
          %get3A_135 = arith.index_cast %add3A_134 : i32 to index
          %get3A_136 = tpu.vector_load %arg6[%get3A_135] {strides = array<i32>} : memref<16384xi32, #tpu.memory_space<vmem>>, vector<16xi32>,
          %mul3A_137 = arith.constant 256 : i32
          %mul3A_138 = arith.muli %scan3A_122, %mul3A_137 : i32
          %add3A_139 = arith.addi %mul3A_99, %mul3A_138 : i32
          %add3A_140 = arith.constant 32 : i32
          %add3A_141 = arith.addi %add3A_139, %add3A_140 : i32
          %get3A_142 = arith.index_cast %add3A_141 : i32 to index
          %get3A_143 = tpu.vector_load %arg6[%get3A_142] {strides = array<i32>} : memref<16384xi32, #tpu.memory_space<vmem>>, vector<16xi32>,
          %mul3A_144 = arith.constant 256 : i32
          %mul3A_145 = arith.muli %scan3A_122, %mul3A_144 : i32
          %add3A_146 = arith.addi %mul3A_99, %mul3A_145 : i32
          %add3A_147 = arith.constant 48 : i32
          %add3A_148 = arith.addi %add3A_146, %add3A_147 : i32
          %get3A_149 = arith.index_cast %add3A_148 : i32 to index
          %get3A_150 = tpu.vector_load %arg6[%get3A_149] {strides = array<i32>} : memref<16384xi32, #tpu.memory_space<vmem>>, vector<16xi32>,
          %mul3A_151 = arith.constant 256 : i32
          %mul3A_152 = arith.muli %scan3A_122, %mul3A_151 : i32
          %add3A_153 = arith.addi %mul3A_99, %mul3A_152 : i32
          %add3A_154 = arith.constant 64 : i32
          %add3A_155 = arith.addi %add3A_153, %add3A_154 : i32
          %get3A_156 = arith.index_cast %add3A_155 : i32 to index
          %get3A_157 = tpu.vector_load %arg6[%get3A_156] {strides = array<i32>} : memref<16384xi32, #tpu.memory_space<vmem>>, vector<16xi32>,
          %mul3A_158 = arith.constant 256 : i32
          %mul3A_159 = arith.muli %scan3A_122, %mul3A_158 : i32
          %add3A_160 = arith.addi %mul3A_99, %mul3A_159 : i32
          %add3A_161 = arith.constant 80 : i32
          %add3A_162 = arith.addi %add3A_160, %add3A_161 : i32
          %get3A_163 = arith.index_cast %add3A_162 : i32 to index
          %get3A_164 = tpu.vector_load %arg6[%get3A_163] {strides = array<i32>} : memref<16384xi32, #tpu.memory_space<vmem>>, vector<16xi32>,
          %mul3A_165 = arith.constant 256 : i32
          %mul3A_166 = arith.muli %scan3A_122, %mul3A_165 : i32
          %add3A_167 = arith.addi %mul3A_99, %mul3A_166 : i32
          %add3A_168 = arith.constant 96 : i32
          %add3A_169 = arith.addi %add3A_167, %add3A_168 : i32
          %get3A_170 = arith.index_cast %add3A_169 : i32 to index
          %get3A_171 = tpu.vector_load %arg6[%get3A_170] {strides = array<i32>} : memref<16384xi32, #tpu.memory_space<vmem>>, vector<16xi32>,
          %mul3A_172 = arith.constant 256 : i32
          %mul3A_173 = arith.muli %scan3A_122, %mul3A_172 : i32
          %add3A_174 = arith.addi %mul3A_99, %mul3A_173 : i32
          %add3A_175 = arith.constant 112 : i32
          %add3A_176 = arith.addi %add3A_174, %add3A_175 : i32
          %get3A_177 = arith.index_cast %add3A_176 : i32 to index
          %get3A_178 = tpu.vector_load %arg6[%get3A_177] {strides = array<i32>} : memref<16384xi32, #tpu.memory_space<vmem>>, vector<16xi32>,
          %mul3A_179 = arith.constant 256 : i32
          %mul3A_180 = arith.muli %scan3A_122, %mul3A_179 : i32
          %add3A_181 = arith.addi %mul3A_99, %mul3A_180 : i32
          %add3A_182 = arith.constant 128 : i32
          %add3A_183 = arith.addi %add3A_181, %add3A_182 : i32
          %get3A_184 = arith.index_cast %add3A_183 : i32 to index
          %get3A_185 = tpu.vector_load %arg6[%get3A_184] {strides = array<i32>} : memref<16384xi32, #tpu.memory_space<vmem>>, vector<16xi32>,
          %mul3A_186 = arith.constant 256 : i32
          %mul3A_187 = arith.muli %scan3A_122, %mul3A_186 : i32
          %add3A_188 = arith.addi %mul3A_99, %mul3A_187 : i32
          %add3A_189 = arith.constant 144 : i32
          %add3A_190 = arith.addi %add3A_188, %add3A_189 : i32
          %get3A_191 = arith.index_cast %add3A_190 : i32 to index
          %get3A_192 = tpu.vector_load %arg6[%get3A_191] {strides = array<i32>} : memref<16384xi32, #tpu.memory_space<vmem>>, vector<16xi32>,
          %mul3A_193 = arith.constant 256 : i32
          %mul3A_194 = arith.muli %scan3A_122, %mul3A_193 : i32
          %add3A_195 = arith.addi %mul3A_99, %mul3A_194 : i32
          %add3A_196 = arith.constant 160 : i32
          %add3A_197 = arith.addi %add3A_195, %add3A_196 : i32
          %get3A_198 = arith.index_cast %add3A_197 : i32 to index
          %get3A_199 = tpu.vector_load %arg6[%get3A_198] {strides = array<i32>} : memref<16384xi32, #tpu.memory_space<vmem>>, vector<16xi32>,
          %mul3A_200 = arith.constant 256 : i32
          %mul3A_201 = arith.muli %scan3A_122, %mul3A_200 : i32
          %add3A_202 = arith.addi %mul3A_99, %mul3A_201 : i32
          %add3A_203 = arith.constant 176 : i32
          %add3A_204 = arith.addi %add3A_202, %add3A_203 : i32
          %get3A_205 = arith.index_cast %add3A_204 : i32 to index
          %get3A_206 = tpu.vector_load %arg6[%get3A_205] {strides = array<i32>} : memref<16384xi32, #tpu.memory_space<vmem>>, vector<16xi32>,
          %mul3A_207 = arith.constant 256 : i32
          %mul3A_208 = arith.muli %scan3A_122, %mul3A_207 : i32
          %add3A_209 = arith.addi %mul3A_99, %mul3A_208 : i32
          %add3A_210 = arith.constant 192 : i32
          %add3A_211 = arith.addi %add3A_209, %add3A_210 : i32
          %get3A_212 = arith.index_cast %add3A_211 : i32 to index
          %get3A_213 = tpu.vector_load %arg6[%get3A_212] {strides = array<i32>} : memref<16384xi32, #tpu.memory_space<vmem>>, vector<16xi32>,
          %mul3A_214 = arith.constant 256 : i32
          %mul3A_215 = arith.muli %scan3A_122, %mul3A_214 : i32
          %add3A_216 = arith.addi %mul3A_99, %mul3A_215 : i32
          %add3A_217 = arith.constant 208 : i32
          %add3A_218 = arith.addi %add3A_216, %add3A_217 : i32
          %get3A_219 = arith.index_cast %add3A_218 : i32 to index
          %get3A_220 = tpu.vector_load %arg6[%get3A_219] {strides = array<i32>} : memref<16384xi32, #tpu.memory_space<vmem>>, vector<16xi32>,
          %mul3A_221 = arith.constant 256 : i32
          %mul3A_222 = arith.muli %scan3A_122, %mul3A_221 : i32
          %add3A_223 = arith.addi %mul3A_99, %mul3A_222 : i32
          %add3A_224 = arith.constant 224 : i32
          %add3A_225 = arith.addi %add3A_223, %add3A_224 : i32
          %get3A_226 = arith.index_cast %add3A_225 : i32 to index
          %get3A_227 = tpu.vector_load %arg6[%get3A_226] {strides = array<i32>} : memref<16384xi32, #tpu.memory_space<vmem>>, vector<16xi32>,
          %mul3A_228 = arith.constant 256 : i32
          %mul3A_229 = arith.muli %scan3A_122, %mul3A_228 : i32
          %add3A_230 = arith.addi %mul3A_99, %mul3A_229 : i32
          %add3A_231 = arith.constant 240 : i32
          %add3A_232 = arith.addi %add3A_230, %add3A_231 : i32
          %get3A_233 = arith.index_cast %add3A_232 : i32 to index
          %get3A_234 = tpu.vector_load %arg6[%get3A_233] {strides = array<i32>} : memref<16384xi32, #tpu.memory_space<vmem>>, vector<16xi32>,
          %gather3A = tpu.vector_load_idx %arg5[%get3A_129] : memref<100000xf32, #tpu.memory_space<vmem>>[vector<16xi32>], vector<16xf32>,
          %gather3A_235 = tpu.vector_load_idx %arg5[%get3A_136] : memref<100000xf32, #tpu.memory_space<vmem>>[vector<16xi32>], vector<16xf32>,
          %gather3A_236 = tpu.vector_load_idx %arg5[%get3A_143] : memref<100000xf32, #tpu.memory_space<vmem>>[vector<16xi32>], vector<16xf32>,
          %gather3A_237 = tpu.vector_load_idx %arg5[%get3A_150] : memref<100000xf32, #tpu.memory_space<vmem>>[vector<16xi32>], vector<16xf32>,
          %gather3A_238 = tpu.vector_load_idx %arg5[%get3A_157] : memref<100000xf32, #tpu.memory_space<vmem>>[vector<16xi32>], vector<16xf32>,
          %gather3A_239 = tpu.vector_load_idx %arg5[%get3A_164] : memref<100000xf32, #tpu.memory_space<vmem>>[vector<16xi32>], vector<16xf32>,
          %gather3A_240 = tpu.vector_load_idx %arg5[%get3A_171] : memref<100000xf32, #tpu.memory_space<vmem>>[vector<16xi32>], vector<16xf32>,
          %gather3A_241 = tpu.vector_load_idx %arg5[%get3A_178] : memref<100000xf32, #tpu.memory_space<vmem>>[vector<16xi32>], vector<16xf32>,
          %gather3A_242 = tpu.vector_load_idx %arg5[%get3A_185] : memref<100000xf32, #tpu.memory_space<vmem>>[vector<16xi32>], vector<16xf32>,
          %gather3A_243 = tpu.vector_load_idx %arg5[%get3A_192] : memref<100000xf32, #tpu.memory_space<vmem>>[vector<16xi32>], vector<16xf32>,
          %gather3A_244 = tpu.vector_load_idx %arg5[%get3A_199] : memref<100000xf32, #tpu.memory_space<vmem>>[vector<16xi32>], vector<16xf32>,
          %gather3A_245 = tpu.vector_load_idx %arg5[%get3A_206] : memref<100000xf32, #tpu.memory_space<vmem>>[vector<16xi32>], vector<16xf32>,
          %gather3A_246 = tpu.vector_load_idx %arg5[%get3A_213] : memref<100000xf32, #tpu.memory_space<vmem>>[vector<16xi32>], vector<16xf32>,
          %gather3A_247 = tpu.vector_load_idx %arg5[%get3A_220] : memref<100000xf32, #tpu.memory_space<vmem>>[vector<16xi32>], vector<16xf32>,
          %gather3A_248 = tpu.vector_load_idx %arg5[%get3A_227] : memref<100000xf32, #tpu.memory_space<vmem>>[vector<16xi32>], vector<16xf32>,
          %gather3A_249 = tpu.vector_load_idx %arg5[%get3A_234] : memref<100000xf32, #tpu.memory_space<vmem>>[vector<16xi32>], vector<16xf32>,
          %mul3A_250 = arith.constant 256 : i32
          %mul3A_251 = arith.muli %scan3A_122, %mul3A_250 : i32
          %add3A_252 = arith.constant 0 : i32
          %add3A_253 = arith.addi %mul3A_251, %add3A_252 : i32
          %swap3A = arith.index_cast %rem3A_90 : i32 to index
          %swap3A_254 = arith.index_cast %add3A_253 : i32 to index
          %swap3A_255 = tpu.vector_load %arg7[%swap3A, %swap3A_254] {strides = array<i32>} : memref<2x4096xf32, #tpu.memory_space<vmem>>, vector<16xf32>,
          tpu.vector_store %arg7[%swap3A, %swap3A_254], %gather3A {strides = array<i32>} : memref<2x4096xf32, #tpu.memory_space<vmem>>, vector<16xf32>,
          %mul3A_256 = arith.constant 256 : i32
          %mul3A_257 = arith.muli %scan3A_122, %mul3A_256 : i32
          %add3A_258 = arith.constant 16 : i32
          %add3A_259 = arith.addi %mul3A_257, %add3A_258 : i32
          %swap3A_260 = arith.index_cast %rem3A_90 : i32 to index
          %swap3A_261 = arith.index_cast %add3A_259 : i32 to index
          %swap3A_262 = tpu.vector_load %arg7[%swap3A_260, %swap3A_261] {strides = array<i32>} : memref<2x4096xf32, #tpu.memory_space<vmem>>, vector<16xf32>,
          tpu.vector_store %arg7[%swap3A_260, %swap3A_261], %gather3A_235 {strides = array<i32>} : memref<2x4096xf32, #tpu.memory_space<vmem>>, vector<16xf32>,
          %mul3A_263 = arith.constant 256 : i32
          %mul3A_264 = arith.muli %scan3A_122, %mul3A_263 : i32
          %add3A_265 = arith.constant 32 : i32
          %add3A_266 = arith.addi %mul3A_264, %add3A_265 : i32
          %swap3A_267 = arith.index_cast %rem3A_90 : i32 to index
          %swap3A_268 = arith.index_cast %add3A_266 : i32 to index
          %swap3A_269 = tpu.vector_load %arg7[%swap3A_267, %swap3A_268] {strides = array<i32>} : memref<2x4096xf32, #tpu.memory_space<vmem>>, vector<16xf32>,
          tpu.vector_store %arg7[%swap3A_267, %swap3A_268], %gather3A_236 {strides = array<i32>} : memref<2x4096xf32, #tpu.memory_space<vmem>>, vector<16xf32>,
          %mul3A_270 = arith.constant 256 : i32
          %mul3A_271 = arith.muli %scan3A_122, %mul3A_270 : i32
          %add3A_272 = arith.constant 48 : i32
          %add3A_273 = arith.addi %mul3A_271, %add3A_272 : i32
          %swap3A_274 = arith.index_cast %rem3A_90 : i32 to index
          %swap3A_275 = arith.index_cast %add3A_273 : i32 to index
          %swap3A_276 = tpu.vector_load %arg7[%swap3A_274, %swap3A_275] {strides = array<i32>} : memref<2x4096xf32, #tpu.memory_space<vmem>>, vector<16xf32>,
          tpu.vector_store %arg7[%swap3A_274, %swap3A_275], %gather3A_237 {strides = array<i32>} : memref<2x4096xf32, #tpu.memory_space<vmem>>, vector<16xf32>,
          %mul3A_277 = arith.constant 256 : i32
          %mul3A_278 = arith.muli %scan3A_122, %mul3A_277 : i32
          %add3A_279 = arith.constant 64 : i32
          %add3A_280 = arith.addi %mul3A_278, %add3A_279 : i32
          %swap3A_281 = arith.index_cast %rem3A_90 : i32 to index
          %swap3A_282 = arith.index_cast %add3A_280 : i32 to index
          %swap3A_283 = tpu.vector_load %arg7[%swap3A_281, %swap3A_282] {strides = array<i32>} : memref<2x4096xf32, #tpu.memory_space<vmem>>, vector<16xf32>,
          tpu.vector_store %arg7[%swap3A_281, %swap3A_282], %gather3A_238 {strides = array<i32>} : memref<2x4096xf32, #tpu.memory_space<vmem>>, vector<16xf32>,
          %mul3A_284 = arith.constant 256 : i32
          %mul3A_285 = arith.muli %scan3A_122, %mul3A_284 : i32
          %add3A_286 = arith.constant 80 : i32
          %add3A_287 = arith.addi %mul3A_285, %add3A_286 : i32
          %swap3A_288 = arith.index_cast %rem3A_90 : i32 to index
          %swap3A_289 = arith.index_cast %add3A_287 : i32 to index
          %swap3A_290 = tpu.vector_load %arg7[%swap3A_288, %swap3A_289] {strides = array<i32>} : memref<2x4096xf32, #tpu.memory_space<vmem>>, vector<16xf32>,
          tpu.vector_store %arg7[%swap3A_288, %swap3A_289], %gather3A_239 {strides = array<i32>} : memref<2x4096xf32, #tpu.memory_space<vmem>>, vector<16xf32>,
          %mul3A_291 = arith.constant 256 : i32
          %mul3A_292 = arith.muli %scan3A_122, %mul3A_291 : i32
          %add3A_293 = arith.constant 96 : i32
          %add3A_294 = arith.addi %mul3A_292, %add3A_293 : i32
          %swap3A_295 = arith.index_cast %rem3A_90 : i32 to index
          %swap3A_296 = arith.index_cast %add3A_294 : i32 to index
          %swap3A_297 = tpu.vector_load %arg7[%swap3A_295, %swap3A_296] {strides = array<i32>} : memref<2x4096xf32, #tpu.memory_space<vmem>>, vector<16xf32>,
          tpu.vector_store %arg7[%swap3A_295, %swap3A_296], %gather3A_240 {strides = array<i32>} : memref<2x4096xf32, #tpu.memory_space<vmem>>, vector<16xf32>,
          %mul3A_298 = arith.constant 256 : i32
          %mul3A_299 = arith.muli %scan3A_122, %mul3A_298 : i32
          %add3A_300 = arith.constant 112 : i32
          %add3A_301 = arith.addi %mul3A_299, %add3A_300 : i32
          %swap3A_302 = arith.index_cast %rem3A_90 : i32 to index
          %swap3A_303 = arith.index_cast %add3A_301 : i32 to index
          %swap3A_304 = tpu.vector_load %arg7[%swap3A_302, %swap3A_303] {strides = array<i32>} : memref<2x4096xf32, #tpu.memory_space<vmem>>, vector<16xf32>,
          tpu.vector_store %arg7[%swap3A_302, %swap3A_303], %gather3A_241 {strides = array<i32>} : memref<2x4096xf32, #tpu.memory_space<vmem>>, vector<16xf32>,
          %mul3A_305 = arith.constant 256 : i32
          %mul3A_306 = arith.muli %scan3A_122, %mul3A_305 : i32
          %add3A_307 = arith.constant 128 : i32
          %add3A_308 = arith.addi %mul3A_306, %add3A_307 : i32
          %swap3A_309 = arith.index_cast %rem3A_90 : i32 to index
          %swap3A_310 = arith.index_cast %add3A_308 : i32 to index
          %swap3A_311 = tpu.vector_load %arg7[%swap3A_309, %swap3A_310] {strides = array<i32>} : memref<2x4096xf32, #tpu.memory_space<vmem>>, vector<16xf32>,
          tpu.vector_store %arg7[%swap3A_309, %swap3A_310], %gather3A_242 {strides = array<i32>} : memref<2x4096xf32, #tpu.memory_space<vmem>>, vector<16xf32>,
          %mul3A_312 = arith.constant 256 : i32
          %mul3A_313 = arith.muli %scan3A_122, %mul3A_312 : i32
          %add3A_314 = arith.constant 144 : i32
          %add3A_315 = arith.addi %mul3A_313, %add3A_314 : i32
          %swap3A_316 = arith.index_cast %rem3A_90 : i32 to index
          %swap3A_317 = arith.index_cast %add3A_315 : i32 to index
          %swap3A_318 = tpu.vector_load %arg7[%swap3A_316, %swap3A_317] {strides = array<i32>} : memref<2x4096xf32, #tpu.memory_space<vmem>>, vector<16xf32>,
          tpu.vector_store %arg7[%swap3A_316, %swap3A_317], %gather3A_243 {strides = array<i32>} : memref<2x4096xf32, #tpu.memory_space<vmem>>, vector<16xf32>,
          %mul3A_319 = arith.constant 256 : i32
          %mul3A_320 = arith.muli %scan3A_122, %mul3A_319 : i32
          %add3A_321 = arith.constant 160 : i32
          %add3A_322 = arith.addi %mul3A_320, %add3A_321 : i32
          %swap3A_323 = arith.index_cast %rem3A_90 : i32 to index
          %swap3A_324 = arith.index_cast %add3A_322 : i32 to index
          %swap3A_325 = tpu.vector_load %arg7[%swap3A_323, %swap3A_324] {strides = array<i32>} : memref<2x4096xf32, #tpu.memory_space<vmem>>, vector<16xf32>,
          tpu.vector_store %arg7[%swap3A_323, %swap3A_324], %gather3A_244 {strides = array<i32>} : memref<2x4096xf32, #tpu.memory_space<vmem>>, vector<16xf32>,
          %mul3A_326 = arith.constant 256 : i32
          %mul3A_327 = arith.muli %scan3A_122, %mul3A_326 : i32
          %add3A_328 = arith.constant 176 : i32
          %add3A_329 = arith.addi %mul3A_327, %add3A_328 : i32
          %swap3A_330 = arith.index_cast %rem3A_90 : i32 to index
          %swap3A_331 = arith.index_cast %add3A_329 : i32 to index
          %swap3A_332 = tpu.vector_load %arg7[%swap3A_330, %swap3A_331] {strides = array<i32>} : memref<2x4096xf32, #tpu.memory_space<vmem>>, vector<16xf32>,
          tpu.vector_store %arg7[%swap3A_330, %swap3A_331], %gather3A_245 {strides = array<i32>} : memref<2x4096xf32, #tpu.memory_space<vmem>>, vector<16xf32>,
          %mul3A_333 = arith.constant 256 : i32
          %mul3A_334 = arith.muli %scan3A_122, %mul3A_333 : i32
          %add3A_335 = arith.constant 192 : i32
          %add3A_336 = arith.addi %mul3A_334, %add3A_335 : i32
          %swap3A_337 = arith.index_cast %rem3A_90 : i32 to index
          %swap3A_338 = arith.index_cast %add3A_336 : i32 to index
          %swap3A_339 = tpu.vector_load %arg7[%swap3A_337, %swap3A_338] {strides = array<i32>} : memref<2x4096xf32, #tpu.memory_space<vmem>>, vector<16xf32>,
          tpu.vector_store %arg7[%swap3A_337, %swap3A_338], %gather3A_246 {strides = array<i32>} : memref<2x4096xf32, #tpu.memory_space<vmem>>, vector<16xf32>,
          %mul3A_340 = arith.constant 256 : i32
          %mul3A_341 = arith.muli %scan3A_122, %mul3A_340 : i32
          %add3A_342 = arith.constant 208 : i32
          %add3A_343 = arith.addi %mul3A_341, %add3A_342 : i32
          %swap3A_344 = arith.index_cast %rem3A_90 : i32 to index
          %swap3A_345 = arith.index_cast %add3A_343 : i32 to index
          %swap3A_346 = tpu.vector_load %arg7[%swap3A_344, %swap3A_345] {strides = array<i32>} : memref<2x4096xf32, #tpu.memory_space<vmem>>, vector<16xf32>,
          tpu.vector_store %arg7[%swap3A_344, %swap3A_345], %gather3A_247 {strides = array<i32>} : memref<2x4096xf32, #tpu.memory_space<vmem>>, vector<16xf32>,
          %mul3A_347 = arith.constant 256 : i32
          %mul3A_348 = arith.muli %scan3A_122, %mul3A_347 : i32
          %add3A_349 = arith.constant 224 : i32
          %add3A_350 = arith.addi %mul3A_348, %add3A_349 : i32
          %swap3A_351 = arith.index_cast %rem3A_90 : i32 to index
          %swap3A_352 = arith.index_cast %add3A_350 : i32 to index
          %swap3A_353 = tpu.vector_load %arg7[%swap3A_351, %swap3A_352] {strides = array<i32>} : memref<2x4096xf32, #tpu.memory_space<vmem>>, vector<16xf32>,
          tpu.vector_store %arg7[%swap3A_351, %swap3A_352], %gather3A_248 {strides = array<i32>} : memref<2x4096xf32, #tpu.memory_space<vmem>>, vector<16xf32>,
          %mul3A_354 = arith.constant 256 : i32
          %mul3A_355 = arith.muli %scan3A_122, %mul3A_354 : i32
          %add3A_356 = arith.constant 240 : i32
          %add3A_357 = arith.addi %mul3A_355, %add3A_356 : i32
          %swap3A_358 = arith.index_cast %rem3A_90 : i32 to index
          %swap3A_359 = arith.index_cast %add3A_357 : i32 to index
          %swap3A_360 = tpu.vector_load %arg7[%swap3A_358, %swap3A_359] {strides = array<i32>} : memref<2x4096xf32, #tpu.memory_space<vmem>>, vector<16xf32>,
          tpu.vector_store %arg7[%swap3A_358, %swap3A_359], %gather3A_249 {strides = array<i32>} : memref<2x4096xf32, #tpu.memory_space<vmem>>, vector<16xf32>,
          %scan3A_361 = arith.constant 0 : i32
          scf.yield %scan3A_361 : i32
        }
        %scan3A_106 = arith.constant 16 : i32
        %sub3A_107 = arith.constant 13 : i32
        %sub3A_108 = arith.subi %div3A_58, %sub3A_107 : i32
        %mul3A_109 = arith.constant 4096 : i32
        %mul3A_110 = arith.muli %scan3A_87, %mul3A_109 : i32
        %dma_start3A_111 = arith.constant 0 : i32
        %dma_start3A_112 = tpu.memref_slice %arg7[%rem3A_90, %dma_start3A_111] : memref<2x4096xf32, #tpu.memory_space<vmem>> -> memref<1x4096xf32, #tpu.memory_space<vmem>>
        %dma_start3A_113 = tpu.memref_squeeze %dma_start3A_112 : memref<1x4096xf32, #tpu.memory_space<vmem>> -> memref<4096xf32, #tpu.memory_space<vmem>>
        %dma_start3A_114 = tpu.memref_slice %arg4[%sub3A_108, %rem3A_60, %mul3A_110] : memref<13x32x16384xf32, #tpu.memory_space<hbm>> -> memref<1x1x4096xf32, #tpu.memory_space<hbm>>
        %dma_start3A_115 = tpu.memref_squeeze %dma_start3A_114 : memref<1x1x4096xf32, #tpu.memory_space<hbm>> -> memref<4096xf32, #tpu.memory_space<hbm>>
        %dma_start3A_116 = tpu.memref_slice %arg4[%sub3A_108, %rem3A_60, %mul3A_110] : memref<13x32x16384xf32, #tpu.memory_space<hbm>> -> memref<1x1x4096xf32, #tpu.memory_space<hbm>>
        %dma_start3A_117 = tpu.memref_squeeze %dma_start3A_116 : memref<1x1x4096xf32, #tpu.memory_space<hbm>> -> memref<4096xf32, #tpu.memory_space<hbm>>
        %dma_start3A_118 = arith.constant 0 : i32
        %dma_start3A_119 = tpu.memref_slice %arg7[%rem3A_90, %dma_start3A_118] : memref<2x4096xf32, #tpu.memory_space<vmem>> -> memref<1x4096xf32, #tpu.memory_space<vmem>>
        %dma_start3A_120 = tpu.memref_squeeze %dma_start3A_119 : memref<1x4096xf32, #tpu.memory_space<vmem>> -> memref<4096xf32, #tpu.memory_space<vmem>>
        tpu.enqueue_dma source(%dma_start3A_120 : memref<4096xf32, #tpu.memory_space<vmem>>) target(%dma_start3A_117 : memref<4096xf32, #tpu.memory_space<hbm>>) target_semaphore(%arg8 : memref<!tpu.dma_semaphore, #tpu.memory_space<semaphore_mem>>)
        %scan3A_121 = arith.constant 0 : i32
        scf.yield %scan3A_121 : i32
      }
      %scan3A_78 = arith.constant 4 : i32
      %add3A_79 = arith.constant 1 : i32
      %add3A_80 = arith.addi %while3A_55, %add3A_79 : i32
      %add3A_81 = arith.constant 13 : i32
      %add3A_82 = arith.addi %add3A_4, %add3A_81 : i32
      %lt3A = arith.cmpi slt, %add3A_80, %add3A_82 : i32
      %convert_element_type3A_83 = arith.extui %lt3A : i1 to i32
      %cond3A_84 = arith.constant 0 : i32
      %cond3A_85 = arith.cmpi ne, %convert_element_type3A_83, %cond3A_84 : i32
      scf.if %cond3A_85 {
        %add3A_87 = arith.constant 1 : i32
        %add3A_88 = arith.addi %while3A_55, %add3A_87 : i32
        %div3A_89 = arith.constant 32 : i32
        %div3A_90 = arith.divsi %add3A_88, %div3A_89 : i32
        %rem3A_91 = arith.constant 32 : i32
        %rem3A_92 = arith.remsi %add3A_88, %rem3A_91 : i32
        %dma_start3A_93 = arith.constant 0 : i32
        %dma_start3A_94 = tpu.memref_slice %arg2[%div3A_90, %rem3A_92, %dma_start3A_93] : memref<26x32x100000xf32, #tpu.memory_space<hbm>> -> memref<1x1x100000xf32, #tpu.memory_space<hbm>>
        %dma_start3A_95 = tpu.memref_squeeze %dma_start3A_94 : memref<1x1x100000xf32, #tpu.memory_space<hbm>> -> memref<100000xf32, #tpu.memory_space<hbm>>
        %dma_start3A_96 = arith.constant 0 : i32
        %dma_start3A_97 = tpu.memref_slice %arg2[%div3A_90, %rem3A_92, %dma_start3A_96] : memref<26x32x100000xf32, #tpu.memory_space<hbm>> -> memref<1x1x100000xf32, #tpu.memory_space<hbm>>
        %dma_start3A_98 = tpu.memref_squeeze %dma_start3A_97 : memref<1x1x100000xf32, #tpu.memory_space<hbm>> -> memref<100000xf32, #tpu.memory_space<hbm>>
        tpu.enqueue_dma source(%dma_start3A_98 : memref<100000xf32, #tpu.memory_space<hbm>>) target(%arg5 : memref<100000xf32, #tpu.memory_space<vmem>>) target_semaphore(%arg9 : memref<!tpu.dma_semaphore, #tpu.memory_space<semaphore_mem>>)
      } else {
      }
      %while3A_86 = arith.constant 0 : i32
      scf.yield %while3A_86 : i32
    }
    %dma_wait3A = arith.constant 0 : i32
    %dma_wait3A_26 = arith.constant 0 : i32
    %dma_wait3A_27 = arith.constant 0 : i32
    %dma_wait3A_28 = arith.constant 0 : i32
    %dma_wait3A_29 = tpu.memref_slice %arg7[%dma_wait3A, %dma_wait3A_28] : memref<2x4096xf32, #tpu.memory_space<vmem>> -> memref<1x4096xf32, #tpu.memory_space<vmem>>
    %dma_wait3A_30 = tpu.memref_squeeze %dma_wait3A_29 : memref<1x4096xf32, #tpu.memory_space<vmem>> -> memref<4096xf32, #tpu.memory_space<vmem>>
    %dma_wait3A_31 = arith.constant 0 : i32
    %dma_wait3A_32 = tpu.memref_slice %arg4[%dma_wait3A_26, %dma_wait3A_27, %dma_wait3A_31] : memref<13x32x16384xf32, #tpu.memory_space<hbm>> -> memref<1x1x4096xf32, #tpu.memory_space<hbm>>
    %dma_wait3A_33 = tpu.memref_squeeze %dma_wait3A_32 : memref<1x1x4096xf32, #tpu.memory_space<hbm>> -> memref<4096xf32, #tpu.memory_space<hbm>>
    %dma_wait3A_34 = arith.constant 0 : i32
    %dma_wait3A_35 = tpu.memref_slice %arg4[%dma_wait3A_26, %dma_wait3A_27, %dma_wait3A_34] : memref<13x32x16384xf32, #tpu.memory_space<hbm>> -> memref<1x1x4096xf32, #tpu.memory_space<hbm>>
    %dma_wait3A_36 = tpu.memref_squeeze %dma_wait3A_35 : memref<1x1x4096xf32, #tpu.memory_space<hbm>> -> memref<4096xf32, #tpu.memory_space<hbm>>
    %dma_wait3A_37 = arith.constant 0 : i32
    %dma_wait3A_38 = tpu.memref_slice %arg7[%dma_wait3A, %dma_wait3A_37] : memref<2x4096xf32, #tpu.memory_space<vmem>> -> memref<1x4096xf32, #tpu.memory_space<vmem>>
    %dma_wait3A_39 = tpu.memref_squeeze %dma_wait3A_38 : memref<1x4096xf32, #tpu.memory_space<vmem>> -> memref<4096xf32, #tpu.memory_space<vmem>>
    tpu.wait_dma2 semaphore(%arg8 : memref<!tpu.dma_semaphore, #tpu.memory_space<semaphore_mem>>) src(%dma_wait3A_39 : memref<4096xf32, #tpu.memory_space<vmem>>) dst(%dma_wait3A_36 : memref<4096xf32, #tpu.memory_space<hbm>>)
    %dma_wait3A_40 = arith.constant 1 : i32
    %dma_wait3A_41 = arith.constant 0 : i32
    %dma_wait3A_42 = arith.constant 0 : i32
    %dma_wait3A_43 = arith.constant 0 : i32
    %dma_wait3A_44 = tpu.memref_slice %arg7[%dma_wait3A_40, %dma_wait3A_43] : memref<2x4096xf32, #tpu.memory_space<vmem>> -> memref<1x4096xf32, #tpu.memory_space<vmem>>
    %dma_wait3A_45 = tpu.memref_squeeze %dma_wait3A_44 : memref<1x4096xf32, #tpu.memory_space<vmem>> -> memref<4096xf32, #tpu.memory_space<vmem>>
    %dma_wait3A_46 = arith.constant 0 : i32
    %dma_wait3A_47 = tpu.memref_slice %arg4[%dma_wait3A_41, %dma_wait3A_42, %dma_wait3A_46] : memref<13x32x16384xf32, #tpu.memory_space<hbm>> -> memref<1x1x4096xf32, #tpu.memory_space<hbm>>
    %dma_wait3A_48 = tpu.memref_squeeze %dma_wait3A_47 : memref<1x1x4096xf32, #tpu.memory_space<hbm>> -> memref<4096xf32, #tpu.memory_space<hbm>>
    %dma_wait3A_49 = arith.constant 0 : i32
    %dma_wait3A_50 = tpu.memref_slice %arg4[%dma_wait3A_41, %dma_wait3A_42, %dma_wait3A_49] : memref<13x32x16384xf32, #tpu.memory_space<hbm>> -> memref<1x1x4096xf32, #tpu.memory_space<hbm>>
    %dma_wait3A_51 = tpu.memref_squeeze %dma_wait3A_50 : memref<1x1x4096xf32, #tpu.memory_space<hbm>> -> memref<4096xf32, #tpu.memory_space<hbm>>
    %dma_wait3A_52 = arith.constant 0 : i32
    %dma_wait3A_53 = tpu.memref_slice %arg7[%dma_wait3A_40, %dma_wait3A_52] : memref<2x4096xf32, #tpu.memory_space<vmem>> -> memref<1x4096xf32, #tpu.memory_space<vmem>>
    %dma_wait3A_54 = tpu.memref_squeeze %dma_wait3A_53 : memref<1x4096xf32, #tpu.memory_space<vmem>> -> memref<4096xf32, #tpu.memory_space<vmem>>
    tpu.wait_dma2 semaphore(%arg8 : memref<!tpu.dma_semaphore, #tpu.memory_space<semaphore_mem>>) src(%dma_wait3A_54 : memref<4096xf32, #tpu.memory_space<vmem>>) dst(%dma_wait3A_51 : memref<4096xf32, #tpu.memory_space<hbm>>)
    return
  }
}

#map = affine_map<(d0, d1) -> (0, 0, 0)>
#map1 = affine_map<(d0, d1) -> (0, 0)>
module attributes {stable_mosaic.version = 14 : i64} {
  func.func @_sc_plane_gather(%arg0: i32, %arg1: i32, %arg2: memref<26x32x100000xf32, #tpu.memory_space<hbm>>, %arg3: memref<26x16384xi32, #tpu.memory_space<hbm>>, %arg4: memref<13x32x16384xf32, #tpu.memory_space<hbm>>, %arg5: memref<100000xf32, #tpu.memory_space<vmem>>, %arg6: memref<16384xi32, #tpu.memory_space<vmem>>, %arg7: memref<2x4096xf32, #tpu.memory_space<vmem>>, %arg8: memref<!tpu.dma_semaphore, #tpu.memory_space<semaphore_mem>>, %arg9: memref<!tpu.dma_semaphore, #tpu.memory_space<semaphore_mem>>) attributes {dimension_semantics = [#tpu.dimension_semantics<core_parallel>, #tpu.dimension_semantics<subcore_parallel>], iteration_bounds = array<i64: 2, 16>, scalar_prefetch = 0 : i64, scratch_operands = 5 : i64, tpu.core_type = #tpu.core_type<sc_vector_subcore>, window_params = [{transform_indices = #map}, {transform_indices = #map1}, {transform_indices = #map}]} {
    %mul3A = arith.constant 2 : i32
    %mul3A_0 = arith.muli %arg1, %mul3A : i32
    %add3A = arith.addi %mul3A_0, %arg0 : i32
    %mul3A_1 = arith.constant 13 : i32
    %mul3A_2 = arith.muli %add3A, %mul3A_1 : i32
    %add3A_3 = arith.constant 0 : i32
    %add3A_4 = arith.addi %add3A_3, %mul3A_2 : i32
    %div3A = arith.constant 32 : i32
    %div3A_5 = arith.divsi %add3A_4, %div3A : i32
    "tpu.region"() ({
      %run_scoped3A = tpu.sem_alloc : memref<!tpu.dma_semaphore, #tpu.memory_space<semaphore_mem>>
      %dma_start3A_55 = arith.constant 0 : i32
      %dma_start3A_56 = tpu.memref_slice %arg3[%div3A_5, %dma_start3A_55] : memref<26x16384xi32, #tpu.memory_space<hbm>> -> memref<1x16384xi32, #tpu.memory_space<hbm>>
      %dma_start3A_57 = tpu.memref_squeeze %dma_start3A_56 : memref<1x16384xi32, #tpu.memory_space<hbm>> -> memref<16384xi32, #tpu.memory_space<hbm>>
      %dma_start3A_58 = arith.constant 0 : i32
      %dma_start3A_59 = tpu.memref_slice %arg3[%div3A_5, %dma_start3A_58] : memref<26x16384xi32, #tpu.memory_space<hbm>> -> memref<1x16384xi32, #tpu.memory_space<hbm>>
      %dma_start3A_60 = tpu.memref_squeeze %dma_start3A_59 : memref<1x16384xi32, #tpu.memory_space<hbm>> -> memref<16384xi32, #tpu.memory_space<hbm>>
      tpu.enqueue_dma source(%dma_start3A_60 : memref<16384xi32, #tpu.memory_space<hbm>>) target(%arg6 : memref<16384xi32, #tpu.memory_space<vmem>>) target_semaphore(%run_scoped3A : memref<!tpu.dma_semaphore, #tpu.memory_space<semaphore_mem>>)
      %dma_wait3A_61 = arith.constant 0 : i32
      %dma_wait3A_62 = tpu.memref_slice %arg3[%div3A_5, %dma_wait3A_61] : memref<26x16384xi32, #tpu.memory_space<hbm>> -> memref<1x16384xi32, #tpu.memory_space<hbm>>
      %dma_wait3A_63 = tpu.memref_squeeze %dma_wait3A_62 : memref<1x16384xi32, #tpu.memory_space<hbm>> -> memref<16384xi32, #tpu.memory_space<hbm>>
      %dma_wait3A_64 = arith.constant 0 : i32
      %dma_wait3A_65 = tpu.memref_slice %arg3[%div3A_5, %dma_wait3A_64] : memref<26x16384xi32, #tpu.memory_space<hbm>> -> memref<1x16384xi32, #tpu.memory_space<hbm>>
      %dma_wait3A_66 = tpu.memref_squeeze %dma_wait3A_65 : memref<1x16384xi32, #tpu.memory_space<hbm>> -> memref<16384xi32, #tpu.memory_space<hbm>>
      tpu.wait_dma2 semaphore(%run_scoped3A : memref<!tpu.dma_semaphore, #tpu.memory_space<semaphore_mem>>) src(%dma_wait3A_66 : memref<16384xi32, #tpu.memory_space<hbm>>) dst(%arg6 : memref<16384xi32, #tpu.memory_space<vmem>>)
      tpu.yield
    }) : () -> ()
    %div3A_6 = arith.constant 32 : i32
    %div3A_7 = arith.divsi %add3A_4, %div3A_6 : i32
    %rem3A = arith.constant 32 : i32
    %rem3A_8 = arith.remsi %add3A_4, %rem3A : i32
    %dma_start3A = arith.constant 0 : i32
    %dma_start3A_9 = tpu.memref_slice %arg2[%div3A_7, %rem3A_8, %dma_start3A] : memref<26x32x100000xf32, #tpu.memory_space<hbm>> -> memref<1x1x100000xf32, #tpu.memory_space<hbm>>
    %dma_start3A_10 = tpu.memref_squeeze %dma_start3A_9 : memref<1x1x100000xf32, #tpu.memory_space<hbm>> -> memref<100000xf32, #tpu.memory_space<hbm>>
    %dma_start3A_11 = arith.constant 0 : i32
    %dma_start3A_12 = tpu.memref_slice %arg2[%div3A_7, %rem3A_8, %dma_start3A_11] : memref<26x32x100000xf32, #tpu.memory_space<hbm>> -> memref<1x1x100000xf32, #tpu.memory_space<hbm>>
    %dma_start3A_13 = tpu.memref_squeeze %dma_start3A_12 : memref<1x1x100000xf32, #tpu.memory_space<hbm>> -> memref<100000xf32, #tpu.memory_space<hbm>>
    tpu.enqueue_dma source(%dma_start3A_13 : memref<100000xf32, #tpu.memory_space<hbm>>) target(%arg5 : memref<100000xf32, #tpu.memory_space<vmem>>) target_semaphore(%arg9 : memref<!tpu.dma_semaphore, #tpu.memory_space<semaphore_mem>>)
    %add3A_14 = arith.constant 13 : i32
    %add3A_15 = arith.addi %add3A_4, %add3A_14 : i32
    %while3A = arith.constant 0 : i32
    %while3A_16 = arith.subi %add3A_15, %add3A_4 : i32
    %while3A_17 = arith.addi %add3A_4, %while3A_16 : i32
    %while3A_18 = arith.constant 1 : i32
    %while3A_19 = arith.divsi %while3A_16, %while3A_18 : i32
    %while3A_20 = arith.muli %while3A_19, %while3A_18 : i32
    %while3A_21 = arith.addi %add3A_4, %while3A_20 : i32
    %while3A_22 = arith.constant 1 : i32
    %while3A_23 = scf.for %while3A_55 = %add3A_4 to %while3A_21 step %while3A_22 iter_args(%while3A_56 = %while3A) -> (i32)  : i32 {
      %div3A_57 = arith.constant 32 : i32
      %div3A_58 = arith.divsi %while3A_55, %div3A_57 : i32
      %rem3A_59 = arith.constant 32 : i32
      %rem3A_60 = arith.remsi %while3A_55, %rem3A_59 : i32
      %eq3A = arith.constant 0 : i32
      %eq3A_61 = arith.cmpi eq, %rem3A_60, %eq3A : i32
      %gt3A = arith.cmpi sgt, %while3A_55, %add3A_4 : i32
      %and3A = arith.andi %eq3A_61, %gt3A : i1
      %convert_element_type3A = arith.extui %and3A : i1 to i32
      %cond3A = arith.constant 0 : i32
      %cond3A_62 = arith.cmpi ne, %convert_element_type3A, %cond3A : i32
      scf.if %cond3A_62 {
        "tpu.region"() ({
          %run_scoped3A = tpu.sem_alloc : memref<!tpu.dma_semaphore, #tpu.memory_space<semaphore_mem>>
          %dma_start3A_87 = arith.constant 0 : i32
          %dma_start3A_88 = tpu.memref_slice %arg3[%div3A_58, %dma_start3A_87] : memref<26x16384xi32, #tpu.memory_space<hbm>> -> memref<1x16384xi32, #tpu.memory_space<hbm>>
          %dma_start3A_89 = tpu.memref_squeeze %dma_start3A_88 : memref<1x16384xi32, #tpu.memory_space<hbm>> -> memref<16384xi32, #tpu.memory_space<hbm>>
          %dma_start3A_90 = arith.constant 0 : i32
          %dma_start3A_91 = tpu.memref_slice %arg3[%div3A_58, %dma_start3A_90] : memref<26x16384xi32, #tpu.memory_space<hbm>> -> memref<1x16384xi32, #tpu.memory_space<hbm>>
          %dma_start3A_92 = tpu.memref_squeeze %dma_start3A_91 : memref<1x16384xi32, #tpu.memory_space<hbm>> -> memref<16384xi32, #tpu.memory_space<hbm>>
          tpu.enqueue_dma source(%dma_start3A_92 : memref<16384xi32, #tpu.memory_space<hbm>>) target(%arg6 : memref<16384xi32, #tpu.memory_space<vmem>>) target_semaphore(%run_scoped3A : memref<!tpu.dma_semaphore, #tpu.memory_space<semaphore_mem>>)
          %dma_wait3A_93 = arith.constant 0 : i32
          %dma_wait3A_94 = tpu.memref_slice %arg3[%div3A_58, %dma_wait3A_93] : memref<26x16384xi32, #tpu.memory_space<hbm>> -> memref<1x16384xi32, #tpu.memory_space<hbm>>
          %dma_wait3A_95 = tpu.memref_squeeze %dma_wait3A_94 : memref<1x16384xi32, #tpu.memory_space<hbm>> -> memref<16384xi32, #tpu.memory_space<hbm>>
          %dma_wait3A_96 = arith.constant 0 : i32
          %dma_wait3A_97 = tpu.memref_slice %arg3[%div3A_58, %dma_wait3A_96] : memref<26x16384xi32, #tpu.memory_space<hbm>> -> memref<1x16384xi32, #tpu.memory_space<hbm>>
          %dma_wait3A_98 = tpu.memref_squeeze %dma_wait3A_97 : memref<1x16384xi32, #tpu.memory_space<hbm>> -> memref<16384xi32, #tpu.memory_space<hbm>>
          tpu.wait_dma2 semaphore(%run_scoped3A : memref<!tpu.dma_semaphore, #tpu.memory_space<semaphore_mem>>) src(%dma_wait3A_98 : memref<16384xi32, #tpu.memory_space<hbm>>) dst(%arg6 : memref<16384xi32, #tpu.memory_space<vmem>>)
          tpu.yield
        }) : () -> ()
      } else {
      }
      %div3A_63 = arith.constant 32 : i32
      %div3A_64 = arith.divsi %while3A_55, %div3A_63 : i32
      %rem3A_65 = arith.constant 32 : i32
      %rem3A_66 = arith.remsi %while3A_55, %rem3A_65 : i32
      %dma_wait3A_67 = arith.constant 0 : i32
      %dma_wait3A_68 = tpu.memref_slice %arg2[%div3A_64, %rem3A_66, %dma_wait3A_67] : memref<26x32x100000xf32, #tpu.memory_space<hbm>> -> memref<1x1x100000xf32, #tpu.memory_space<hbm>>
      %dma_wait3A_69 = tpu.memref_squeeze %dma_wait3A_68 : memref<1x1x100000xf32, #tpu.memory_space<hbm>> -> memref<100000xf32, #tpu.memory_space<hbm>>
      %dma_wait3A_70 = arith.constant 0 : i32
      %dma_wait3A_71 = tpu.memref_slice %arg2[%div3A_64, %rem3A_66, %dma_wait3A_70] : memref<26x32x100000xf32, #tpu.memory_space<hbm>> -> memref<1x1x100000xf32, #tpu.memory_space<hbm>>
      %dma_wait3A_72 = tpu.memref_squeeze %dma_wait3A_71 : memref<1x1x100000xf32, #tpu.memory_space<hbm>> -> memref<100000xf32, #tpu.memory_space<hbm>>
      tpu.wait_dma2 semaphore(%arg9 : memref<!tpu.dma_semaphore, #tpu.memory_space<semaphore_mem>>) src(%dma_wait3A_72 : memref<100000xf32, #tpu.memory_space<hbm>>) dst(%arg5 : memref<100000xf32, #tpu.memory_space<vmem>>)
      %scan3A = arith.constant 0 : i32
      %scan3A_73 = arith.constant 0 : i32
      %scan3A_74 = arith.constant 4 : i32
      %scan3A_75 = arith.addi %scan3A_73, %scan3A_74 : i32
      %scan3A_76 = arith.constant 1 : i32
      %scan3A_77 = scf.for %scan3A_87 = %scan3A_73 to %scan3A_75 step %scan3A_76 iter_args(%scan3A_88 = %scan3A) -> (i32)  : i32 {
        %rem3A_89 = arith.constant 2 : i32
        %rem3A_90 = arith.remsi %scan3A_87, %rem3A_89 : i32
        %sub3A = arith.subi %while3A_55, %add3A_4 : i32
        %mul3A_91 = arith.constant 4 : i32
        %mul3A_92 = arith.muli %sub3A, %mul3A_91 : i32
        %add3A_93 = arith.addi %mul3A_92, %scan3A_87 : i32
        %ge3A = arith.constant 2 : i32
        %ge3A_94 = arith.cmpi sge, %add3A_93, %ge3A : i32
        %convert_element_type3A_95 = arith.extui %ge3A_94 : i1 to i32
        %cond3A_96 = arith.constant 0 : i32
        %cond3A_97 = arith.cmpi ne, %convert_element_type3A_95, %cond3A_96 : i32
        scf.if %cond3A_97 {
          %dma_wait3A_122 = arith.constant 0 : i32
          %dma_wait3A_123 = arith.constant 0 : i32
          %dma_wait3A_124 = arith.constant 0 : i32
          %dma_wait3A_125 = tpu.memref_slice %arg7[%rem3A_90, %dma_wait3A_124] : memref<2x4096xf32, #tpu.memory_space<vmem>> -> memref<1x4096xf32, #tpu.memory_space<vmem>>
          %dma_wait3A_126 = tpu.memref_squeeze %dma_wait3A_125 : memref<1x4096xf32, #tpu.memory_space<vmem>> -> memref<4096xf32, #tpu.memory_space<vmem>>
          %dma_wait3A_127 = arith.constant 0 : i32
          %dma_wait3A_128 = tpu.memref_slice %arg4[%dma_wait3A_122, %dma_wait3A_123, %dma_wait3A_127] : memref<13x32x16384xf32, #tpu.memory_space<hbm>> -> memref<1x1x4096xf32, #tpu.memory_space<hbm>>
          %dma_wait3A_129 = tpu.memref_squeeze %dma_wait3A_128 : memref<1x1x4096xf32, #tpu.memory_space<hbm>> -> memref<4096xf32, #tpu.memory_space<hbm>>
          %dma_wait3A_130 = arith.constant 0 : i32
          %dma_wait3A_131 = tpu.memref_slice %arg4[%dma_wait3A_122, %dma_wait3A_123, %dma_wait3A_130] : memref<13x32x16384xf32, #tpu.memory_space<hbm>> -> memref<1x1x4096xf32, #tpu.memory_space<hbm>>
          %dma_wait3A_132 = tpu.memref_squeeze %dma_wait3A_131 : memref<1x1x4096xf32, #tpu.memory_space<hbm>> -> memref<4096xf32, #tpu.memory_space<hbm>>
          %dma_wait3A_133 = arith.constant 0 : i32
          %dma_wait3A_134 = tpu.memref_slice %arg7[%rem3A_90, %dma_wait3A_133] : memref<2x4096xf32, #tpu.memory_space<vmem>> -> memref<1x4096xf32, #tpu.memory_space<vmem>>
          %dma_wait3A_135 = tpu.memref_squeeze %dma_wait3A_134 : memref<1x4096xf32, #tpu.memory_space<vmem>> -> memref<4096xf32, #tpu.memory_space<vmem>>
          tpu.wait_dma2 semaphore(%arg8 : memref<!tpu.dma_semaphore, #tpu.memory_space<semaphore_mem>>) src(%dma_wait3A_135 : memref<4096xf32, #tpu.memory_space<vmem>>) dst(%dma_wait3A_132 : memref<4096xf32, #tpu.memory_space<hbm>>)
        } else {
        }
        %mul3A_98 = arith.constant 4096 : i32
        %mul3A_99 = arith.muli %scan3A_87, %mul3A_98 : i32
        %scan3A_100 = arith.constant 0 : i32
        %scan3A_101 = arith.constant 0 : i32
        %scan3A_102 = arith.constant 16 : i32
        %scan3A_103 = arith.addi %scan3A_101, %scan3A_102 : i32
        %scan3A_104 = arith.constant 1 : i32
        %scan3A_105 = scf.for %scan3A_122 = %scan3A_101 to %scan3A_103 step %scan3A_104 iter_args(%scan3A_123 = %scan3A_100) -> (i32)  : i32 {
          %mul3A_124 = arith.constant 256 : i32
          %mul3A_125 = arith.muli %scan3A_122, %mul3A_124 : i32
          %add3A_126 = arith.addi %mul3A_99, %mul3A_125 : i32
          %add3A_127 = arith.constant 0 : i32
          %add3A_128 = arith.addi %add3A_126, %add3A_127 : i32
          %get3A = arith.index_cast %add3A_128 : i32 to index
          %get3A_129 = tpu.vector_load %arg6[%get3A] {strides = array<i32>} : memref<16384xi32, #tpu.memory_space<vmem>>, vector<16xi32>,
          %mul3A_130 = arith.constant 256 : i32
          %mul3A_131 = arith.muli %scan3A_122, %mul3A_130 : i32
          %add3A_132 = arith.addi %mul3A_99, %mul3A_131 : i32
          %add3A_133 = arith.constant 16 : i32
          %add3A_134 = arith.addi %add3A_132, %add3A_133 : i32
          %get3A_135 = arith.index_cast %add3A_134 : i32 to index
          %get3A_136 = tpu.vector_load %arg6[%get3A_135] {strides = array<i32>} : memref<16384xi32, #tpu.memory_space<vmem>>, vector<16xi32>,
          %mul3A_137 = arith.constant 256 : i32
          %mul3A_138 = arith.muli %scan3A_122, %mul3A_137 : i32
          %add3A_139 = arith.addi %mul3A_99, %mul3A_138 : i32
          %add3A_140 = arith.constant 32 : i32
          %add3A_141 = arith.addi %add3A_139, %add3A_140 : i32
          %get3A_142 = arith.index_cast %add3A_141 : i32 to index
          %get3A_143 = tpu.vector_load %arg6[%get3A_142] {strides = array<i32>} : memref<16384xi32, #tpu.memory_space<vmem>>, vector<16xi32>,
          %mul3A_144 = arith.constant 256 : i32
          %mul3A_145 = arith.muli %scan3A_122, %mul3A_144 : i32
          %add3A_146 = arith.addi %mul3A_99, %mul3A_145 : i32
          %add3A_147 = arith.constant 48 : i32
          %add3A_148 = arith.addi %add3A_146, %add3A_147 : i32
          %get3A_149 = arith.index_cast %add3A_148 : i32 to index
          %get3A_150 = tpu.vector_load %arg6[%get3A_149] {strides = array<i32>} : memref<16384xi32, #tpu.memory_space<vmem>>, vector<16xi32>,
          %mul3A_151 = arith.constant 256 : i32
          %mul3A_152 = arith.muli %scan3A_122, %mul3A_151 : i32
          %add3A_153 = arith.addi %mul3A_99, %mul3A_152 : i32
          %add3A_154 = arith.constant 64 : i32
          %add3A_155 = arith.addi %add3A_153, %add3A_154 : i32
          %get3A_156 = arith.index_cast %add3A_155 : i32 to index
          %get3A_157 = tpu.vector_load %arg6[%get3A_156] {strides = array<i32>} : memref<16384xi32, #tpu.memory_space<vmem>>, vector<16xi32>,
          %mul3A_158 = arith.constant 256 : i32
          %mul3A_159 = arith.muli %scan3A_122, %mul3A_158 : i32
          %add3A_160 = arith.addi %mul3A_99, %mul3A_159 : i32
          %add3A_161 = arith.constant 80 : i32
          %add3A_162 = arith.addi %add3A_160, %add3A_161 : i32
          %get3A_163 = arith.index_cast %add3A_162 : i32 to index
          %get3A_164 = tpu.vector_load %arg6[%get3A_163] {strides = array<i32>} : memref<16384xi32, #tpu.memory_space<vmem>>, vector<16xi32>,
          %mul3A_165 = arith.constant 256 : i32
          %mul3A_166 = arith.muli %scan3A_122, %mul3A_165 : i32
          %add3A_167 = arith.addi %mul3A_99, %mul3A_166 : i32
          %add3A_168 = arith.constant 96 : i32
          %add3A_169 = arith.addi %add3A_167, %add3A_168 : i32
          %get3A_170 = arith.index_cast %add3A_169 : i32 to index
          %get3A_171 = tpu.vector_load %arg6[%get3A_170] {strides = array<i32>} : memref<16384xi32, #tpu.memory_space<vmem>>, vector<16xi32>,
          %mul3A_172 = arith.constant 256 : i32
          %mul3A_173 = arith.muli %scan3A_122, %mul3A_172 : i32
          %add3A_174 = arith.addi %mul3A_99, %mul3A_173 : i32
          %add3A_175 = arith.constant 112 : i32
          %add3A_176 = arith.addi %add3A_174, %add3A_175 : i32
          %get3A_177 = arith.index_cast %add3A_176 : i32 to index
          %get3A_178 = tpu.vector_load %arg6[%get3A_177] {strides = array<i32>} : memref<16384xi32, #tpu.memory_space<vmem>>, vector<16xi32>,
          %mul3A_179 = arith.constant 256 : i32
          %mul3A_180 = arith.muli %scan3A_122, %mul3A_179 : i32
          %add3A_181 = arith.addi %mul3A_99, %mul3A_180 : i32
          %add3A_182 = arith.constant 128 : i32
          %add3A_183 = arith.addi %add3A_181, %add3A_182 : i32
          %get3A_184 = arith.index_cast %add3A_183 : i32 to index
          %get3A_185 = tpu.vector_load %arg6[%get3A_184] {strides = array<i32>} : memref<16384xi32, #tpu.memory_space<vmem>>, vector<16xi32>,
          %mul3A_186 = arith.constant 256 : i32
          %mul3A_187 = arith.muli %scan3A_122, %mul3A_186 : i32
          %add3A_188 = arith.addi %mul3A_99, %mul3A_187 : i32
          %add3A_189 = arith.constant 144 : i32
          %add3A_190 = arith.addi %add3A_188, %add3A_189 : i32
          %get3A_191 = arith.index_cast %add3A_190 : i32 to index
          %get3A_192 = tpu.vector_load %arg6[%get3A_191] {strides = array<i32>} : memref<16384xi32, #tpu.memory_space<vmem>>, vector<16xi32>,
          %mul3A_193 = arith.constant 256 : i32
          %mul3A_194 = arith.muli %scan3A_122, %mul3A_193 : i32
          %add3A_195 = arith.addi %mul3A_99, %mul3A_194 : i32
          %add3A_196 = arith.constant 160 : i32
          %add3A_197 = arith.addi %add3A_195, %add3A_196 : i32
          %get3A_198 = arith.index_cast %add3A_197 : i32 to index
          %get3A_199 = tpu.vector_load %arg6[%get3A_198] {strides = array<i32>} : memref<16384xi32, #tpu.memory_space<vmem>>, vector<16xi32>,
          %mul3A_200 = arith.constant 256 : i32
          %mul3A_201 = arith.muli %scan3A_122, %mul3A_200 : i32
          %add3A_202 = arith.addi %mul3A_99, %mul3A_201 : i32
          %add3A_203 = arith.constant 176 : i32
          %add3A_204 = arith.addi %add3A_202, %add3A_203 : i32
          %get3A_205 = arith.index_cast %add3A_204 : i32 to index
          %get3A_206 = tpu.vector_load %arg6[%get3A_205] {strides = array<i32>} : memref<16384xi32, #tpu.memory_space<vmem>>, vector<16xi32>,
          %mul3A_207 = arith.constant 256 : i32
          %mul3A_208 = arith.muli %scan3A_122, %mul3A_207 : i32
          %add3A_209 = arith.addi %mul3A_99, %mul3A_208 : i32
          %add3A_210 = arith.constant 192 : i32
          %add3A_211 = arith.addi %add3A_209, %add3A_210 : i32
          %get3A_212 = arith.index_cast %add3A_211 : i32 to index
          %get3A_213 = tpu.vector_load %arg6[%get3A_212] {strides = array<i32>} : memref<16384xi32, #tpu.memory_space<vmem>>, vector<16xi32>,
          %mul3A_214 = arith.constant 256 : i32
          %mul3A_215 = arith.muli %scan3A_122, %mul3A_214 : i32
          %add3A_216 = arith.addi %mul3A_99, %mul3A_215 : i32
          %add3A_217 = arith.constant 208 : i32
          %add3A_218 = arith.addi %add3A_216, %add3A_217 : i32
          %get3A_219 = arith.index_cast %add3A_218 : i32 to index
          %get3A_220 = tpu.vector_load %arg6[%get3A_219] {strides = array<i32>} : memref<16384xi32, #tpu.memory_space<vmem>>, vector<16xi32>,
          %mul3A_221 = arith.constant 256 : i32
          %mul3A_222 = arith.muli %scan3A_122, %mul3A_221 : i32
          %add3A_223 = arith.addi %mul3A_99, %mul3A_222 : i32
          %add3A_224 = arith.constant 224 : i32
          %add3A_225 = arith.addi %add3A_223, %add3A_224 : i32
          %get3A_226 = arith.index_cast %add3A_225 : i32 to index
          %get3A_227 = tpu.vector_load %arg6[%get3A_226] {strides = array<i32>} : memref<16384xi32, #tpu.memory_space<vmem>>, vector<16xi32>,
          %mul3A_228 = arith.constant 256 : i32
          %mul3A_229 = arith.muli %scan3A_122, %mul3A_228 : i32
          %add3A_230 = arith.addi %mul3A_99, %mul3A_229 : i32
          %add3A_231 = arith.constant 240 : i32
          %add3A_232 = arith.addi %add3A_230, %add3A_231 : i32
          %get3A_233 = arith.index_cast %add3A_232 : i32 to index
          %get3A_234 = tpu.vector_load %arg6[%get3A_233] {strides = array<i32>} : memref<16384xi32, #tpu.memory_space<vmem>>, vector<16xi32>,
          %gather3A = tpu.vector_load_idx %arg5[%get3A_129] : memref<100000xf32, #tpu.memory_space<vmem>>[vector<16xi32>], vector<16xf32>,
          %gather3A_235 = tpu.vector_load_idx %arg5[%get3A_136] : memref<100000xf32, #tpu.memory_space<vmem>>[vector<16xi32>], vector<16xf32>,
          %gather3A_236 = tpu.vector_load_idx %arg5[%get3A_143] : memref<100000xf32, #tpu.memory_space<vmem>>[vector<16xi32>], vector<16xf32>,
          %gather3A_237 = tpu.vector_load_idx %arg5[%get3A_150] : memref<100000xf32, #tpu.memory_space<vmem>>[vector<16xi32>], vector<16xf32>,
          %gather3A_238 = tpu.vector_load_idx %arg5[%get3A_157] : memref<100000xf32, #tpu.memory_space<vmem>>[vector<16xi32>], vector<16xf32>,
          %gather3A_239 = tpu.vector_load_idx %arg5[%get3A_164] : memref<100000xf32, #tpu.memory_space<vmem>>[vector<16xi32>], vector<16xf32>,
          %gather3A_240 = tpu.vector_load_idx %arg5[%get3A_171] : memref<100000xf32, #tpu.memory_space<vmem>>[vector<16xi32>], vector<16xf32>,
          %gather3A_241 = tpu.vector_load_idx %arg5[%get3A_178] : memref<100000xf32, #tpu.memory_space<vmem>>[vector<16xi32>], vector<16xf32>,
          %gather3A_242 = tpu.vector_load_idx %arg5[%get3A_185] : memref<100000xf32, #tpu.memory_space<vmem>>[vector<16xi32>], vector<16xf32>,
          %gather3A_243 = tpu.vector_load_idx %arg5[%get3A_192] : memref<100000xf32, #tpu.memory_space<vmem>>[vector<16xi32>], vector<16xf32>,
          %gather3A_244 = tpu.vector_load_idx %arg5[%get3A_199] : memref<100000xf32, #tpu.memory_space<vmem>>[vector<16xi32>], vector<16xf32>,
          %gather3A_245 = tpu.vector_load_idx %arg5[%get3A_206] : memref<100000xf32, #tpu.memory_space<vmem>>[vector<16xi32>], vector<16xf32>,
          %gather3A_246 = tpu.vector_load_idx %arg5[%get3A_213] : memref<100000xf32, #tpu.memory_space<vmem>>[vector<16xi32>], vector<16xf32>,
          %gather3A_247 = tpu.vector_load_idx %arg5[%get3A_220] : memref<100000xf32, #tpu.memory_space<vmem>>[vector<16xi32>], vector<16xf32>,
          %gather3A_248 = tpu.vector_load_idx %arg5[%get3A_227] : memref<100000xf32, #tpu.memory_space<vmem>>[vector<16xi32>], vector<16xf32>,
          %gather3A_249 = tpu.vector_load_idx %arg5[%get3A_234] : memref<100000xf32, #tpu.memory_space<vmem>>[vector<16xi32>], vector<16xf32>,
          %mul3A_250 = arith.constant 256 : i32
          %mul3A_251 = arith.muli %scan3A_122, %mul3A_250 : i32
          %add3A_252 = arith.constant 0 : i32
          %add3A_253 = arith.addi %mul3A_251, %add3A_252 : i32
          %swap3A = arith.index_cast %rem3A_90 : i32 to index
          %swap3A_254 = arith.index_cast %add3A_253 : i32 to index
          %swap3A_255 = tpu.vector_load %arg7[%swap3A, %swap3A_254] {strides = array<i32>} : memref<2x4096xf32, #tpu.memory_space<vmem>>, vector<16xf32>,
          tpu.vector_store %arg7[%swap3A, %swap3A_254], %gather3A {strides = array<i32>} : memref<2x4096xf32, #tpu.memory_space<vmem>>, vector<16xf32>,
          %mul3A_256 = arith.constant 256 : i32
          %mul3A_257 = arith.muli %scan3A_122, %mul3A_256 : i32
          %add3A_258 = arith.constant 16 : i32
          %add3A_259 = arith.addi %mul3A_257, %add3A_258 : i32
          %swap3A_260 = arith.index_cast %rem3A_90 : i32 to index
          %swap3A_261 = arith.index_cast %add3A_259 : i32 to index
          %swap3A_262 = tpu.vector_load %arg7[%swap3A_260, %swap3A_261] {strides = array<i32>} : memref<2x4096xf32, #tpu.memory_space<vmem>>, vector<16xf32>,
          tpu.vector_store %arg7[%swap3A_260, %swap3A_261], %gather3A_235 {strides = array<i32>} : memref<2x4096xf32, #tpu.memory_space<vmem>>, vector<16xf32>,
          %mul3A_263 = arith.constant 256 : i32
          %mul3A_264 = arith.muli %scan3A_122, %mul3A_263 : i32
          %add3A_265 = arith.constant 32 : i32
          %add3A_266 = arith.addi %mul3A_264, %add3A_265 : i32
          %swap3A_267 = arith.index_cast %rem3A_90 : i32 to index
          %swap3A_268 = arith.index_cast %add3A_266 : i32 to index
          %swap3A_269 = tpu.vector_load %arg7[%swap3A_267, %swap3A_268] {strides = array<i32>} : memref<2x4096xf32, #tpu.memory_space<vmem>>, vector<16xf32>,
          tpu.vector_store %arg7[%swap3A_267, %swap3A_268], %gather3A_236 {strides = array<i32>} : memref<2x4096xf32, #tpu.memory_space<vmem>>, vector<16xf32>,
          %mul3A_270 = arith.constant 256 : i32
          %mul3A_271 = arith.muli %scan3A_122, %mul3A_270 : i32
          %add3A_272 = arith.constant 48 : i32
          %add3A_273 = arith.addi %mul3A_271, %add3A_272 : i32
          %swap3A_274 = arith.index_cast %rem3A_90 : i32 to index
          %swap3A_275 = arith.index_cast %add3A_273 : i32 to index
          %swap3A_276 = tpu.vector_load %arg7[%swap3A_274, %swap3A_275] {strides = array<i32>} : memref<2x4096xf32, #tpu.memory_space<vmem>>, vector<16xf32>,
          tpu.vector_store %arg7[%swap3A_274, %swap3A_275], %gather3A_237 {strides = array<i32>} : memref<2x4096xf32, #tpu.memory_space<vmem>>, vector<16xf32>,
          %mul3A_277 = arith.constant 256 : i32
          %mul3A_278 = arith.muli %scan3A_122, %mul3A_277 : i32
          %add3A_279 = arith.constant 64 : i32
          %add3A_280 = arith.addi %mul3A_278, %add3A_279 : i32
          %swap3A_281 = arith.index_cast %rem3A_90 : i32 to index
          %swap3A_282 = arith.index_cast %add3A_280 : i32 to index
          %swap3A_283 = tpu.vector_load %arg7[%swap3A_281, %swap3A_282] {strides = array<i32>} : memref<2x4096xf32, #tpu.memory_space<vmem>>, vector<16xf32>,
          tpu.vector_store %arg7[%swap3A_281, %swap3A_282], %gather3A_238 {strides = array<i32>} : memref<2x4096xf32, #tpu.memory_space<vmem>>, vector<16xf32>,
          %mul3A_284 = arith.constant 256 : i32
          %mul3A_285 = arith.muli %scan3A_122, %mul3A_284 : i32
          %add3A_286 = arith.constant 80 : i32
          %add3A_287 = arith.addi %mul3A_285, %add3A_286 : i32
          %swap3A_288 = arith.index_cast %rem3A_90 : i32 to index
          %swap3A_289 = arith.index_cast %add3A_287 : i32 to index
          %swap3A_290 = tpu.vector_load %arg7[%swap3A_288, %swap3A_289] {strides = array<i32>} : memref<2x4096xf32, #tpu.memory_space<vmem>>, vector<16xf32>,
          tpu.vector_store %arg7[%swap3A_288, %swap3A_289], %gather3A_239 {strides = array<i32>} : memref<2x4096xf32, #tpu.memory_space<vmem>>, vector<16xf32>,
          %mul3A_291 = arith.constant 256 : i32
          %mul3A_292 = arith.muli %scan3A_122, %mul3A_291 : i32
          %add3A_293 = arith.constant 96 : i32
          %add3A_294 = arith.addi %mul3A_292, %add3A_293 : i32
          %swap3A_295 = arith.index_cast %rem3A_90 : i32 to index
          %swap3A_296 = arith.index_cast %add3A_294 : i32 to index
          %swap3A_297 = tpu.vector_load %arg7[%swap3A_295, %swap3A_296] {strides = array<i32>} : memref<2x4096xf32, #tpu.memory_space<vmem>>, vector<16xf32>,
          tpu.vector_store %arg7[%swap3A_295, %swap3A_296], %gather3A_240 {strides = array<i32>} : memref<2x4096xf32, #tpu.memory_space<vmem>>, vector<16xf32>,
          %mul3A_298 = arith.constant 256 : i32
          %mul3A_299 = arith.muli %scan3A_122, %mul3A_298 : i32
          %add3A_300 = arith.constant 112 : i32
          %add3A_301 = arith.addi %mul3A_299, %add3A_300 : i32
          %swap3A_302 = arith.index_cast %rem3A_90 : i32 to index
          %swap3A_303 = arith.index_cast %add3A_301 : i32 to index
          %swap3A_304 = tpu.vector_load %arg7[%swap3A_302, %swap3A_303] {strides = array<i32>} : memref<2x4096xf32, #tpu.memory_space<vmem>>, vector<16xf32>,
          tpu.vector_store %arg7[%swap3A_302, %swap3A_303], %gather3A_241 {strides = array<i32>} : memref<2x4096xf32, #tpu.memory_space<vmem>>, vector<16xf32>,
          %mul3A_305 = arith.constant 256 : i32
          %mul3A_306 = arith.muli %scan3A_122, %mul3A_305 : i32
          %add3A_307 = arith.constant 128 : i32
          %add3A_308 = arith.addi %mul3A_306, %add3A_307 : i32
          %swap3A_309 = arith.index_cast %rem3A_90 : i32 to index
          %swap3A_310 = arith.index_cast %add3A_308 : i32 to index
          %swap3A_311 = tpu.vector_load %arg7[%swap3A_309, %swap3A_310] {strides = array<i32>} : memref<2x4096xf32, #tpu.memory_space<vmem>>, vector<16xf32>,
          tpu.vector_store %arg7[%swap3A_309, %swap3A_310], %gather3A_242 {strides = array<i32>} : memref<2x4096xf32, #tpu.memory_space<vmem>>, vector<16xf32>,
          %mul3A_312 = arith.constant 256 : i32
          %mul3A_313 = arith.muli %scan3A_122, %mul3A_312 : i32
          %add3A_314 = arith.constant 144 : i32
          %add3A_315 = arith.addi %mul3A_313, %add3A_314 : i32
          %swap3A_316 = arith.index_cast %rem3A_90 : i32 to index
          %swap3A_317 = arith.index_cast %add3A_315 : i32 to index
          %swap3A_318 = tpu.vector_load %arg7[%swap3A_316, %swap3A_317] {strides = array<i32>} : memref<2x4096xf32, #tpu.memory_space<vmem>>, vector<16xf32>,
          tpu.vector_store %arg7[%swap3A_316, %swap3A_317], %gather3A_243 {strides = array<i32>} : memref<2x4096xf32, #tpu.memory_space<vmem>>, vector<16xf32>,
          %mul3A_319 = arith.constant 256 : i32
          %mul3A_320 = arith.muli %scan3A_122, %mul3A_319 : i32
          %add3A_321 = arith.constant 160 : i32
          %add3A_322 = arith.addi %mul3A_320, %add3A_321 : i32
          %swap3A_323 = arith.index_cast %rem3A_90 : i32 to index
          %swap3A_324 = arith.index_cast %add3A_322 : i32 to index
          %swap3A_325 = tpu.vector_load %arg7[%swap3A_323, %swap3A_324] {strides = array<i32>} : memref<2x4096xf32, #tpu.memory_space<vmem>>, vector<16xf32>,
          tpu.vector_store %arg7[%swap3A_323, %swap3A_324], %gather3A_244 {strides = array<i32>} : memref<2x4096xf32, #tpu.memory_space<vmem>>, vector<16xf32>,
          %mul3A_326 = arith.constant 256 : i32
          %mul3A_327 = arith.muli %scan3A_122, %mul3A_326 : i32
          %add3A_328 = arith.constant 176 : i32
          %add3A_329 = arith.addi %mul3A_327, %add3A_328 : i32
          %swap3A_330 = arith.index_cast %rem3A_90 : i32 to index
          %swap3A_331 = arith.index_cast %add3A_329 : i32 to index
          %swap3A_332 = tpu.vector_load %arg7[%swap3A_330, %swap3A_331] {strides = array<i32>} : memref<2x4096xf32, #tpu.memory_space<vmem>>, vector<16xf32>,
          tpu.vector_store %arg7[%swap3A_330, %swap3A_331], %gather3A_245 {strides = array<i32>} : memref<2x4096xf32, #tpu.memory_space<vmem>>, vector<16xf32>,
          %mul3A_333 = arith.constant 256 : i32
          %mul3A_334 = arith.muli %scan3A_122, %mul3A_333 : i32
          %add3A_335 = arith.constant 192 : i32
          %add3A_336 = arith.addi %mul3A_334, %add3A_335 : i32
          %swap3A_337 = arith.index_cast %rem3A_90 : i32 to index
          %swap3A_338 = arith.index_cast %add3A_336 : i32 to index
          %swap3A_339 = tpu.vector_load %arg7[%swap3A_337, %swap3A_338] {strides = array<i32>} : memref<2x4096xf32, #tpu.memory_space<vmem>>, vector<16xf32>,
          tpu.vector_store %arg7[%swap3A_337, %swap3A_338], %gather3A_246 {strides = array<i32>} : memref<2x4096xf32, #tpu.memory_space<vmem>>, vector<16xf32>,
          %mul3A_340 = arith.constant 256 : i32
          %mul3A_341 = arith.muli %scan3A_122, %mul3A_340 : i32
          %add3A_342 = arith.constant 208 : i32
          %add3A_343 = arith.addi %mul3A_341, %add3A_342 : i32
          %swap3A_344 = arith.index_cast %rem3A_90 : i32 to index
          %swap3A_345 = arith.index_cast %add3A_343 : i32 to index
          %swap3A_346 = tpu.vector_load %arg7[%swap3A_344, %swap3A_345] {strides = array<i32>} : memref<2x4096xf32, #tpu.memory_space<vmem>>, vector<16xf32>,
          tpu.vector_store %arg7[%swap3A_344, %swap3A_345], %gather3A_247 {strides = array<i32>} : memref<2x4096xf32, #tpu.memory_space<vmem>>, vector<16xf32>,
          %mul3A_347 = arith.constant 256 : i32
          %mul3A_348 = arith.muli %scan3A_122, %mul3A_347 : i32
          %add3A_349 = arith.constant 224 : i32
          %add3A_350 = arith.addi %mul3A_348, %add3A_349 : i32
          %swap3A_351 = arith.index_cast %rem3A_90 : i32 to index
          %swap3A_352 = arith.index_cast %add3A_350 : i32 to index
          %swap3A_353 = tpu.vector_load %arg7[%swap3A_351, %swap3A_352] {strides = array<i32>} : memref<2x4096xf32, #tpu.memory_space<vmem>>, vector<16xf32>,
          tpu.vector_store %arg7[%swap3A_351, %swap3A_352], %gather3A_248 {strides = array<i32>} : memref<2x4096xf32, #tpu.memory_space<vmem>>, vector<16xf32>,
          %mul3A_354 = arith.constant 256 : i32
          %mul3A_355 = arith.muli %scan3A_122, %mul3A_354 : i32
          %add3A_356 = arith.constant 240 : i32
          %add3A_357 = arith.addi %mul3A_355, %add3A_356 : i32
          %swap3A_358 = arith.index_cast %rem3A_90 : i32 to index
          %swap3A_359 = arith.index_cast %add3A_357 : i32 to index
          %swap3A_360 = tpu.vector_load %arg7[%swap3A_358, %swap3A_359] {strides = array<i32>} : memref<2x4096xf32, #tpu.memory_space<vmem>>, vector<16xf32>,
          tpu.vector_store %arg7[%swap3A_358, %swap3A_359], %gather3A_249 {strides = array<i32>} : memref<2x4096xf32, #tpu.memory_space<vmem>>, vector<16xf32>,
          %scan3A_361 = arith.constant 0 : i32
          scf.yield %scan3A_361 : i32
        }
        %scan3A_106 = arith.constant 16 : i32
        %sub3A_107 = arith.constant 0 : i32
        %sub3A_108 = arith.subi %div3A_58, %sub3A_107 : i32
        %mul3A_109 = arith.constant 4096 : i32
        %mul3A_110 = arith.muli %scan3A_87, %mul3A_109 : i32
        %dma_start3A_111 = arith.constant 0 : i32
        %dma_start3A_112 = tpu.memref_slice %arg7[%rem3A_90, %dma_start3A_111] : memref<2x4096xf32, #tpu.memory_space<vmem>> -> memref<1x4096xf32, #tpu.memory_space<vmem>>
        %dma_start3A_113 = tpu.memref_squeeze %dma_start3A_112 : memref<1x4096xf32, #tpu.memory_space<vmem>> -> memref<4096xf32, #tpu.memory_space<vmem>>
        %dma_start3A_114 = tpu.memref_slice %arg4[%sub3A_108, %rem3A_60, %mul3A_110] : memref<13x32x16384xf32, #tpu.memory_space<hbm>> -> memref<1x1x4096xf32, #tpu.memory_space<hbm>>
        %dma_start3A_115 = tpu.memref_squeeze %dma_start3A_114 : memref<1x1x4096xf32, #tpu.memory_space<hbm>> -> memref<4096xf32, #tpu.memory_space<hbm>>
        %dma_start3A_116 = tpu.memref_slice %arg4[%sub3A_108, %rem3A_60, %mul3A_110] : memref<13x32x16384xf32, #tpu.memory_space<hbm>> -> memref<1x1x4096xf32, #tpu.memory_space<hbm>>
        %dma_start3A_117 = tpu.memref_squeeze %dma_start3A_116 : memref<1x1x4096xf32, #tpu.memory_space<hbm>> -> memref<4096xf32, #tpu.memory_space<hbm>>
        %dma_start3A_118 = arith.constant 0 : i32
        %dma_start3A_119 = tpu.memref_slice %arg7[%rem3A_90, %dma_start3A_118] : memref<2x4096xf32, #tpu.memory_space<vmem>> -> memref<1x4096xf32, #tpu.memory_space<vmem>>
        %dma_start3A_120 = tpu.memref_squeeze %dma_start3A_119 : memref<1x4096xf32, #tpu.memory_space<vmem>> -> memref<4096xf32, #tpu.memory_space<vmem>>
        tpu.enqueue_dma source(%dma_start3A_120 : memref<4096xf32, #tpu.memory_space<vmem>>) target(%dma_start3A_117 : memref<4096xf32, #tpu.memory_space<hbm>>) target_semaphore(%arg8 : memref<!tpu.dma_semaphore, #tpu.memory_space<semaphore_mem>>)
        %scan3A_121 = arith.constant 0 : i32
        scf.yield %scan3A_121 : i32
      }
      %scan3A_78 = arith.constant 4 : i32
      %add3A_79 = arith.constant 1 : i32
      %add3A_80 = arith.addi %while3A_55, %add3A_79 : i32
      %add3A_81 = arith.constant 13 : i32
      %add3A_82 = arith.addi %add3A_4, %add3A_81 : i32
      %lt3A = arith.cmpi slt, %add3A_80, %add3A_82 : i32
      %convert_element_type3A_83 = arith.extui %lt3A : i1 to i32
      %cond3A_84 = arith.constant 0 : i32
      %cond3A_85 = arith.cmpi ne, %convert_element_type3A_83, %cond3A_84 : i32
      scf.if %cond3A_85 {
        %add3A_87 = arith.constant 1 : i32
        %add3A_88 = arith.addi %while3A_55, %add3A_87 : i32
        %div3A_89 = arith.constant 32 : i32
        %div3A_90 = arith.divsi %add3A_88, %div3A_89 : i32
        %rem3A_91 = arith.constant 32 : i32
        %rem3A_92 = arith.remsi %add3A_88, %rem3A_91 : i32
        %dma_start3A_93 = arith.constant 0 : i32
        %dma_start3A_94 = tpu.memref_slice %arg2[%div3A_90, %rem3A_92, %dma_start3A_93] : memref<26x32x100000xf32, #tpu.memory_space<hbm>> -> memref<1x1x100000xf32, #tpu.memory_space<hbm>>
        %dma_start3A_95 = tpu.memref_squeeze %dma_start3A_94 : memref<1x1x100000xf32, #tpu.memory_space<hbm>> -> memref<100000xf32, #tpu.memory_space<hbm>>
        %dma_start3A_96 = arith.constant 0 : i32
        %dma_start3A_97 = tpu.memref_slice %arg2[%div3A_90, %rem3A_92, %dma_start3A_96] : memref<26x32x100000xf32, #tpu.memory_space<hbm>> -> memref<1x1x100000xf32, #tpu.memory_space<hbm>>
        %dma_start3A_98 = tpu.memref_squeeze %dma_start3A_97 : memref<1x1x100000xf32, #tpu.memory_space<hbm>> -> memref<100000xf32, #tpu.memory_space<hbm>>
        tpu.enqueue_dma source(%dma_start3A_98 : memref<100000xf32, #tpu.memory_space<hbm>>) target(%arg5 : memref<100000xf32, #tpu.memory_space<vmem>>) target_semaphore(%arg9 : memref<!tpu.dma_semaphore, #tpu.memory_space<semaphore_mem>>)
      } else {
      }
      %while3A_86 = arith.constant 0 : i32
      scf.yield %while3A_86 : i32
    }
    %while3A_24 = arith.constant 1 : i32
    %while3A_25 = scf.for %while3A_55 = %while3A_21 to %while3A_17 step %while3A_24 iter_args(%while3A_56 = %while3A_23) -> (i32)  : i32 {
      %div3A_57 = arith.constant 32 : i32
      %div3A_58 = arith.divsi %while3A_55, %div3A_57 : i32
      %rem3A_59 = arith.constant 32 : i32
      %rem3A_60 = arith.remsi %while3A_55, %rem3A_59 : i32
      %eq3A = arith.constant 0 : i32
      %eq3A_61 = arith.cmpi eq, %rem3A_60, %eq3A : i32
      %gt3A = arith.cmpi sgt, %while3A_55, %add3A_4 : i32
      %and3A = arith.andi %eq3A_61, %gt3A : i1
      %convert_element_type3A = arith.extui %and3A : i1 to i32
      %cond3A = arith.constant 0 : i32
      %cond3A_62 = arith.cmpi ne, %convert_element_type3A, %cond3A : i32
      scf.if %cond3A_62 {
        "tpu.region"() ({
          %run_scoped3A = tpu.sem_alloc : memref<!tpu.dma_semaphore, #tpu.memory_space<semaphore_mem>>
          %dma_start3A_87 = arith.constant 0 : i32
          %dma_start3A_88 = tpu.memref_slice %arg3[%div3A_58, %dma_start3A_87] : memref<26x16384xi32, #tpu.memory_space<hbm>> -> memref<1x16384xi32, #tpu.memory_space<hbm>>
          %dma_start3A_89 = tpu.memref_squeeze %dma_start3A_88 : memref<1x16384xi32, #tpu.memory_space<hbm>> -> memref<16384xi32, #tpu.memory_space<hbm>>
          %dma_start3A_90 = arith.constant 0 : i32
          %dma_start3A_91 = tpu.memref_slice %arg3[%div3A_58, %dma_start3A_90] : memref<26x16384xi32, #tpu.memory_space<hbm>> -> memref<1x16384xi32, #tpu.memory_space<hbm>>
          %dma_start3A_92 = tpu.memref_squeeze %dma_start3A_91 : memref<1x16384xi32, #tpu.memory_space<hbm>> -> memref<16384xi32, #tpu.memory_space<hbm>>
          tpu.enqueue_dma source(%dma_start3A_92 : memref<16384xi32, #tpu.memory_space<hbm>>) target(%arg6 : memref<16384xi32, #tpu.memory_space<vmem>>) target_semaphore(%run_scoped3A : memref<!tpu.dma_semaphore, #tpu.memory_space<semaphore_mem>>)
          %dma_wait3A_93 = arith.constant 0 : i32
          %dma_wait3A_94 = tpu.memref_slice %arg3[%div3A_58, %dma_wait3A_93] : memref<26x16384xi32, #tpu.memory_space<hbm>> -> memref<1x16384xi32, #tpu.memory_space<hbm>>
          %dma_wait3A_95 = tpu.memref_squeeze %dma_wait3A_94 : memref<1x16384xi32, #tpu.memory_space<hbm>> -> memref<16384xi32, #tpu.memory_space<hbm>>
          %dma_wait3A_96 = arith.constant 0 : i32
          %dma_wait3A_97 = tpu.memref_slice %arg3[%div3A_58, %dma_wait3A_96] : memref<26x16384xi32, #tpu.memory_space<hbm>> -> memref<1x16384xi32, #tpu.memory_space<hbm>>
          %dma_wait3A_98 = tpu.memref_squeeze %dma_wait3A_97 : memref<1x16384xi32, #tpu.memory_space<hbm>> -> memref<16384xi32, #tpu.memory_space<hbm>>
          tpu.wait_dma2 semaphore(%run_scoped3A : memref<!tpu.dma_semaphore, #tpu.memory_space<semaphore_mem>>) src(%dma_wait3A_98 : memref<16384xi32, #tpu.memory_space<hbm>>) dst(%arg6 : memref<16384xi32, #tpu.memory_space<vmem>>)
          tpu.yield
        }) : () -> ()
      } else {
      }
      %div3A_63 = arith.constant 32 : i32
      %div3A_64 = arith.divsi %while3A_55, %div3A_63 : i32
      %rem3A_65 = arith.constant 32 : i32
      %rem3A_66 = arith.remsi %while3A_55, %rem3A_65 : i32
      %dma_wait3A_67 = arith.constant 0 : i32
      %dma_wait3A_68 = tpu.memref_slice %arg2[%div3A_64, %rem3A_66, %dma_wait3A_67] : memref<26x32x100000xf32, #tpu.memory_space<hbm>> -> memref<1x1x100000xf32, #tpu.memory_space<hbm>>
      %dma_wait3A_69 = tpu.memref_squeeze %dma_wait3A_68 : memref<1x1x100000xf32, #tpu.memory_space<hbm>> -> memref<100000xf32, #tpu.memory_space<hbm>>
      %dma_wait3A_70 = arith.constant 0 : i32
      %dma_wait3A_71 = tpu.memref_slice %arg2[%div3A_64, %rem3A_66, %dma_wait3A_70] : memref<26x32x100000xf32, #tpu.memory_space<hbm>> -> memref<1x1x100000xf32, #tpu.memory_space<hbm>>
      %dma_wait3A_72 = tpu.memref_squeeze %dma_wait3A_71 : memref<1x1x100000xf32, #tpu.memory_space<hbm>> -> memref<100000xf32, #tpu.memory_space<hbm>>
      tpu.wait_dma2 semaphore(%arg9 : memref<!tpu.dma_semaphore, #tpu.memory_space<semaphore_mem>>) src(%dma_wait3A_72 : memref<100000xf32, #tpu.memory_space<hbm>>) dst(%arg5 : memref<100000xf32, #tpu.memory_space<vmem>>)
      %scan3A = arith.constant 0 : i32
      %scan3A_73 = arith.constant 0 : i32
      %scan3A_74 = arith.constant 4 : i32
      %scan3A_75 = arith.addi %scan3A_73, %scan3A_74 : i32
      %scan3A_76 = arith.constant 1 : i32
      %scan3A_77 = scf.for %scan3A_87 = %scan3A_73 to %scan3A_75 step %scan3A_76 iter_args(%scan3A_88 = %scan3A) -> (i32)  : i32 {
        %rem3A_89 = arith.constant 2 : i32
        %rem3A_90 = arith.remsi %scan3A_87, %rem3A_89 : i32
        %sub3A = arith.subi %while3A_55, %add3A_4 : i32
        %mul3A_91 = arith.constant 4 : i32
        %mul3A_92 = arith.muli %sub3A, %mul3A_91 : i32
        %add3A_93 = arith.addi %mul3A_92, %scan3A_87 : i32
        %ge3A = arith.constant 2 : i32
        %ge3A_94 = arith.cmpi sge, %add3A_93, %ge3A : i32
        %convert_element_type3A_95 = arith.extui %ge3A_94 : i1 to i32
        %cond3A_96 = arith.constant 0 : i32
        %cond3A_97 = arith.cmpi ne, %convert_element_type3A_95, %cond3A_96 : i32
        scf.if %cond3A_97 {
          %dma_wait3A_122 = arith.constant 0 : i32
          %dma_wait3A_123 = arith.constant 0 : i32
          %dma_wait3A_124 = arith.constant 0 : i32
          %dma_wait3A_125 = tpu.memref_slice %arg7[%rem3A_90, %dma_wait3A_124] : memref<2x4096xf32, #tpu.memory_space<vmem>> -> memref<1x4096xf32, #tpu.memory_space<vmem>>
          %dma_wait3A_126 = tpu.memref_squeeze %dma_wait3A_125 : memref<1x4096xf32, #tpu.memory_space<vmem>> -> memref<4096xf32, #tpu.memory_space<vmem>>
          %dma_wait3A_127 = arith.constant 0 : i32
          %dma_wait3A_128 = tpu.memref_slice %arg4[%dma_wait3A_122, %dma_wait3A_123, %dma_wait3A_127] : memref<13x32x16384xf32, #tpu.memory_space<hbm>> -> memref<1x1x4096xf32, #tpu.memory_space<hbm>>
          %dma_wait3A_129 = tpu.memref_squeeze %dma_wait3A_128 : memref<1x1x4096xf32, #tpu.memory_space<hbm>> -> memref<4096xf32, #tpu.memory_space<hbm>>
          %dma_wait3A_130 = arith.constant 0 : i32
          %dma_wait3A_131 = tpu.memref_slice %arg4[%dma_wait3A_122, %dma_wait3A_123, %dma_wait3A_130] : memref<13x32x16384xf32, #tpu.memory_space<hbm>> -> memref<1x1x4096xf32, #tpu.memory_space<hbm>>
          %dma_wait3A_132 = tpu.memref_squeeze %dma_wait3A_131 : memref<1x1x4096xf32, #tpu.memory_space<hbm>> -> memref<4096xf32, #tpu.memory_space<hbm>>
          %dma_wait3A_133 = arith.constant 0 : i32
          %dma_wait3A_134 = tpu.memref_slice %arg7[%rem3A_90, %dma_wait3A_133] : memref<2x4096xf32, #tpu.memory_space<vmem>> -> memref<1x4096xf32, #tpu.memory_space<vmem>>
          %dma_wait3A_135 = tpu.memref_squeeze %dma_wait3A_134 : memref<1x4096xf32, #tpu.memory_space<vmem>> -> memref<4096xf32, #tpu.memory_space<vmem>>
          tpu.wait_dma2 semaphore(%arg8 : memref<!tpu.dma_semaphore, #tpu.memory_space<semaphore_mem>>) src(%dma_wait3A_135 : memref<4096xf32, #tpu.memory_space<vmem>>) dst(%dma_wait3A_132 : memref<4096xf32, #tpu.memory_space<hbm>>)
        } else {
        }
        %mul3A_98 = arith.constant 4096 : i32
        %mul3A_99 = arith.muli %scan3A_87, %mul3A_98 : i32
        %scan3A_100 = arith.constant 0 : i32
        %scan3A_101 = arith.constant 0 : i32
        %scan3A_102 = arith.constant 16 : i32
        %scan3A_103 = arith.addi %scan3A_101, %scan3A_102 : i32
        %scan3A_104 = arith.constant 1 : i32
        %scan3A_105 = scf.for %scan3A_122 = %scan3A_101 to %scan3A_103 step %scan3A_104 iter_args(%scan3A_123 = %scan3A_100) -> (i32)  : i32 {
          %mul3A_124 = arith.constant 256 : i32
          %mul3A_125 = arith.muli %scan3A_122, %mul3A_124 : i32
          %add3A_126 = arith.addi %mul3A_99, %mul3A_125 : i32
          %add3A_127 = arith.constant 0 : i32
          %add3A_128 = arith.addi %add3A_126, %add3A_127 : i32
          %get3A = arith.index_cast %add3A_128 : i32 to index
          %get3A_129 = tpu.vector_load %arg6[%get3A] {strides = array<i32>} : memref<16384xi32, #tpu.memory_space<vmem>>, vector<16xi32>,
          %mul3A_130 = arith.constant 256 : i32
          %mul3A_131 = arith.muli %scan3A_122, %mul3A_130 : i32
          %add3A_132 = arith.addi %mul3A_99, %mul3A_131 : i32
          %add3A_133 = arith.constant 16 : i32
          %add3A_134 = arith.addi %add3A_132, %add3A_133 : i32
          %get3A_135 = arith.index_cast %add3A_134 : i32 to index
          %get3A_136 = tpu.vector_load %arg6[%get3A_135] {strides = array<i32>} : memref<16384xi32, #tpu.memory_space<vmem>>, vector<16xi32>,
          %mul3A_137 = arith.constant 256 : i32
          %mul3A_138 = arith.muli %scan3A_122, %mul3A_137 : i32
          %add3A_139 = arith.addi %mul3A_99, %mul3A_138 : i32
          %add3A_140 = arith.constant 32 : i32
          %add3A_141 = arith.addi %add3A_139, %add3A_140 : i32
          %get3A_142 = arith.index_cast %add3A_141 : i32 to index
          %get3A_143 = tpu.vector_load %arg6[%get3A_142] {strides = array<i32>} : memref<16384xi32, #tpu.memory_space<vmem>>, vector<16xi32>,
          %mul3A_144 = arith.constant 256 : i32
          %mul3A_145 = arith.muli %scan3A_122, %mul3A_144 : i32
          %add3A_146 = arith.addi %mul3A_99, %mul3A_145 : i32
          %add3A_147 = arith.constant 48 : i32
          %add3A_148 = arith.addi %add3A_146, %add3A_147 : i32
          %get3A_149 = arith.index_cast %add3A_148 : i32 to index
          %get3A_150 = tpu.vector_load %arg6[%get3A_149] {strides = array<i32>} : memref<16384xi32, #tpu.memory_space<vmem>>, vector<16xi32>,
          %mul3A_151 = arith.constant 256 : i32
          %mul3A_152 = arith.muli %scan3A_122, %mul3A_151 : i32
          %add3A_153 = arith.addi %mul3A_99, %mul3A_152 : i32
          %add3A_154 = arith.constant 64 : i32
          %add3A_155 = arith.addi %add3A_153, %add3A_154 : i32
          %get3A_156 = arith.index_cast %add3A_155 : i32 to index
          %get3A_157 = tpu.vector_load %arg6[%get3A_156] {strides = array<i32>} : memref<16384xi32, #tpu.memory_space<vmem>>, vector<16xi32>,
          %mul3A_158 = arith.constant 256 : i32
          %mul3A_159 = arith.muli %scan3A_122, %mul3A_158 : i32
          %add3A_160 = arith.addi %mul3A_99, %mul3A_159 : i32
          %add3A_161 = arith.constant 80 : i32
          %add3A_162 = arith.addi %add3A_160, %add3A_161 : i32
          %get3A_163 = arith.index_cast %add3A_162 : i32 to index
          %get3A_164 = tpu.vector_load %arg6[%get3A_163] {strides = array<i32>} : memref<16384xi32, #tpu.memory_space<vmem>>, vector<16xi32>,
          %mul3A_165 = arith.constant 256 : i32
          %mul3A_166 = arith.muli %scan3A_122, %mul3A_165 : i32
          %add3A_167 = arith.addi %mul3A_99, %mul3A_166 : i32
          %add3A_168 = arith.constant 96 : i32
          %add3A_169 = arith.addi %add3A_167, %add3A_168 : i32
          %get3A_170 = arith.index_cast %add3A_169 : i32 to index
          %get3A_171 = tpu.vector_load %arg6[%get3A_170] {strides = array<i32>} : memref<16384xi32, #tpu.memory_space<vmem>>, vector<16xi32>,
          %mul3A_172 = arith.constant 256 : i32
          %mul3A_173 = arith.muli %scan3A_122, %mul3A_172 : i32
          %add3A_174 = arith.addi %mul3A_99, %mul3A_173 : i32
          %add3A_175 = arith.constant 112 : i32
          %add3A_176 = arith.addi %add3A_174, %add3A_175 : i32
          %get3A_177 = arith.index_cast %add3A_176 : i32 to index
          %get3A_178 = tpu.vector_load %arg6[%get3A_177] {strides = array<i32>} : memref<16384xi32, #tpu.memory_space<vmem>>, vector<16xi32>,
          %mul3A_179 = arith.constant 256 : i32
          %mul3A_180 = arith.muli %scan3A_122, %mul3A_179 : i32
          %add3A_181 = arith.addi %mul3A_99, %mul3A_180 : i32
          %add3A_182 = arith.constant 128 : i32
          %add3A_183 = arith.addi %add3A_181, %add3A_182 : i32
          %get3A_184 = arith.index_cast %add3A_183 : i32 to index
          %get3A_185 = tpu.vector_load %arg6[%get3A_184] {strides = array<i32>} : memref<16384xi32, #tpu.memory_space<vmem>>, vector<16xi32>,
          %mul3A_186 = arith.constant 256 : i32
          %mul3A_187 = arith.muli %scan3A_122, %mul3A_186 : i32
          %add3A_188 = arith.addi %mul3A_99, %mul3A_187 : i32
          %add3A_189 = arith.constant 144 : i32
          %add3A_190 = arith.addi %add3A_188, %add3A_189 : i32
          %get3A_191 = arith.index_cast %add3A_190 : i32 to index
          %get3A_192 = tpu.vector_load %arg6[%get3A_191] {strides = array<i32>} : memref<16384xi32, #tpu.memory_space<vmem>>, vector<16xi32>,
          %mul3A_193 = arith.constant 256 : i32
          %mul3A_194 = arith.muli %scan3A_122, %mul3A_193 : i32
          %add3A_195 = arith.addi %mul3A_99, %mul3A_194 : i32
          %add3A_196 = arith.constant 160 : i32
          %add3A_197 = arith.addi %add3A_195, %add3A_196 : i32
          %get3A_198 = arith.index_cast %add3A_197 : i32 to index
          %get3A_199 = tpu.vector_load %arg6[%get3A_198] {strides = array<i32>} : memref<16384xi32, #tpu.memory_space<vmem>>, vector<16xi32>,
          %mul3A_200 = arith.constant 256 : i32
          %mul3A_201 = arith.muli %scan3A_122, %mul3A_200 : i32
          %add3A_202 = arith.addi %mul3A_99, %mul3A_201 : i32
          %add3A_203 = arith.constant 176 : i32
          %add3A_204 = arith.addi %add3A_202, %add3A_203 : i32
          %get3A_205 = arith.index_cast %add3A_204 : i32 to index
          %get3A_206 = tpu.vector_load %arg6[%get3A_205] {strides = array<i32>} : memref<16384xi32, #tpu.memory_space<vmem>>, vector<16xi32>,
          %mul3A_207 = arith.constant 256 : i32
          %mul3A_208 = arith.muli %scan3A_122, %mul3A_207 : i32
          %add3A_209 = arith.addi %mul3A_99, %mul3A_208 : i32
          %add3A_210 = arith.constant 192 : i32
          %add3A_211 = arith.addi %add3A_209, %add3A_210 : i32
          %get3A_212 = arith.index_cast %add3A_211 : i32 to index
          %get3A_213 = tpu.vector_load %arg6[%get3A_212] {strides = array<i32>} : memref<16384xi32, #tpu.memory_space<vmem>>, vector<16xi32>,
          %mul3A_214 = arith.constant 256 : i32
          %mul3A_215 = arith.muli %scan3A_122, %mul3A_214 : i32
          %add3A_216 = arith.addi %mul3A_99, %mul3A_215 : i32
          %add3A_217 = arith.constant 208 : i32
          %add3A_218 = arith.addi %add3A_216, %add3A_217 : i32
          %get3A_219 = arith.index_cast %add3A_218 : i32 to index
          %get3A_220 = tpu.vector_load %arg6[%get3A_219] {strides = array<i32>} : memref<16384xi32, #tpu.memory_space<vmem>>, vector<16xi32>,
          %mul3A_221 = arith.constant 256 : i32
          %mul3A_222 = arith.muli %scan3A_122, %mul3A_221 : i32
          %add3A_223 = arith.addi %mul3A_99, %mul3A_222 : i32
          %add3A_224 = arith.constant 224 : i32
          %add3A_225 = arith.addi %add3A_223, %add3A_224 : i32
          %get3A_226 = arith.index_cast %add3A_225 : i32 to index
          %get3A_227 = tpu.vector_load %arg6[%get3A_226] {strides = array<i32>} : memref<16384xi32, #tpu.memory_space<vmem>>, vector<16xi32>,
          %mul3A_228 = arith.constant 256 : i32
          %mul3A_229 = arith.muli %scan3A_122, %mul3A_228 : i32
          %add3A_230 = arith.addi %mul3A_99, %mul3A_229 : i32
          %add3A_231 = arith.constant 240 : i32
          %add3A_232 = arith.addi %add3A_230, %add3A_231 : i32
          %get3A_233 = arith.index_cast %add3A_232 : i32 to index
          %get3A_234 = tpu.vector_load %arg6[%get3A_233] {strides = array<i32>} : memref<16384xi32, #tpu.memory_space<vmem>>, vector<16xi32>,
          %gather3A = tpu.vector_load_idx %arg5[%get3A_129] : memref<100000xf32, #tpu.memory_space<vmem>>[vector<16xi32>], vector<16xf32>,
          %gather3A_235 = tpu.vector_load_idx %arg5[%get3A_136] : memref<100000xf32, #tpu.memory_space<vmem>>[vector<16xi32>], vector<16xf32>,
          %gather3A_236 = tpu.vector_load_idx %arg5[%get3A_143] : memref<100000xf32, #tpu.memory_space<vmem>>[vector<16xi32>], vector<16xf32>,
          %gather3A_237 = tpu.vector_load_idx %arg5[%get3A_150] : memref<100000xf32, #tpu.memory_space<vmem>>[vector<16xi32>], vector<16xf32>,
          %gather3A_238 = tpu.vector_load_idx %arg5[%get3A_157] : memref<100000xf32, #tpu.memory_space<vmem>>[vector<16xi32>], vector<16xf32>,
          %gather3A_239 = tpu.vector_load_idx %arg5[%get3A_164] : memref<100000xf32, #tpu.memory_space<vmem>>[vector<16xi32>], vector<16xf32>,
          %gather3A_240 = tpu.vector_load_idx %arg5[%get3A_171] : memref<100000xf32, #tpu.memory_space<vmem>>[vector<16xi32>], vector<16xf32>,
          %gather3A_241 = tpu.vector_load_idx %arg5[%get3A_178] : memref<100000xf32, #tpu.memory_space<vmem>>[vector<16xi32>], vector<16xf32>,
          %gather3A_242 = tpu.vector_load_idx %arg5[%get3A_185] : memref<100000xf32, #tpu.memory_space<vmem>>[vector<16xi32>], vector<16xf32>,
          %gather3A_243 = tpu.vector_load_idx %arg5[%get3A_192] : memref<100000xf32, #tpu.memory_space<vmem>>[vector<16xi32>], vector<16xf32>,
          %gather3A_244 = tpu.vector_load_idx %arg5[%get3A_199] : memref<100000xf32, #tpu.memory_space<vmem>>[vector<16xi32>], vector<16xf32>,
          %gather3A_245 = tpu.vector_load_idx %arg5[%get3A_206] : memref<100000xf32, #tpu.memory_space<vmem>>[vector<16xi32>], vector<16xf32>,
          %gather3A_246 = tpu.vector_load_idx %arg5[%get3A_213] : memref<100000xf32, #tpu.memory_space<vmem>>[vector<16xi32>], vector<16xf32>,
          %gather3A_247 = tpu.vector_load_idx %arg5[%get3A_220] : memref<100000xf32, #tpu.memory_space<vmem>>[vector<16xi32>], vector<16xf32>,
          %gather3A_248 = tpu.vector_load_idx %arg5[%get3A_227] : memref<100000xf32, #tpu.memory_space<vmem>>[vector<16xi32>], vector<16xf32>,
          %gather3A_249 = tpu.vector_load_idx %arg5[%get3A_234] : memref<100000xf32, #tpu.memory_space<vmem>>[vector<16xi32>], vector<16xf32>,
          %mul3A_250 = arith.constant 256 : i32
          %mul3A_251 = arith.muli %scan3A_122, %mul3A_250 : i32
          %add3A_252 = arith.constant 0 : i32
          %add3A_253 = arith.addi %mul3A_251, %add3A_252 : i32
          %swap3A = arith.index_cast %rem3A_90 : i32 to index
          %swap3A_254 = arith.index_cast %add3A_253 : i32 to index
          %swap3A_255 = tpu.vector_load %arg7[%swap3A, %swap3A_254] {strides = array<i32>} : memref<2x4096xf32, #tpu.memory_space<vmem>>, vector<16xf32>,
          tpu.vector_store %arg7[%swap3A, %swap3A_254], %gather3A {strides = array<i32>} : memref<2x4096xf32, #tpu.memory_space<vmem>>, vector<16xf32>,
          %mul3A_256 = arith.constant 256 : i32
          %mul3A_257 = arith.muli %scan3A_122, %mul3A_256 : i32
          %add3A_258 = arith.constant 16 : i32
          %add3A_259 = arith.addi %mul3A_257, %add3A_258 : i32
          %swap3A_260 = arith.index_cast %rem3A_90 : i32 to index
          %swap3A_261 = arith.index_cast %add3A_259 : i32 to index
          %swap3A_262 = tpu.vector_load %arg7[%swap3A_260, %swap3A_261] {strides = array<i32>} : memref<2x4096xf32, #tpu.memory_space<vmem>>, vector<16xf32>,
          tpu.vector_store %arg7[%swap3A_260, %swap3A_261], %gather3A_235 {strides = array<i32>} : memref<2x4096xf32, #tpu.memory_space<vmem>>, vector<16xf32>,
          %mul3A_263 = arith.constant 256 : i32
          %mul3A_264 = arith.muli %scan3A_122, %mul3A_263 : i32
          %add3A_265 = arith.constant 32 : i32
          %add3A_266 = arith.addi %mul3A_264, %add3A_265 : i32
          %swap3A_267 = arith.index_cast %rem3A_90 : i32 to index
          %swap3A_268 = arith.index_cast %add3A_266 : i32 to index
          %swap3A_269 = tpu.vector_load %arg7[%swap3A_267, %swap3A_268] {strides = array<i32>} : memref<2x4096xf32, #tpu.memory_space<vmem>>, vector<16xf32>,
          tpu.vector_store %arg7[%swap3A_267, %swap3A_268], %gather3A_236 {strides = array<i32>} : memref<2x4096xf32, #tpu.memory_space<vmem>>, vector<16xf32>,
          %mul3A_270 = arith.constant 256 : i32
          %mul3A_271 = arith.muli %scan3A_122, %mul3A_270 : i32
          %add3A_272 = arith.constant 48 : i32
          %add3A_273 = arith.addi %mul3A_271, %add3A_272 : i32
          %swap3A_274 = arith.index_cast %rem3A_90 : i32 to index
          %swap3A_275 = arith.index_cast %add3A_273 : i32 to index
          %swap3A_276 = tpu.vector_load %arg7[%swap3A_274, %swap3A_275] {strides = array<i32>} : memref<2x4096xf32, #tpu.memory_space<vmem>>, vector<16xf32>,
          tpu.vector_store %arg7[%swap3A_274, %swap3A_275], %gather3A_237 {strides = array<i32>} : memref<2x4096xf32, #tpu.memory_space<vmem>>, vector<16xf32>,
          %mul3A_277 = arith.constant 256 : i32
          %mul3A_278 = arith.muli %scan3A_122, %mul3A_277 : i32
          %add3A_279 = arith.constant 64 : i32
          %add3A_280 = arith.addi %mul3A_278, %add3A_279 : i32
          %swap3A_281 = arith.index_cast %rem3A_90 : i32 to index
          %swap3A_282 = arith.index_cast %add3A_280 : i32 to index
          %swap3A_283 = tpu.vector_load %arg7[%swap3A_281, %swap3A_282] {strides = array<i32>} : memref<2x4096xf32, #tpu.memory_space<vmem>>, vector<16xf32>,
          tpu.vector_store %arg7[%swap3A_281, %swap3A_282], %gather3A_238 {strides = array<i32>} : memref<2x4096xf32, #tpu.memory_space<vmem>>, vector<16xf32>,
          %mul3A_284 = arith.constant 256 : i32
          %mul3A_285 = arith.muli %scan3A_122, %mul3A_284 : i32
          %add3A_286 = arith.constant 80 : i32
          %add3A_287 = arith.addi %mul3A_285, %add3A_286 : i32
          %swap3A_288 = arith.index_cast %rem3A_90 : i32 to index
          %swap3A_289 = arith.index_cast %add3A_287 : i32 to index
          %swap3A_290 = tpu.vector_load %arg7[%swap3A_288, %swap3A_289] {strides = array<i32>} : memref<2x4096xf32, #tpu.memory_space<vmem>>, vector<16xf32>,
          tpu.vector_store %arg7[%swap3A_288, %swap3A_289], %gather3A_239 {strides = array<i32>} : memref<2x4096xf32, #tpu.memory_space<vmem>>, vector<16xf32>,
          %mul3A_291 = arith.constant 256 : i32
          %mul3A_292 = arith.muli %scan3A_122, %mul3A_291 : i32
          %add3A_293 = arith.constant 96 : i32
          %add3A_294 = arith.addi %mul3A_292, %add3A_293 : i32
          %swap3A_295 = arith.index_cast %rem3A_90 : i32 to index
          %swap3A_296 = arith.index_cast %add3A_294 : i32 to index
          %swap3A_297 = tpu.vector_load %arg7[%swap3A_295, %swap3A_296] {strides = array<i32>} : memref<2x4096xf32, #tpu.memory_space<vmem>>, vector<16xf32>,
          tpu.vector_store %arg7[%swap3A_295, %swap3A_296], %gather3A_240 {strides = array<i32>} : memref<2x4096xf32, #tpu.memory_space<vmem>>, vector<16xf32>,
          %mul3A_298 = arith.constant 256 : i32
          %mul3A_299 = arith.muli %scan3A_122, %mul3A_298 : i32
          %add3A_300 = arith.constant 112 : i32
          %add3A_301 = arith.addi %mul3A_299, %add3A_300 : i32
          %swap3A_302 = arith.index_cast %rem3A_90 : i32 to index
          %swap3A_303 = arith.index_cast %add3A_301 : i32 to index
          %swap3A_304 = tpu.vector_load %arg7[%swap3A_302, %swap3A_303] {strides = array<i32>} : memref<2x4096xf32, #tpu.memory_space<vmem>>, vector<16xf32>,
          tpu.vector_store %arg7[%swap3A_302, %swap3A_303], %gather3A_241 {strides = array<i32>} : memref<2x4096xf32, #tpu.memory_space<vmem>>, vector<16xf32>,
          %mul3A_305 = arith.constant 256 : i32
          %mul3A_306 = arith.muli %scan3A_122, %mul3A_305 : i32
          %add3A_307 = arith.constant 128 : i32
          %add3A_308 = arith.addi %mul3A_306, %add3A_307 : i32
          %swap3A_309 = arith.index_cast %rem3A_90 : i32 to index
          %swap3A_310 = arith.index_cast %add3A_308 : i32 to index
          %swap3A_311 = tpu.vector_load %arg7[%swap3A_309, %swap3A_310] {strides = array<i32>} : memref<2x4096xf32, #tpu.memory_space<vmem>>, vector<16xf32>,
          tpu.vector_store %arg7[%swap3A_309, %swap3A_310], %gather3A_242 {strides = array<i32>} : memref<2x4096xf32, #tpu.memory_space<vmem>>, vector<16xf32>,
          %mul3A_312 = arith.constant 256 : i32
          %mul3A_313 = arith.muli %scan3A_122, %mul3A_312 : i32
          %add3A_314 = arith.constant 144 : i32
          %add3A_315 = arith.addi %mul3A_313, %add3A_314 : i32
          %swap3A_316 = arith.index_cast %rem3A_90 : i32 to index
          %swap3A_317 = arith.index_cast %add3A_315 : i32 to index
          %swap3A_318 = tpu.vector_load %arg7[%swap3A_316, %swap3A_317] {strides = array<i32>} : memref<2x4096xf32, #tpu.memory_space<vmem>>, vector<16xf32>,
          tpu.vector_store %arg7[%swap3A_316, %swap3A_317], %gather3A_243 {strides = array<i32>} : memref<2x4096xf32, #tpu.memory_space<vmem>>, vector<16xf32>,
          %mul3A_319 = arith.constant 256 : i32
          %mul3A_320 = arith.muli %scan3A_122, %mul3A_319 : i32
          %add3A_321 = arith.constant 160 : i32
          %add3A_322 = arith.addi %mul3A_320, %add3A_321 : i32
          %swap3A_323 = arith.index_cast %rem3A_90 : i32 to index
          %swap3A_324 = arith.index_cast %add3A_322 : i32 to index
          %swap3A_325 = tpu.vector_load %arg7[%swap3A_323, %swap3A_324] {strides = array<i32>} : memref<2x4096xf32, #tpu.memory_space<vmem>>, vector<16xf32>,
          tpu.vector_store %arg7[%swap3A_323, %swap3A_324], %gather3A_244 {strides = array<i32>} : memref<2x4096xf32, #tpu.memory_space<vmem>>, vector<16xf32>,
          %mul3A_326 = arith.constant 256 : i32
          %mul3A_327 = arith.muli %scan3A_122, %mul3A_326 : i32
          %add3A_328 = arith.constant 176 : i32
          %add3A_329 = arith.addi %mul3A_327, %add3A_328 : i32
          %swap3A_330 = arith.index_cast %rem3A_90 : i32 to index
          %swap3A_331 = arith.index_cast %add3A_329 : i32 to index
          %swap3A_332 = tpu.vector_load %arg7[%swap3A_330, %swap3A_331] {strides = array<i32>} : memref<2x4096xf32, #tpu.memory_space<vmem>>, vector<16xf32>,
          tpu.vector_store %arg7[%swap3A_330, %swap3A_331], %gather3A_245 {strides = array<i32>} : memref<2x4096xf32, #tpu.memory_space<vmem>>, vector<16xf32>,
          %mul3A_333 = arith.constant 256 : i32
          %mul3A_334 = arith.muli %scan3A_122, %mul3A_333 : i32
          %add3A_335 = arith.constant 192 : i32
          %add3A_336 = arith.addi %mul3A_334, %add3A_335 : i32
          %swap3A_337 = arith.index_cast %rem3A_90 : i32 to index
          %swap3A_338 = arith.index_cast %add3A_336 : i32 to index
          %swap3A_339 = tpu.vector_load %arg7[%swap3A_337, %swap3A_338] {strides = array<i32>} : memref<2x4096xf32, #tpu.memory_space<vmem>>, vector<16xf32>,
          tpu.vector_store %arg7[%swap3A_337, %swap3A_338], %gather3A_246 {strides = array<i32>} : memref<2x4096xf32, #tpu.memory_space<vmem>>, vector<16xf32>,
          %mul3A_340 = arith.constant 256 : i32
          %mul3A_341 = arith.muli %scan3A_122, %mul3A_340 : i32
          %add3A_342 = arith.constant 208 : i32
          %add3A_343 = arith.addi %mul3A_341, %add3A_342 : i32
          %swap3A_344 = arith.index_cast %rem3A_90 : i32 to index
          %swap3A_345 = arith.index_cast %add3A_343 : i32 to index
          %swap3A_346 = tpu.vector_load %arg7[%swap3A_344, %swap3A_345] {strides = array<i32>} : memref<2x4096xf32, #tpu.memory_space<vmem>>, vector<16xf32>,
          tpu.vector_store %arg7[%swap3A_344, %swap3A_345], %gather3A_247 {strides = array<i32>} : memref<2x4096xf32, #tpu.memory_space<vmem>>, vector<16xf32>,
          %mul3A_347 = arith.constant 256 : i32
          %mul3A_348 = arith.muli %scan3A_122, %mul3A_347 : i32
          %add3A_349 = arith.constant 224 : i32
          %add3A_350 = arith.addi %mul3A_348, %add3A_349 : i32
          %swap3A_351 = arith.index_cast %rem3A_90 : i32 to index
          %swap3A_352 = arith.index_cast %add3A_350 : i32 to index
          %swap3A_353 = tpu.vector_load %arg7[%swap3A_351, %swap3A_352] {strides = array<i32>} : memref<2x4096xf32, #tpu.memory_space<vmem>>, vector<16xf32>,
          tpu.vector_store %arg7[%swap3A_351, %swap3A_352], %gather3A_248 {strides = array<i32>} : memref<2x4096xf32, #tpu.memory_space<vmem>>, vector<16xf32>,
          %mul3A_354 = arith.constant 256 : i32
          %mul3A_355 = arith.muli %scan3A_122, %mul3A_354 : i32
          %add3A_356 = arith.constant 240 : i32
          %add3A_357 = arith.addi %mul3A_355, %add3A_356 : i32
          %swap3A_358 = arith.index_cast %rem3A_90 : i32 to index
          %swap3A_359 = arith.index_cast %add3A_357 : i32 to index
          %swap3A_360 = tpu.vector_load %arg7[%swap3A_358, %swap3A_359] {strides = array<i32>} : memref<2x4096xf32, #tpu.memory_space<vmem>>, vector<16xf32>,
          tpu.vector_store %arg7[%swap3A_358, %swap3A_359], %gather3A_249 {strides = array<i32>} : memref<2x4096xf32, #tpu.memory_space<vmem>>, vector<16xf32>,
          %scan3A_361 = arith.constant 0 : i32
          scf.yield %scan3A_361 : i32
        }
        %scan3A_106 = arith.constant 16 : i32
        %sub3A_107 = arith.constant 0 : i32
        %sub3A_108 = arith.subi %div3A_58, %sub3A_107 : i32
        %mul3A_109 = arith.constant 4096 : i32
        %mul3A_110 = arith.muli %scan3A_87, %mul3A_109 : i32
        %dma_start3A_111 = arith.constant 0 : i32
        %dma_start3A_112 = tpu.memref_slice %arg7[%rem3A_90, %dma_start3A_111] : memref<2x4096xf32, #tpu.memory_space<vmem>> -> memref<1x4096xf32, #tpu.memory_space<vmem>>
        %dma_start3A_113 = tpu.memref_squeeze %dma_start3A_112 : memref<1x4096xf32, #tpu.memory_space<vmem>> -> memref<4096xf32, #tpu.memory_space<vmem>>
        %dma_start3A_114 = tpu.memref_slice %arg4[%sub3A_108, %rem3A_60, %mul3A_110] : memref<13x32x16384xf32, #tpu.memory_space<hbm>> -> memref<1x1x4096xf32, #tpu.memory_space<hbm>>
        %dma_start3A_115 = tpu.memref_squeeze %dma_start3A_114 : memref<1x1x4096xf32, #tpu.memory_space<hbm>> -> memref<4096xf32, #tpu.memory_space<hbm>>
        %dma_start3A_116 = tpu.memref_slice %arg4[%sub3A_108, %rem3A_60, %mul3A_110] : memref<13x32x16384xf32, #tpu.memory_space<hbm>> -> memref<1x1x4096xf32, #tpu.memory_space<hbm>>
        %dma_start3A_117 = tpu.memref_squeeze %dma_start3A_116 : memref<1x1x4096xf32, #tpu.memory_space<hbm>> -> memref<4096xf32, #tpu.memory_space<hbm>>
        %dma_start3A_118 = arith.constant 0 : i32
        %dma_start3A_119 = tpu.memref_slice %arg7[%rem3A_90, %dma_start3A_118] : memref<2x4096xf32, #tpu.memory_space<vmem>> -> memref<1x4096xf32, #tpu.memory_space<vmem>>
        %dma_start3A_120 = tpu.memref_squeeze %dma_start3A_119 : memref<1x4096xf32, #tpu.memory_space<vmem>> -> memref<4096xf32, #tpu.memory_space<vmem>>
        tpu.enqueue_dma source(%dma_start3A_120 : memref<4096xf32, #tpu.memory_space<vmem>>) target(%dma_start3A_117 : memref<4096xf32, #tpu.memory_space<hbm>>) target_semaphore(%arg8 : memref<!tpu.dma_semaphore, #tpu.memory_space<semaphore_mem>>)
        %scan3A_121 = arith.constant 0 : i32
        scf.yield %scan3A_121 : i32
      }
      %scan3A_78 = arith.constant 4 : i32
      %add3A_79 = arith.constant 1 : i32
      %add3A_80 = arith.addi %while3A_55, %add3A_79 : i32
      %add3A_81 = arith.constant 13 : i32
      %add3A_82 = arith.addi %add3A_4, %add3A_81 : i32
      %lt3A = arith.cmpi slt, %add3A_80, %add3A_82 : i32
      %convert_element_type3A_83 = arith.extui %lt3A : i1 to i32
      %cond3A_84 = arith.constant 0 : i32
      %cond3A_85 = arith.cmpi ne, %convert_element_type3A_83, %cond3A_84 : i32
      scf.if %cond3A_85 {
        %add3A_87 = arith.constant 1 : i32
        %add3A_88 = arith.addi %while3A_55, %add3A_87 : i32
        %div3A_89 = arith.constant 32 : i32
        %div3A_90 = arith.divsi %add3A_88, %div3A_89 : i32
        %rem3A_91 = arith.constant 32 : i32
        %rem3A_92 = arith.remsi %add3A_88, %rem3A_91 : i32
        %dma_start3A_93 = arith.constant 0 : i32
        %dma_start3A_94 = tpu.memref_slice %arg2[%div3A_90, %rem3A_92, %dma_start3A_93] : memref<26x32x100000xf32, #tpu.memory_space<hbm>> -> memref<1x1x100000xf32, #tpu.memory_space<hbm>>
        %dma_start3A_95 = tpu.memref_squeeze %dma_start3A_94 : memref<1x1x100000xf32, #tpu.memory_space<hbm>> -> memref<100000xf32, #tpu.memory_space<hbm>>
        %dma_start3A_96 = arith.constant 0 : i32
        %dma_start3A_97 = tpu.memref_slice %arg2[%div3A_90, %rem3A_92, %dma_start3A_96] : memref<26x32x100000xf32, #tpu.memory_space<hbm>> -> memref<1x1x100000xf32, #tpu.memory_space<hbm>>
        %dma_start3A_98 = tpu.memref_squeeze %dma_start3A_97 : memref<1x1x100000xf32, #tpu.memory_space<hbm>> -> memref<100000xf32, #tpu.memory_space<hbm>>
        tpu.enqueue_dma source(%dma_start3A_98 : memref<100000xf32, #tpu.memory_space<hbm>>) target(%arg5 : memref<100000xf32, #tpu.memory_space<vmem>>) target_semaphore(%arg9 : memref<!tpu.dma_semaphore, #tpu.memory_space<semaphore_mem>>)
      } else {
      }
      %while3A_86 = arith.constant 0 : i32
      scf.yield %while3A_86 : i32
    }
    %dma_wait3A = arith.constant 0 : i32
    %dma_wait3A_26 = arith.constant 0 : i32
    %dma_wait3A_27 = arith.constant 0 : i32
    %dma_wait3A_28 = arith.constant 0 : i32
    %dma_wait3A_29 = tpu.memref_slice %arg7[%dma_wait3A, %dma_wait3A_28] : memref<2x4096xf32, #tpu.memory_space<vmem>> -> memref<1x4096xf32, #tpu.memory_space<vmem>>
    %dma_wait3A_30 = tpu.memref_squeeze %dma_wait3A_29 : memref<1x4096xf32, #tpu.memory_space<vmem>> -> memref<4096xf32, #tpu.memory_space<vmem>>
    %dma_wait3A_31 = arith.constant 0 : i32
    %dma_wait3A_32 = tpu.memref_slice %arg4[%dma_wait3A_26, %dma_wait3A_27, %dma_wait3A_31] : memref<13x32x16384xf32, #tpu.memory_space<hbm>> -> memref<1x1x4096xf32, #tpu.memory_space<hbm>>
    %dma_wait3A_33 = tpu.memref_squeeze %dma_wait3A_32 : memref<1x1x4096xf32, #tpu.memory_space<hbm>> -> memref<4096xf32, #tpu.memory_space<hbm>>
    %dma_wait3A_34 = arith.constant 0 : i32
    %dma_wait3A_35 = tpu.memref_slice %arg4[%dma_wait3A_26, %dma_wait3A_27, %dma_wait3A_34] : memref<13x32x16384xf32, #tpu.memory_space<hbm>> -> memref<1x1x4096xf32, #tpu.memory_space<hbm>>
    %dma_wait3A_36 = tpu.memref_squeeze %dma_wait3A_35 : memref<1x1x4096xf32, #tpu.memory_space<hbm>> -> memref<4096xf32, #tpu.memory_space<hbm>>
    %dma_wait3A_37 = arith.constant 0 : i32
    %dma_wait3A_38 = tpu.memref_slice %arg7[%dma_wait3A, %dma_wait3A_37] : memref<2x4096xf32, #tpu.memory_space<vmem>> -> memref<1x4096xf32, #tpu.memory_space<vmem>>
    %dma_wait3A_39 = tpu.memref_squeeze %dma_wait3A_38 : memref<1x4096xf32, #tpu.memory_space<vmem>> -> memref<4096xf32, #tpu.memory_space<vmem>>
    tpu.wait_dma2 semaphore(%arg8 : memref<!tpu.dma_semaphore, #tpu.memory_space<semaphore_mem>>) src(%dma_wait3A_39 : memref<4096xf32, #tpu.memory_space<vmem>>) dst(%dma_wait3A_36 : memref<4096xf32, #tpu.memory_space<hbm>>)
    %dma_wait3A_40 = arith.constant 1 : i32
    %dma_wait3A_41 = arith.constant 0 : i32
    %dma_wait3A_42 = arith.constant 0 : i32
    %dma_wait3A_43 = arith.constant 0 : i32
    %dma_wait3A_44 = tpu.memref_slice %arg7[%dma_wait3A_40, %dma_wait3A_43] : memref<2x4096xf32, #tpu.memory_space<vmem>> -> memref<1x4096xf32, #tpu.memory_space<vmem>>
    %dma_wait3A_45 = tpu.memref_squeeze %dma_wait3A_44 : memref<1x4096xf32, #tpu.memory_space<vmem>> -> memref<4096xf32, #tpu.memory_space<vmem>>
    %dma_wait3A_46 = arith.constant 0 : i32
    %dma_wait3A_47 = tpu.memref_slice %arg4[%dma_wait3A_41, %dma_wait3A_42, %dma_wait3A_46] : memref<13x32x16384xf32, #tpu.memory_space<hbm>> -> memref<1x1x4096xf32, #tpu.memory_space<hbm>>
    %dma_wait3A_48 = tpu.memref_squeeze %dma_wait3A_47 : memref<1x1x4096xf32, #tpu.memory_space<hbm>> -> memref<4096xf32, #tpu.memory_space<hbm>>
    %dma_wait3A_49 = arith.constant 0 : i32
    %dma_wait3A_50 = tpu.memref_slice %arg4[%dma_wait3A_41, %dma_wait3A_42, %dma_wait3A_49] : memref<13x32x16384xf32, #tpu.memory_space<hbm>> -> memref<1x1x4096xf32, #tpu.memory_space<hbm>>
    %dma_wait3A_51 = tpu.memref_squeeze %dma_wait3A_50 : memref<1x1x4096xf32, #tpu.memory_space<hbm>> -> memref<4096xf32, #tpu.memory_space<hbm>>
    %dma_wait3A_52 = arith.constant 0 : i32
    %dma_wait3A_53 = tpu.memref_slice %arg7[%dma_wait3A_40, %dma_wait3A_52] : memref<2x4096xf32, #tpu.memory_space<vmem>> -> memref<1x4096xf32, #tpu.memory_space<vmem>>
    %dma_wait3A_54 = tpu.memref_squeeze %dma_wait3A_53 : memref<1x4096xf32, #tpu.memory_space<vmem>> -> memref<4096xf32, #tpu.memory_space<vmem>>
    tpu.wait_dma2 semaphore(%arg8 : memref<!tpu.dma_semaphore, #tpu.memory_space<semaphore_mem>>) src(%dma_wait3A_54 : memref<4096xf32, #tpu.memory_space<vmem>>) dst(%dma_wait3A_51 : memref<4096xf32, #tpu.memory_space<hbm>>)
    return
  }
}

module attributes {stable_mosaic.version = 14 : i64} {
  func.func @_tc_num_body(%arg0: i32, %arg1: memref<13x512xf32, #tpu.memory_space<vmem>>, %arg2: memref<13x16xf32, #tpu.memory_space<vmem>>, %arg3: memref<32x1xf32, #tpu.memory_space<vmem>>, %arg4: memref<32x1xf32, #tpu.memory_space<vmem>>, %arg5: memref<13x32x512xf32, #tpu.memory_space<vmem>>) attributes {dimension_semantics = [#tpu.dimension_semantics<arbitrary>], iteration_bounds = array<i64: 32>, scalar_prefetch = 0 : i64, scratch_operands = 0 : i64, tpu.core_type = #tpu.core_type<tc>, window_params = [{transform_indices = @transform_0, window_bounds = array<i64: 13, 512>}, {pipeline_mode = #tpu.pipeline_mode<synchronous>, transform_indices = @transform_1, window_bounds = array<i64: 13, 16>}, {pipeline_mode = #tpu.pipeline_mode<synchronous>, transform_indices = @transform_2, window_bounds = array<i64: 32, 1>}, {pipeline_mode = #tpu.pipeline_mode<synchronous>, transform_indices = @transform_3, window_bounds = array<i64: 32, 1>}, {transform_indices = @transform_4, window_bounds = array<i64: 13, 32, 512>}]} {
    %get3A = arith.constant 0 : index
    %get3A_0 = arith.constant 0 : index
    %get3A_1 = vector.load %arg3[%get3A, %get3A_0] : memref<32x1xf32, #tpu.memory_space<vmem>>, vector<32x1xf32>
    %broadcast_in_dim3A = vector.shape_cast %get3A_1 : vector<32x1xf32> to vector<1x32x1xf32>
    %get3A_2 = arith.constant 0 : index
    %get3A_3 = arith.constant 0 : index
    %get3A_4 = vector.load %arg4[%get3A_2, %get3A_3] : memref<32x1xf32, #tpu.memory_space<vmem>>, vector<32x1xf32>
    %broadcast_in_dim3A_5 = vector.shape_cast %get3A_4 : vector<32x1xf32> to vector<1x32x1xf32>
    %get3A_6 = arith.constant 0 : index
    %get3A_7 = arith.constant 0 : index
    %get3A_8 = vector.load %arg1[%get3A_6, %get3A_7] : memref<13x512xf32, #tpu.memory_space<vmem>>, vector<13x512xf32>
    %get3A_9 = arith.constant 0 : index
    %get3A_10 = arith.constant 0 : index
    %get3A_11 = vector.load %arg2[%get3A_9, %get3A_10] : memref<13x16xf32, #tpu.memory_space<vmem>>, vector<13x16xf32>
    %broadcast_in_dim3A_12 = vector.shape_cast %get3A_8 : vector<13x512xf32> to vector<13x1x512xf32>
    %broadcast_in_dim3A_13 = vector.shape_cast %get3A_11 : vector<13x16xf32> to vector<13x16x1xf32>
    %mul3A = vector.broadcast %broadcast_in_dim3A_12 : vector<13x1x512xf32> to vector<13x16x512xf32>
    %mul3A_14 = vector.broadcast %broadcast_in_dim3A_13 : vector<13x16x1xf32> to vector<13x16x512xf32>
    %mul3A_15 = arith.mulf %mul3A, %mul3A_14 : vector<13x16x512xf32>
    %sin3A = math.sin %mul3A_15 : vector<13x16x512xf32>
    %cos3A = math.cos %mul3A_15 : vector<13x16x512xf32>
    %reduce_sum3A = arith.constant dense<0.000000e+00> : vector<13x512xf32>
    %reduce_sum3A_16 = vector.multi_reduction <add>, %sin3A, %reduce_sum3A [1] : vector<13x16x512xf32> to vector<13x512xf32>
    %reduce_sum3A_17 = arith.constant dense<0.000000e+00> : vector<13x512xf32>
    %reduce_sum3A_18 = vector.multi_reduction <add>, %cos3A, %reduce_sum3A_17 [1] : vector<13x16x512xf32> to vector<13x512xf32>
    %add3A = arith.addf %reduce_sum3A_16, %reduce_sum3A_18 : vector<13x512xf32>
    %mul3A_19 = arith.constant 3.125000e-02 : f32
    %mul3A_20 = vector.broadcast %mul3A_19 : f32 to vector<13x512xf32>
    %mul3A_21 = arith.mulf %add3A, %mul3A_20 : vector<13x512xf32>
    %mul3A_22 = arith.mulf %mul3A_21, %mul3A_21 : vector<13x512xf32>
    %sub3A = arith.constant 5.000000e-01 : f32
    %sub3A_23 = vector.broadcast %sub3A : f32 to vector<13x512xf32>
    %sub3A_24 = arith.subf %sub3A_23, %mul3A_22 : vector<13x512xf32>
    %add3A_25 = arith.constant 9.99999974E-6 : f32
    %add3A_26 = vector.broadcast %add3A_25 : f32 to vector<13x512xf32>
    %add3A_27 = arith.addf %sub3A_24, %add3A_26 : vector<13x512xf32>
    %rsqrt3A = math.rsqrt %add3A_27 : vector<13x512xf32>
    %broadcast_in_dim3A_28 = vector.shape_cast %mul3A_21 : vector<13x512xf32> to vector<13x1x512xf32>
    %sub3A_29 = vector.broadcast %broadcast_in_dim3A_28 : vector<13x1x512xf32> to vector<13x16x512xf32>
    %sub3A_30 = arith.subf %sin3A, %sub3A_29 : vector<13x16x512xf32>
    %broadcast_in_dim3A_31 = vector.shape_cast %rsqrt3A : vector<13x512xf32> to vector<13x1x512xf32>
    %mul3A_32 = vector.broadcast %broadcast_in_dim3A_31 : vector<13x1x512xf32> to vector<13x16x512xf32>
    %mul3A_33 = arith.mulf %sub3A_30, %mul3A_32 : vector<13x16x512xf32>
    %broadcast_in_dim3A_34 = vector.shape_cast %mul3A_21 : vector<13x512xf32> to vector<13x1x512xf32>
    %sub3A_35 = vector.broadcast %broadcast_in_dim3A_34 : vector<13x1x512xf32> to vector<13x16x512xf32>
    %sub3A_36 = arith.subf %cos3A, %sub3A_35 : vector<13x16x512xf32>
    %broadcast_in_dim3A_37 = vector.shape_cast %rsqrt3A : vector<13x512xf32> to vector<13x1x512xf32>
    %mul3A_38 = vector.broadcast %broadcast_in_dim3A_37 : vector<13x1x512xf32> to vector<13x16x512xf32>
    %mul3A_39 = arith.mulf %sub3A_36, %mul3A_38 : vector<13x16x512xf32>
    %slice3A = vector.extract_strided_slice %broadcast_in_dim3A {offsets = [0, 0, 0], sizes = [1, 16, 1], strides = [1, 1, 1]} : vector<1x32x1xf32> to vector<1x16x1xf32>
    %mul3A_40 = vector.broadcast %slice3A : vector<1x16x1xf32> to vector<13x16x512xf32>
    %mul3A_41 = arith.mulf %mul3A_33, %mul3A_40 : vector<13x16x512xf32>
    %slice3A_42 = vector.extract_strided_slice %broadcast_in_dim3A_5 {offsets = [0, 0, 0], sizes = [1, 16, 1], strides = [1, 1, 1]} : vector<1x32x1xf32> to vector<1x16x1xf32>
    %add3A_43 = vector.broadcast %slice3A_42 : vector<1x16x1xf32> to vector<13x16x512xf32>
    %add3A_44 = arith.addf %mul3A_41, %add3A_43 : vector<13x16x512xf32>
    %swap3A = arith.constant 0 : index
    %swap3A_45 = arith.constant 0 : index
    %swap3A_46 = arith.constant 0 : index
    %swap3A_47 = vector.load %arg5[%swap3A, %swap3A_45, %swap3A_46] : memref<13x32x512xf32, #tpu.memory_space<vmem>>, vector<13x16x512xf32>
    tpu.vector_store %arg5[%swap3A, %swap3A_45, %swap3A_46], %add3A_44 {strides = array<i32>} : memref<13x32x512xf32, #tpu.memory_space<vmem>>, vector<13x16x512xf32>,
    %slice3A_48 = vector.extract_strided_slice %broadcast_in_dim3A {offsets = [0, 16, 0], sizes = [1, 16, 1], strides = [1, 1, 1]} : vector<1x32x1xf32> to vector<1x16x1xf32>
    %mul3A_49 = vector.broadcast %slice3A_48 : vector<1x16x1xf32> to vector<13x16x512xf32>
    %mul3A_50 = arith.mulf %mul3A_39, %mul3A_49 : vector<13x16x512xf32>
    %slice3A_51 = vector.extract_strided_slice %broadcast_in_dim3A_5 {offsets = [0, 16, 0], sizes = [1, 16, 1], strides = [1, 1, 1]} : vector<1x32x1xf32> to vector<1x16x1xf32>
    %add3A_52 = vector.broadcast %slice3A_51 : vector<1x16x1xf32> to vector<13x16x512xf32>
    %add3A_53 = arith.addf %mul3A_50, %add3A_52 : vector<13x16x512xf32>
    %swap3A_54 = arith.constant 0 : index
    %swap3A_55 = arith.constant 16 : index
    %swap3A_56 = arith.constant 0 : index
    %swap3A_57 = vector.load %arg5[%swap3A_54, %swap3A_55, %swap3A_56] : memref<13x32x512xf32, #tpu.memory_space<vmem>>, vector<13x16x512xf32>
    tpu.vector_store %arg5[%swap3A_54, %swap3A_55, %swap3A_56], %add3A_53 {strides = array<i32>} : memref<13x32x512xf32, #tpu.memory_space<vmem>>, vector<13x16x512xf32>,
    return
  }
  func.func @transform_0(%arg0: i32) -> (i32, i32) {
    %c0_i32 = arith.constant 0 : i32
    %c0_i32_0 = arith.constant 0 : i32
    return %c0_i32, %arg0 : i32, i32
  }
  func.func @transform_1(%arg0: i32) -> (i32, i32) {
    %c0_i32 = arith.constant 0 : i32
    %c0_i32_0 = arith.constant 0 : i32
    %c0_i32_1 = arith.constant 0 : i32
    return %c0_i32, %c0_i32_0 : i32, i32
  }
  func.func @transform_2(%arg0: i32) -> (i32, i32) {
    %c0_i32 = arith.constant 0 : i32
    %c0_i32_0 = arith.constant 0 : i32
    %c0_i32_1 = arith.constant 0 : i32
    return %c0_i32, %c0_i32_0 : i32, i32
  }
  func.func @transform_3(%arg0: i32) -> (i32, i32) {
    %c0_i32 = arith.constant 0 : i32
    %c0_i32_0 = arith.constant 0 : i32
    %c0_i32_1 = arith.constant 0 : i32
    return %c0_i32, %c0_i32_0 : i32, i32
  }
  func.func @transform_4(%arg0: i32) -> (i32, i32, i32) {
    %c0_i32 = arith.constant 0 : i32
    %c0_i32_0 = arith.constant 0 : i32
    %c0_i32_1 = arith.constant 0 : i32
    return %c0_i32, %c0_i32_0, %arg0 : i32, i32, i32
  }
}

module attributes {stable_mosaic.version = 14 : i64} {
  func.func @_tc_cat_body(%arg0: i32, %arg1: memref<13x32x512xf32, #tpu.memory_space<vmem>>, %arg2: memref<32x1xf32, #tpu.memory_space<vmem>>, %arg3: memref<32x1xf32, #tpu.memory_space<vmem>>, %arg4: memref<39x32x16384xf32, #tpu.memory_space<any>>, %arg5: memref<13x32x512xf32, #tpu.memory_space<vmem>>) attributes {dimension_semantics = [#tpu.dimension_semantics<arbitrary>], iteration_bounds = array<i64: 32>, scalar_prefetch = 0 : i64, scratch_operands = 0 : i64, tpu.core_type = #tpu.core_type<tc>, window_params = [{transform_indices = @transform_0, window_bounds = array<i64: 13, 32, 512>}, {pipeline_mode = #tpu.pipeline_mode<synchronous>, transform_indices = @transform_1, window_bounds = array<i64: 32, 1>}, {pipeline_mode = #tpu.pipeline_mode<synchronous>, transform_indices = @transform_2, window_bounds = array<i64: 32, 1>}, {}, {transform_indices = @transform_4, window_bounds = array<i64: 13, 32, 512>}]} {
    %get3A = arith.constant 0 : index
    %get3A_0 = arith.constant 0 : index
    %get3A_1 = vector.load %arg2[%get3A, %get3A_0] : memref<32x1xf32, #tpu.memory_space<vmem>>, vector<32x1xf32>
    %broadcast_in_dim3A = vector.shape_cast %get3A_1 : vector<32x1xf32> to vector<1x32x1xf32>
    %get3A_2 = arith.constant 0 : index
    %get3A_3 = arith.constant 0 : index
    %get3A_4 = vector.load %arg3[%get3A_2, %get3A_3] : memref<32x1xf32, #tpu.memory_space<vmem>>, vector<32x1xf32>
    %broadcast_in_dim3A_5 = vector.shape_cast %get3A_4 : vector<32x1xf32> to vector<1x32x1xf32>
    %get3A_6 = arith.constant 0 : index
    %get3A_7 = arith.constant 0 : index
    %get3A_8 = arith.constant 0 : index
    %get3A_9 = vector.load %arg1[%get3A_6, %get3A_7, %get3A_8] : memref<13x32x512xf32, #tpu.memory_space<vmem>>, vector<13x32x512xf32>
    %reduce_sum3A = arith.constant dense<0.000000e+00> : vector<13x512xf32>
    %reduce_sum3A_10 = vector.multi_reduction <add>, %get3A_9, %reduce_sum3A [1] : vector<13x32x512xf32> to vector<13x512xf32>
    %div3A = arith.constant 3.200000e+01 : f32
    %div3A_11 = vector.broadcast %div3A : f32 to vector<13x512xf32>
    %div3A_12 = arith.divf %reduce_sum3A_10, %div3A_11 : vector<13x512xf32>
    %mul3A = arith.mulf %get3A_9, %get3A_9 : vector<13x32x512xf32>
    %reduce_sum3A_13 = arith.constant dense<0.000000e+00> : vector<13x512xf32>
    %reduce_sum3A_14 = vector.multi_reduction <add>, %mul3A, %reduce_sum3A_13 [1] : vector<13x32x512xf32> to vector<13x512xf32>
    %div3A_15 = arith.constant 3.200000e+01 : f32
    %div3A_16 = vector.broadcast %div3A_15 : f32 to vector<13x512xf32>
    %div3A_17 = arith.divf %reduce_sum3A_14, %div3A_16 : vector<13x512xf32>
    %mul3A_18 = arith.mulf %div3A_12, %div3A_12 : vector<13x512xf32>
    %sub3A = arith.subf %div3A_17, %mul3A_18 : vector<13x512xf32>
    %max3A = arith.constant 0.000000e+00 : f32
    %max3A_19 = vector.broadcast %max3A : f32 to vector<13x512xf32>
    %max3A_20 = arith.maximumf %sub3A, %max3A_19 : vector<13x512xf32>
    %add3A = arith.constant 9.99999974E-6 : f32
    %add3A_21 = vector.broadcast %add3A : f32 to vector<13x512xf32>
    %add3A_22 = arith.addf %max3A_20, %add3A_21 : vector<13x512xf32>
    %rsqrt3A = math.rsqrt %add3A_22 : vector<13x512xf32>
    %broadcast_in_dim3A_23 = vector.shape_cast %div3A_12 : vector<13x512xf32> to vector<13x1x512xf32>
    %sub3A_24 = vector.broadcast %broadcast_in_dim3A_23 : vector<13x1x512xf32> to vector<13x32x512xf32>
    %sub3A_25 = arith.subf %get3A_9, %sub3A_24 : vector<13x32x512xf32>
    %broadcast_in_dim3A_26 = vector.shape_cast %rsqrt3A : vector<13x512xf32> to vector<13x1x512xf32>
    %mul3A_27 = vector.broadcast %broadcast_in_dim3A_26 : vector<13x1x512xf32> to vector<13x32x512xf32>
    %mul3A_28 = arith.mulf %sub3A_25, %mul3A_27 : vector<13x32x512xf32>
    %mul3A_29 = vector.broadcast %broadcast_in_dim3A : vector<1x32x1xf32> to vector<13x32x512xf32>
    %mul3A_30 = arith.mulf %mul3A_28, %mul3A_29 : vector<13x32x512xf32>
    %add3A_31 = vector.broadcast %broadcast_in_dim3A_5 : vector<1x32x1xf32> to vector<13x32x512xf32>
    %add3A_32 = arith.addf %mul3A_30, %add3A_31 : vector<13x32x512xf32>
    %swap3A = arith.constant 0 : index
    %swap3A_33 = arith.constant 0 : index
    %swap3A_34 = arith.constant 0 : index
    %swap3A_35 = vector.load %arg5[%swap3A, %swap3A_33, %swap3A_34] : memref<13x32x512xf32, #tpu.memory_space<vmem>>, vector<13x32x512xf32>
    tpu.vector_store %arg5[%swap3A, %swap3A_33, %swap3A_34], %add3A_32 {strides = array<i32>} : memref<13x32x512xf32, #tpu.memory_space<vmem>>, vector<13x32x512xf32>,
    return
  }
  func.func @transform_0(%arg0: i32) -> (i32, i32, i32) {
    %c0_i32 = arith.constant 0 : i32
    %c0_i32_0 = arith.constant 0 : i32
    %c0_i32_1 = arith.constant 0 : i32
    return %c0_i32, %c0_i32_0, %arg0 : i32, i32, i32
  }
  func.func @transform_1(%arg0: i32) -> (i32, i32) {
    %c0_i32 = arith.constant 0 : i32
    %c0_i32_0 = arith.constant 0 : i32
    %c0_i32_1 = arith.constant 0 : i32
    return %c0_i32, %c0_i32_0 : i32, i32
  }
  func.func @transform_2(%arg0: i32) -> (i32, i32) {
    %c0_i32 = arith.constant 0 : i32
    %c0_i32_0 = arith.constant 0 : i32
    %c0_i32_1 = arith.constant 0 : i32
    return %c0_i32, %c0_i32_0 : i32, i32
  }
  func.func @transform_4(%arg0: i32) -> (i32, i32, i32) {
    %c1_i32 = arith.constant 1 : i32
    %c0_i32 = arith.constant 0 : i32
    %c0_i32_0 = arith.constant 0 : i32
    return %c1_i32, %c0_i32, %arg0 : i32, i32, i32
  }
}

module attributes {stable_mosaic.version = 14 : i64} {
  func.func @_tc_cat_body(%arg0: i32, %arg1: memref<13x32x512xf32, #tpu.memory_space<vmem>>, %arg2: memref<32x1xf32, #tpu.memory_space<vmem>>, %arg3: memref<32x1xf32, #tpu.memory_space<vmem>>, %arg4: memref<39x32x16384xf32, #tpu.memory_space<any>>, %arg5: memref<13x32x512xf32, #tpu.memory_space<vmem>>) attributes {dimension_semantics = [#tpu.dimension_semantics<arbitrary>], iteration_bounds = array<i64: 32>, scalar_prefetch = 0 : i64, scratch_operands = 0 : i64, tpu.core_type = #tpu.core_type<tc>, window_params = [{transform_indices = @transform_0, window_bounds = array<i64: 13, 32, 512>}, {pipeline_mode = #tpu.pipeline_mode<synchronous>, transform_indices = @transform_1, window_bounds = array<i64: 32, 1>}, {pipeline_mode = #tpu.pipeline_mode<synchronous>, transform_indices = @transform_2, window_bounds = array<i64: 32, 1>}, {}, {transform_indices = @transform_4, window_bounds = array<i64: 13, 32, 512>}]} {
    %get3A = arith.constant 0 : index
    %get3A_0 = arith.constant 0 : index
    %get3A_1 = vector.load %arg2[%get3A, %get3A_0] : memref<32x1xf32, #tpu.memory_space<vmem>>, vector<32x1xf32>
    %broadcast_in_dim3A = vector.shape_cast %get3A_1 : vector<32x1xf32> to vector<1x32x1xf32>
    %get3A_2 = arith.constant 0 : index
    %get3A_3 = arith.constant 0 : index
    %get3A_4 = vector.load %arg3[%get3A_2, %get3A_3] : memref<32x1xf32, #tpu.memory_space<vmem>>, vector<32x1xf32>
    %broadcast_in_dim3A_5 = vector.shape_cast %get3A_4 : vector<32x1xf32> to vector<1x32x1xf32>
    %get3A_6 = arith.constant 0 : index
    %get3A_7 = arith.constant 0 : index
    %get3A_8 = arith.constant 0 : index
    %get3A_9 = vector.load %arg1[%get3A_6, %get3A_7, %get3A_8] : memref<13x32x512xf32, #tpu.memory_space<vmem>>, vector<13x32x512xf32>
    %reduce_sum3A = arith.constant dense<0.000000e+00> : vector<13x512xf32>
    %reduce_sum3A_10 = vector.multi_reduction <add>, %get3A_9, %reduce_sum3A [1] : vector<13x32x512xf32> to vector<13x512xf32>
    %div3A = arith.constant 3.200000e+01 : f32
    %div3A_11 = vector.broadcast %div3A : f32 to vector<13x512xf32>
    %div3A_12 = arith.divf %reduce_sum3A_10, %div3A_11 : vector<13x512xf32>
    %mul3A = arith.mulf %get3A_9, %get3A_9 : vector<13x32x512xf32>
    %reduce_sum3A_13 = arith.constant dense<0.000000e+00> : vector<13x512xf32>
    %reduce_sum3A_14 = vector.multi_reduction <add>, %mul3A, %reduce_sum3A_13 [1] : vector<13x32x512xf32> to vector<13x512xf32>
    %div3A_15 = arith.constant 3.200000e+01 : f32
    %div3A_16 = vector.broadcast %div3A_15 : f32 to vector<13x512xf32>
    %div3A_17 = arith.divf %reduce_sum3A_14, %div3A_16 : vector<13x512xf32>
    %mul3A_18 = arith.mulf %div3A_12, %div3A_12 : vector<13x512xf32>
    %sub3A = arith.subf %div3A_17, %mul3A_18 : vector<13x512xf32>
    %max3A = arith.constant 0.000000e+00 : f32
    %max3A_19 = vector.broadcast %max3A : f32 to vector<13x512xf32>
    %max3A_20 = arith.maximumf %sub3A, %max3A_19 : vector<13x512xf32>
    %add3A = arith.constant 9.99999974E-6 : f32
    %add3A_21 = vector.broadcast %add3A : f32 to vector<13x512xf32>
    %add3A_22 = arith.addf %max3A_20, %add3A_21 : vector<13x512xf32>
    %rsqrt3A = math.rsqrt %add3A_22 : vector<13x512xf32>
    %broadcast_in_dim3A_23 = vector.shape_cast %div3A_12 : vector<13x512xf32> to vector<13x1x512xf32>
    %sub3A_24 = vector.broadcast %broadcast_in_dim3A_23 : vector<13x1x512xf32> to vector<13x32x512xf32>
    %sub3A_25 = arith.subf %get3A_9, %sub3A_24 : vector<13x32x512xf32>
    %broadcast_in_dim3A_26 = vector.shape_cast %rsqrt3A : vector<13x512xf32> to vector<13x1x512xf32>
    %mul3A_27 = vector.broadcast %broadcast_in_dim3A_26 : vector<13x1x512xf32> to vector<13x32x512xf32>
    %mul3A_28 = arith.mulf %sub3A_25, %mul3A_27 : vector<13x32x512xf32>
    %mul3A_29 = vector.broadcast %broadcast_in_dim3A : vector<1x32x1xf32> to vector<13x32x512xf32>
    %mul3A_30 = arith.mulf %mul3A_28, %mul3A_29 : vector<13x32x512xf32>
    %add3A_31 = vector.broadcast %broadcast_in_dim3A_5 : vector<1x32x1xf32> to vector<13x32x512xf32>
    %add3A_32 = arith.addf %mul3A_30, %add3A_31 : vector<13x32x512xf32>
    %swap3A = arith.constant 0 : index
    %swap3A_33 = arith.constant 0 : index
    %swap3A_34 = arith.constant 0 : index
    %swap3A_35 = vector.load %arg5[%swap3A, %swap3A_33, %swap3A_34] : memref<13x32x512xf32, #tpu.memory_space<vmem>>, vector<13x32x512xf32>
    tpu.vector_store %arg5[%swap3A, %swap3A_33, %swap3A_34], %add3A_32 {strides = array<i32>} : memref<13x32x512xf32, #tpu.memory_space<vmem>>, vector<13x32x512xf32>,
    return
  }
  func.func @transform_0(%arg0: i32) -> (i32, i32, i32) {
    %c0_i32 = arith.constant 0 : i32
    %c0_i32_0 = arith.constant 0 : i32
    %c0_i32_1 = arith.constant 0 : i32
    return %c0_i32, %c0_i32_0, %arg0 : i32, i32, i32
  }
  func.func @transform_1(%arg0: i32) -> (i32, i32) {
    %c0_i32 = arith.constant 0 : i32
    %c0_i32_0 = arith.constant 0 : i32
    %c0_i32_1 = arith.constant 0 : i32
    return %c0_i32, %c0_i32_0 : i32, i32
  }
  func.func @transform_2(%arg0: i32) -> (i32, i32) {
    %c0_i32 = arith.constant 0 : i32
    %c0_i32_0 = arith.constant 0 : i32
    %c0_i32_1 = arith.constant 0 : i32
    return %c0_i32, %c0_i32_0 : i32, i32
  }
  func.func @transform_4(%arg0: i32) -> (i32, i32, i32) {
    %c2_i32 = arith.constant 2 : i32
    %c0_i32 = arith.constant 0 : i32
    %c0_i32_0 = arith.constant 0 : i32
    return %c2_i32, %c0_i32, %arg0 : i32, i32, i32
  }
}

</mosaic_0001>

<sc_bundles>
// kernel: kernel.10.cloned.1.call-start
scs
__scs_entry_jumppad:
0x0: {  	(pc) =	sbr.rel $0x88, $3  }
0x1: {  	(tag) =	ssettag $0x0;
	lr =	simm.s32 $0x1  }
0x2: {  	[smem:$0x3F9C] =	sst lr;
	_ =	strace $0xD0000000  }
0x3: {  	_ = 	snop  }
0x4: {  	_ = 	snop  }
0x5: {  	_ = 	snop  }
0x6: {  	_ = 	snop  }
0x7: {  	_ = 	snop  }
__scs_overlays_trampoline_lowered:
0x8: {  	[smem:$0x3FAB] =	sst s0  }
0x9: {  	[smem:$0x3FAC] =	sst s1  }
0xa: {  	[smem:$0x3FAD] =	sst s2  }
0xb: {  	[smem:$0x3FAE] =	sst s3  }
0xc: {  	[smem:$0x3FAF] =	sst s4  }
0xd: {  	[smem:$0x3FB0] =	sst s5  }
0xe: {  	[smem:$0x3FB1] =	sst s6  }
0xf: {  	[smem:$0x3FB2] =	sst s7  }
0x10: {  	[smem:$0x3FB3] =	sst s8  }
0x11: {  	[smem:$0x3FB4] =	sst s9;
	s0 =	simm.s32 @!p0 $0x0  }
0x12: {  	s1 =	sld [smem:$0x3F9A];
	s0 =	simm.s32 @p0 $0x1  }
0x13: {  	[smem:$0x3FB5] =	sst s0;
	s0 =	simm.s32 @!p1 $0x0  }
0x14: {  	s2 =	sld [smem:$0x3F99];
	s0 =	simm.s32 @p1 $0x1  }
0x15: {  	[smem:$0x3FB6] =	sst s0;
	s0 =	simm.s32 @!p2 $0x0  }
0x16: {  	s3 =	sld [smem:$0x3FDB];
	s0 =	simm.s32 @p2 $0x1  }
0x17: {  	s4 =	simm.s32 $0x1BF5;
	[smem:$0x3FB8] =	sst s0  }
0x18: {  	s0 =	sld [smem:$0x3F9B];
	_ =	swait.ge [sflag:s4], $0x0  }
0x19: {  	s7 =	sld [smem:$0x3F9C]  }
0x1a: {  	s8 =	sadd.s32 $0xFFFFE003, lr  }
0x1b: {  	s9 =	sadd.s32 $0xFFFFFEF7, lr;
	s5 =	simm.s32 $0xFFFFFFFF;
	p2 =	slt.u32 s8, $0xFFFFF086  }
0x1c: {  	p1 =	slt.u32 s9, $0xF7A;
	s5 =	simm.s32 @!p2 $0x0  }
0x1d: {  	s5 =	simm.s32 @p1 $0x1;
	p0 =	seq.s32 s7, s2  }
0x1e: {  	s7 =	smul.u32 @!p0 $0xF7A, s2;
	p2 =	seq.s32 @!p0 s5, $0x0  }
0x1f: {  	s9 =	smul.u32 $0xF7A, s1;
	s8 =	simm.s32 @!p0 $0x1BF5;
	p2 =	por !p2, p0  }
0x20: {  	[sflag:s8] =	ssyncset.s32 @!p0 $0xFFFFF086;
	s6 =	sadd.s32 @!p0 s3, s7;
	s7 =	simm.s32 @!p0 $0x108  }
0x21: {  	s3 =	sadd.s32 s3, s9;
	s6 =	sadd.s32 @!p0 $0x88, s6;
	s7 =	simm.s32 @p2 $0x1082  }
0x22: {  	[simem:s7], [sflag:s8] =	dma.local @!p0 [hbm:s6], $0xF7A  }
0x23: {  	s9 =	sor.u32 $0xD0000000, s2;
	s6 =	simm.s32 $0x108;
	_ =	swait.ge @!p0 [sflag:s8], $0x0  }
0x24: {  	s3 =	sadd.s32 $0x88, s3;
	s6 =	simm.s32 @!p1 $0x1082;
	[sflag:s4] =	ssyncset.s32 $0xFFFFF086  }
0x25: {  	[simem:s6], [sflag:s4] =	dma.local [hbm:s3], $0xF7A  }
0x26: {  	[smem:$0x3F9C] =	sst s1;
	(tag) =	ssettag s2;
	_ =	strace s9  }
0x27: {  	s1 =	sld [smem:$0x3FAC]  }
0x28: {  	s2 =	sld [smem:$0x3FAD]  }
0x29: {  	s4 =	sld [smem:$0x3FAF]  }
0x2a: {  	p0 =	seq.s32 s5, $0x0;
	s5 =	sld [smem:$0x3FB0]  }
0x2b: {  	s6 =	sld [smem:$0x3FB1]  }
0x2c: {  	s7 =	sld [smem:$0x3FB2]  }
0x2d: {  	s3 =	simm.s32 $0x108;
	s8 =	sld [smem:$0x3FB3]  }
0x2e: {  	s3 =	simm.s32 @!p0 $0x1082;
	s9 =	sld [smem:$0x3FB4]  }
0x2f: {  	lr =	sadd.s32 s0, s3;
	s0 =	sld [smem:$0x3FAB]  }
0x30: {  	s3 =	sld [smem:$0x3FAE]  }
0x31: {  	[smem:$0x3FB7] =	sst s10  }
0x32: {  	s10 =	sld [smem:$0x3FB5];
	_ =	sdelay $0x3  }
0x33: {  	p0 =	seq.s32 s10, $0x1;
	s10 =	sld [smem:$0x3FB7];
	_ =	sdelay $0x3  }
0x34: {  	[smem:$0x3FB7] =	sst s10  }
0x35: {  	s10 =	sld [smem:$0x3FB6];
	_ =	sdelay $0x3  }
0x36: {  	p1 =	seq.s32 s10, $0x1;
	s10 =	sld [smem:$0x3FB7];
	_ =	sdelay $0x3  }
0x37: {  	[smem:$0x3FB7] =	sst s10  }
0x38: {  	s10 =	sld [smem:$0x3FB8]  }
0x39: {  	_ = 	snop;
	(pc) =	sbr.ind lr, $3  }
0x3a: {  	_ = 	snop  }
0x3b: {  	_ = 	snop  }
0x3c: {  	p2 =	seq.s32 s10, $0x1;
	s10 =	sld [smem:$0x3FB7]  }
0x3d: {  	_ =	shalt  }
0x3e: {  	_ =	shalt  }
0x3f: {  	_ =	shalt  }
0x40: {  	_ =	shalt  }
0x41: {  	_ =	shalt  }
0x42: {  	_ =	shalt  }
0x43: {  	_ =	shalt  }
0x44: {  	_ =	shalt  }
0x45: {  	_ =	shalt  }
0x46: {  	_ =	shalt  }
0x47: {  	_ =	shalt  }
0x48: {  	_ =	shalt  }
0x49: {  	_ =	shalt  }
0x4a: {  	_ =	shalt  }
0x4b: {  	_ =	shalt  }
0x4c: {  	_ =	shalt  }
0x4d: {  	_ =	shalt  }
0x4e: {  	_ =	shalt  }
0x4f: {  	_ =	shalt  }
0x50: {  	_ =	shalt  }
0x51: {  	_ =	shalt  }
0x52: {  	_ =	shalt  }
0x53: {  	_ =	shalt  }
0x54: {  	_ =	shalt  }
0x55: {  	_ =	shalt  }
0x56: {  	_ =	shalt  }
0x57: {  	_ =	shalt  }
0x58: {  	_ =	shalt  }
0x59: {  	_ =	shalt  }
0x5a: {  	_ =	shalt  }
0x5b: {  	_ =	shalt  }
0x5c: {  	_ =	shalt  }
0x5d: {  	_ =	shalt  }
0x5e: {  	_ =	shalt  }
0x5f: {  	_ =	shalt  }
0x60: {  	_ =	shalt  }
0x61: {  	_ =	shalt  }
0x62: {  	_ =	shalt  }
0x63: {  	_ =	shalt  }
0x64: {  	_ =	shalt  }
0x65: {  	_ =	shalt  }
0x66: {  	_ =	shalt  }
0x67: {  	_ =	shalt  }
0x68: {  	_ =	shalt  }
0x69: {  	_ =	shalt  }
0x6a: {  	_ =	shalt  }
0x6b: {  	_ =	shalt  }
0x6c: {  	_ =	shalt  }
0x6d: {  	_ =	shalt  }
0x6e: {  	_ =	shalt  }
0x6f: {  	_ =	shalt  }
0x70: {  	_ =	shalt  }
0x71: {  	_ =	shalt  }
0x72: {  	_ =	shalt  }
0x73: {  	_ =	shalt  }
0x74: {  	_ =	shalt  }
0x75: {  	_ =	shalt  }
0x76: {  	_ =	shalt  }
0x77: {  	_ =	shalt  }
0x78: {  	_ =	shalt  }
0x79: {  	_ =	shalt  }
0x7a: {  	_ =	shalt  }
0x7b: {  	_ =	shalt  }
0x7c: {  	_ =	shalt  }
0x7d: {  	_ =	shalt  }
0x7e: {  	_ =	shalt  }
0x7f: {  	_ =	shalt  }
0x80: {  	_ =	shalt  }
0x81: {  	_ =	shalt  }
0x82: {  	_ =	shalt  }
0x83: {  	_ =	shalt  }
0x84: {  	_ =	shalt  }
0x85: {  	_ =	shalt  }
0x86: {  	_ =	shalt  }
0x87: {  	_ =	shalt  }
.Lfunc_end0:
.L_simem_size_0:
called_computation.1_lowered:
.L_overlay_start_0:
0x88: {  	s2 =	sld [smem:$0x3FD9]  }
0x89: {  	s3 =	sld [smem:$0x3FFE];
	_ =	sdelay $0x1  }
0x8a: {  	s1 =	srdreg.scid  }
0x8b: {  	s0 =	sand.u32 $0x1, s1  }
0x8c: {  	s17 =	sshll.u32 s0, $0xA;
	s2 =	sadd.s32 s3, s2  }
0x8d: {  	s2 =	sadd.s32 s2, s17  }
0x8e: {  	[smem:$0x3FC3] =	sst s2  }
0x8f: {  	_ = 	snop  }
0x90: {  	s18 =	sld [smem:$0x3FC7];
	(tm) =	ssettm $0x1  }
0x91: {  	s19 =	sld [smem:$0x3FFB];
	_ =	sdelay $0x3  }
0x92: {  	_ =	strace s19  }
0x93: {  	s2 =	sld [smem:$0x3FFC];
	_ =	sdelay $0x3  }
0x94: {  	_ =	strace s2  }
0x95: {  	s2 =	sld [smem:$0x3FFD];
	_ =	sdelay $0x3  }
0x96: {  	_ =	strace s2  }
0x97: {  	_ =	strace $0x8FFFFFFF  }
0x98: {  	s20 =	sld [smem:$0x3FDB];
	_ =	sdelay $0x1  }
0x99: {  	s4 =	simm.s32 $_scs_section_size  }
0x9a: {  	s5 =	simm.s32 $_size__tile_overlayer_lowered;
	s6 =	simm.s32 $_tile_overlayer_lowered  }
0x9b: {  	s7 =	simm.s32 $0x1BFF;
	s21 =	sshll.u32 s6, $0x1;
	s4 =	sadd.s32 s4, s20  }
0x9c: {  	s22 =	simm.s32 $0x0;
	s5 =	sshll.u32 s5, $0x1;
	s6 =	sadd.s32 s21, s4  }
0x9d: {  	[timem:s22], [sflag:s7] =	dma.local [hbm:s6], s5  }
0x9e: {  	_ =	swait.ge [sflag:s7], s5  }
0x9f: {  	s5 =	ssub.s32 $0x0, s5;
	[sflag:s7] =	ssyncset.done $0x0  }
0xa0: {  	[sflag:s7] =	ssyncadd.s32 s5;
	_ =	sdelay $0x1  }
0xa1: {  	s23 =	simm.s32 $0x1B8B  }
0xa2: {  	_ =	swait.ge [sflag:s23], $0x1  }
0xa3: {  	[sflag:s23] =	ssyncset.done $0x0  }
0xa4: {  	[sflag:s23] =	ssyncadd.s32 $0xFFFFFFFF  }
0xa5: {  	s5 =	sld [smem:$0x0]  }
0xa6: {  	s6 =	sand.u32 $0xFFFFFFFE, s1  }
0xa7: {  	p0 =	sne.s32 s1, s6  }
0xa8: {  	s6 =	sshll.u32 @p0 s6, $0xE  }
0xa9: {  	s6 =	sadd.s32 @p0 $0x11B8D, s6;
	s7 =	sshll.u32 @p0 s5, $0x11  }
0xaa: {  	s6 =	sor.u32 @p0 s7, s6  }
0xab: {  	[sflag:s6] =	ssyncadd.remote.s32 @p0 $0x1;
	_ =	sdelay $0x1  }
0xac: {  	s6 =	simm.s32 @p0 $0x1B8D  }
0xad: {  	_ =	swait.eq @p0 [sflag:s6], $0x1  }
0xae: {  	[sflag:s6] =	ssyncadd.s32 @p0 $0xFFFFFFFF  }
0xaf: {  	s7 =	sshll.u32 @!p0 s1, $0xE  }
0xb0: {  	s7 =	sor.u32 @!p0 $0x4000, s7;
	s6 =	simm.s32 @!p0 $0x1B8D  }
0xb1: {  	s5 =	sshll.u32 @!p0 s5, $0x11;
	s7 =	sadd.s32 @!p0 $0x11B8D, s7;
	_ =	swait.eq @!p0 [sflag:s6], $0x1  }
0xb2: {  	s5 =	sor.u32 @!p0 s5, s7;
	[sflag:s6] =	ssyncadd.s32 @!p0 $0xFFFFFFFF  }
0xb3: {  	s25 =	simm.s32 $0x1B8E;
	s24 =	sld [smem:$0x3FFE];
	[sflag:s5] =	ssyncadd.remote.s32 @!p0 $0x1  }
0xb4: {  	s26 =	simm.s32 $execute0_lowered;
	[smem:$0x3FD2] =	sst s25  }
0xb5: {  	s6 =	sshll.u32 s26, $0x1;
	_ =	strace $0x80000049;
	[dreg:$0x1] =	wrdreg $0xFFFFFFFF  }
0xb6: {  	s28 =	simm.s32 $_size_execute0_lowered;
	s4 =	sadd.s32 s4, s6;
	[dreg:$0x0] =	wrdreg $0x0  }
0xb7: {  	s6 =	sshll.u32 s28, $0x1;
	[dreg:$0x2] =	wrdreg s4  }
0xb8: {  	[dreg:$0x3] =	wrdreg s6  }
0xb9: {  	[dreg:$0x4] =	wrdreg $0xC0  }
0xba: {  	_ =	task [dreg:s22], $0x5FFFF  }
0xbb: {  	[dreg:$0x1] =	wrdreg $0xFFFFFFFF  }
0xbc: {  	[dreg:$0x0] =	wrdreg $0x60  }
0xbd: {  	[dreg:$0x2] =	wrdreg s18  }
0xbe: {  	[dreg:$0x3] =	wrdreg s24  }
0xbf: {  	[dreg:$0x4] =	wrdreg $0xA  }
0xc0: {  	_ =	task.clear_ibuf [dreg:s22], $0x5FFFF;
	_ =	strace $0x90000049  }
0xc1: {  	s29 =	simm.s32 $0xA;
	_ =	strace $0x8000004B  }
0xc2: {  	_ =	swait.ge [sflag:s29], $0x1  }
0xc3: {  	[sflag:s29] =	ssyncadd.s32 $0xFFFFFFFF  }
0xc4: {  	_ =	strace $0x9000004B  }
0xc5: {  	_ =	sfence  }
0xc6: {  	s30 =	sld [smem:$0x0];
	_ =	sdelay $0x2  }
0xc7: {  	s31 =	sshll.u32 s1, $0xD;
	s1 =	sshrl.u32 s1, $0x2  }
0xc8: {  	s4 =	sand.u32 $0x4000, s31;
	s1 =	sadd.s32 s1, s30  }
0xc9: {  	s0 =	sor.u32 s4, s0;
	s1 =	sshll.u32 s1, $0x11  }
0xca: {  	s0 =	sor.u32 s1, s0  }
0xcb: {  	s0 =	sadd.s32 $0x8F2B, s0  }
0xcc: {  	[sflag:s0] =	ssyncadd.remote.s32 $0x1  }
0xcd: {  	_ =	sfence.sel $0xFFFF  }
0xce: {  	[dreg:$0x0] =	wrdreg $0xFFFFFFFF;
	(pc) =	sbr.abs _section_cstart, $3  }
0xcf: {  	[dreg:$0x1] =	wrdreg $0xFFFFFFFF  }
0xd0: {  	_ =	task.clear_ibuf [dreg:s22], $0x2FFFF;
	_ =	strace $0x9FFFFFFF  }
0xd1: {  	(tm) =	ssettm $0x7FFFFFFF  }
tec
execute0_lowered:
.L_overlay_start_1:
0x0: {  	(tag) =	ssettag $0x1  }
0x1: {  	s2 =	rddreg [dreg:$0x0];
	s1 =	srdreg.scid  }
0x2: {  	s0 =	stileid.u32;
	s5 =	rddreg [dreg:$0x1]  }
0x3: {  	s3 =	simm.s32 $0x0;
	s7 =	sand.u32 $0x1, s1;
	s4 =	sshll.u32 s0, $0x1  }
0x4: {  	s15 =	simm.s32 $0x2;
	s16 =	simm.s32 $0x1;
	s4 =	sor.u32 s7, s4  }
0x5: {  	s17 =	simm.s32 $0x0;
	[smem:$0x7FF] =	sst s3;
	s9 =	smul.u32 $0xD, s4  }
0x6: {  	s1 =	rddreg [dreg:$0x2];
	_ =	strace $0x8000004A;
	s7 =	ssub.s32 $0x2, s7  }
0x7: {  	s4 =	sadd.s32 $0xC00, s5;
	s5 =	sadd.s32 $0xE0C00, s5;
	s6 =	sadd.s32 $0x1A0, s9  }
0x8: {  	s11 =	sshrl.u32 s7, $0x1;
	s10 =	sand.u32 $0x18, s9;
	s8 =	sshrl.u32 s6, $0x5  }
0x9: {  	s11 =	ssub.s32 s7, s11;
	s10 =	sshrl.u32 s10, $0x3;
	s8 =	smul.u32 $0x30E000, s8  }
0xa: {  	s14 =	sshll.u32 s9, $0x7;
	s9 =	sadd.s32 $0x1AD, s9;
	s10 =	smul.u32 $0xC3800, s10  }
.Ltmp0:
0xb: {  	s12 =	sshll.u32 s6, $0x6;
	s13 =	sshrl.u32 s6, $0x1;
	(pc) =	sbr.rel .LBB2_1-.Ltmp0, $4  }
0xc: {  	s31 =	sand.u32 $0x380, s14;
	s14 =	simm.s32 $0x3;
	s13 =	sand.u32 $0x70, s13  }
0xd: {  	s12 =	sand.u32 $0xC000, s12;
	s13 =	sadd.s32 s4, s13;
	s8 =	sadd.s32 s10, s8  }
0xe: {  	s7 =	sadd.s32 s12, s13;
	s10 =	smax.u32 s11, $0x1;
	s11 =	simm.s32 $0x80  }
0xf: {  	s12 =	simm.s32 $0x400;
	s13 =	simm.s32 $0x18700;
	s8 =	sor.u32 s31, s8  }
.LBB2_10:
0x10: {  	s17 =	sadd.s32 $0x1, s17  }
0x11: {  	_ =	swait.ge [sflag:s16], $0x1000;
	p0 =	sne.s32 s17, s10  }
.Ltmp1:
0x12: {  	[sflag:s16] =	ssyncset.done $0x0;
	(pc) =	sbr.rel @!p0 .LBB2_11-.Ltmp1, $4  }
0x13: {  	[sflag:s16] =	ssyncadd.s32 $0xFFFFF000  }
0x14: {  	_ =	swait.ge [sflag:s16], $0x1000  }
0x15: {  	[sflag:s16] =	ssyncset.done $0x0  }
0x16: {  	[sflag:s16] =	ssyncadd.s32 $0xFFFFF000  }
.LBB2_1:
0x17: {  	[tilespmem:s13], [sflag:$0x3] =	stream.strided.gather [hbm4b:s7+s11], $0x4000, s12, s11, $0x38;
	[tilespmem:$0x1E700] =	vst v63  }
0x18: {  	_ =	swait.ge [sflag:s14], $0x4000  }
0x19: {  	[sflag:s14] =	ssyncset.done $0x0  }
0x1a: {  	s19 =	smov.u32 s8;
	s18 =	smov.u32 s6;
	[sflag:s14] =	ssyncadd.s32 $0xFFFFC000  }
.LBB2_2:
0x1b: {  	s19 =	sshrl.u32 s19, $0x3  }
0x1c: {  	s19 =	sadd.s32 s2, s19  }
0x1d: {  	[tilespmem:s3], [sflag:$0x2] =	stream.strided.gather [hbm4b:s19+s11], $0x18700, s12, s11, $0x38;
	[tilespmem:$0x1E700] =	vst v63  }
0x1e: {  	p0 =	sle.u32 s18, s6;
	s19 =	sand.u32 $0x1F, s18  }
0x1f: {  	p1 =	sne.s32 @!p0 s19, $0x0  }
0x20: {  	s20 =	sshrl.u32 s18, $0x5;
	p0 =	por p1, p0  }
0x21: {  	s21 =	sshll.u32 @!p0 s20, $0xE;
	s22 =	sshll.u32 @!p0 s20, $0x7  }
0x22: {  	s21 =	sand.u32 @!p0 $0xFFFE0000, s21;
	s22 =	sand.u32 @!p0 $0x380, s22  }
0x23: {  	s21 =	sor.u32 @!p0 s22, s21  }
0x24: {  	s23 =	simm.s32 @!p0 $0x400;
	s21 =	sshrl.u32 @!p0 s21, $0x3  }
0x25: {  	s24 =	simm.s32 @!p0 $0x18700;
	s22 =	simm.s32 @!p0 $0x80;
	s21 =	sadd.s32 @!p0 s4, s21  }
0x26: {  	[tilespmem:s24], [sflag:$0x3] =	stream.strided.gather @!p0 [hbm4b:s21+s22], $0x4000, s23, s22, $0x38;
	[tilespmem:$0x1E700] =	vst v63  }
0x27: {  	s31 =	ssub.s32 s18, s6;
	s21 =	simm.s32 @!p0 $0x3  }
0x28: {  	s30 =	sshll.u32 s19, $0xE;
	s19 =	sshll.u32 s19, $0x7;
	_ =	swait.ge @!p0 [sflag:s21], $0x4000  }
0x29: {  	s19 =	sand.u32 $0x380, s19;
	s20 =	sshll.u32 s20, $0x13;
	[sflag:s21] =	ssyncset.done @!p0 $0x0  }
0x2a: {  	s22 =	simm.s32 $0x18780;
	[sflag:s21] =	ssyncadd.s32 @!p0 $0xFFFFC000;
	s21 =	sand.u32 $0x60000, s30  }
0x2b: {  	p0 =	por $0x0, $0x0;
	_ =	swait.ge [sflag:s15], $0x18700;
	s20 =	sor.u32 s21, s20  }
0x2c: {  	s21 =	simm.s32 $0x0;
	[sflag:s15] =	ssyncset.done $0x0;
	s20 =	sor.u32 s19, s20  }
0x2d: {  	s19 =	sshll.u32 s31, $0x2;
	[sflag:s15] =	ssyncadd.s32 $0xFFFE7900;
	s20 =	sadd.s32 $0xFF980000, s20  }
.LBB2_3:
0x2e: {  	s23 =	sadd.s32 s19, s21  }
0x2f: {  	p1 =	slt.u32 s23, $0x2  }
0x30: {  	s23 =	simm.s32 @!p1 $0x1  }
0x31: {  	_ =	swait.ge @!p1 [sflag:s23], $0x1000  }
0x32: {  	[sflag:s23] =	ssyncset.done @!p1 $0x0  }
0x33: {  	[sflag:s23] =	ssyncadd.s32 @!p1 $0xFFFFF000  }
0x34: {  	v8 =	vld [tilespmem:s22+$0x30]  }
0x35: {  	v0 =	vld [tilespmem:s22+$0x70]  }
0x36: {  	v4 =	vld [tilespmem:s22+$0xFFFFFFD0]  }
0x37: {  	v5 =	vld [tilespmem:s22+$0xFFFFFFC0]  }
0x38: {  	v3 =	vld [tilespmem:s22+$0xFFFFFFE0]  }
0x39: {  	v2 =	vld [tilespmem:s22+$0x60]  }
0x3a: {  	v6 =	vld [tilespmem:s22+$0x50]  }
0x3b: {  	v7 =	vld [tilespmem:s22+$0x40]  }
0x3c: {  	v9 =	vld [tilespmem:s22+$0xFFFFFF90]  }
0x3d: {  	v10 =	vld [tilespmem:s22+$0x20]  }
0x3e: {  	v11 =	vld [tilespmem:s22+$0x10]  }
0x3f: {  	v15 =	vld [tilespmem:s22+$0xFFFFFF80]  }
0x40: {  	v16 =	vld [tilespmem:s22+$0x0]  }
0x41: {  	v1 =	vld.idx.msk [tilespmem:v0+s3+$0x0], $0xffff  }
0x42: {  	v0 =	vld [tilespmem:s22+$0xFFFFFFF0]  }
0x43: {  	v12 =	vld.idx.msk [tilespmem:v2+s3+$0x0], $0xffff  }
0x44: {  	v13 =	vld.idx.msk [tilespmem:v6+s3+$0x0], $0xffff  }
0x45: {  	v14 =	vld.idx.msk [tilespmem:v7+s3+$0x0], $0xffff  }
0x46: {  	v6 =	vld [tilespmem:s22+$0xFFFFFFB0]  }
0x47: {  	v7 =	vld [tilespmem:s22+$0xFFFFFFA0]  }
0x48: {  	v3 =	vld.idx.msk [tilespmem:v3+s3+$0x0], $0xffff  }
0x49: {  	v4 =	vld.idx.msk [tilespmem:v4+s3+$0x0], $0xffff  }
0x4a: {  	s23 =	simm.s32 $0x1;
	v5 =	vld.idx.msk [tilespmem:v5+s3+$0x0], $0xffff  }
0x4b: {  	s23 =	simm.s32 @!p0 $0x0;
	v15 =	vld.idx.msk [tilespmem:v15+s3+$0x0], $0xffff  }
0x4c: {  	s23 =	sshll.u32 s23, $0x7;
	v16 =	vld.idx.msk [tilespmem:v16+s3+$0x0], $0xffff  }
0x4d: {  	s23 =	sor.u32 $0x1C700, s23;
	v11 =	vld.idx.msk [tilespmem:v11+s3+$0x0], $0xffff  }
0x4e: {  	v2 =	vld.idx.msk [tilespmem:v0+s3+$0x0], $0xffff;
	v0 =	vmov s23  }
0x4f: {  	v10 =	vld.idx.msk [tilespmem:v10+s3+$0x0], $0xffff  }
0x50: {  	v17 =	vld.idx.msk [tilespmem:v8+s3+$0x0], $0xffff  }
0x51: {  	v8 =	vld.idx.msk [tilespmem:v9+s3+$0x0], $0xffff  }
0x52: {  	s28 =	simm.s32 $0x0;
	v6 =	vld.idx.msk [tilespmem:v6+s3+$0x0], $0xffff  }
0x53: {  	v7 =	vld.idx.msk [tilespmem:v7+s3+$0x0], $0xffff;
	[tilespmem:v0+s28+$0x0 ss:$0x1] =	vst.idx.msk $0xffff, v15  }
0x54: {  	[tilespmem:v0+s28+$0x100 ss:$0x1] =	vst.idx.msk $0xffff, v16  }
0x55: {  	[tilespmem:v0+s28+$0x110 ss:$0x1] =	vst.idx.msk $0xffff, v11  }
0x56: {  	[tilespmem:v0+s28+$0x120 ss:$0x1] =	vst.idx.msk $0xffff, v10  }
0x57: {  	[tilespmem:v0+s28+$0x130 ss:$0x1] =	vst.idx.msk $0xffff, v17  }
0x58: {  	[tilespmem:v0+s28+$0x140 ss:$0x1] =	vst.idx.msk $0xffff, v14  }
0x59: {  	[tilespmem:v0+s28+$0x150 ss:$0x1] =	vst.idx.msk $0xffff, v13  }
0x5a: {  	s24 =	simm.s32 $0x800;
	s25 =	smov.u32 s22;
	[tilespmem:v0+s28+$0x160 ss:$0x1] =	vst.idx.msk $0xffff, v12  }
.LBB2_4:
0x5b: {  	p1 =	sne.s32 s24, $0x7800  }
0x5c: {  	[tilespmem:v0+s28+$0x170 ss:$0x1] =	vst.idx.msk $0xffff, v1;
	s25 =	sadd.s32 $0x100, s25;
	s26 =	smov.u32 s24;
	s24 =	sadd.s32 $0x800, s24  }
0x5d: {  	[tilespmem:v0+s28+$0x10 ss:$0x1] =	vst.idx.msk $0xffff, v8  }
0x5e: {  	[tilespmem:v0+s28+$0x20 ss:$0x1] =	vst.idx.msk $0xffff, v7  }
0x5f: {  	[tilespmem:v0+s28+$0x30 ss:$0x1] =	vst.idx.msk $0xffff, v6  }
0x60: {  	[tilespmem:v0+s28+$0x40 ss:$0x1] =	vst.idx.msk $0xffff, v5  }
0x61: {  	[tilespmem:v0+s28+$0x50 ss:$0x1] =	vst.idx.msk $0xffff, v4  }
0x62: {  	[tilespmem:v0+s28+$0x60 ss:$0x1] =	vst.idx.msk $0xffff, v3  }
0x63: {  	[tilespmem:v0+s28+$0x70 ss:$0x1] =	vst.idx.msk $0xffff, v2  }
0x64: {  	v8 =	vld [tilespmem:s25+$0x30]  }
0x65: {  	v1 =	vld [tilespmem:s25+$0x70]  }
0x66: {  	v4 =	vld [tilespmem:s25+$0xFFFFFFD0]  }
0x67: {  	v5 =	vld [tilespmem:s25+$0xFFFFFFC0]  }
0x68: {  	v3 =	vld [tilespmem:s25+$0xFFFFFFE0]  }
0x69: {  	v2 =	vld [tilespmem:s25+$0x60]  }
0x6a: {  	v6 =	vld [tilespmem:s25+$0x50]  }
0x6b: {  	v7 =	vld [tilespmem:s25+$0x40]  }
0x6c: {  	v9 =	vld [tilespmem:s25+$0xFFFFFF90]  }
0x6d: {  	v1 =	vld.idx.msk [tilespmem:v1+s3+$0x0], $0xffff  }
0x6e: {  	v10 =	vld [tilespmem:s25+$0x20]  }
0x6f: {  	v11 =	vld [tilespmem:s25+$0x10]  }
0x70: {  	v12 =	vld [tilespmem:s25+$0xFFFFFFF0]  }
0x71: {  	v13 =	vld.idx.msk [tilespmem:v2+s3+$0x0], $0xffff  }
0x72: {  	v14 =	vld.idx.msk [tilespmem:v6+s3+$0x0], $0xffff  }
0x73: {  	v15 =	vld.idx.msk [tilespmem:v7+s3+$0x0], $0xffff  }
0x74: {  	v6 =	vld [tilespmem:s25+$0xFFFFFFB0]  }
0x75: {  	v7 =	vld [tilespmem:s25+$0xFFFFFFA0]  }
0x76: {  	v16 =	vld [tilespmem:s25+$0xFFFFFF80]  }
0x77: {  	v17 =	vld [tilespmem:s25+$0x0]  }
0x78: {  	v2 =	vld.idx.msk [tilespmem:v12+s3+$0x0], $0xffff  }
0x79: {  	v3 =	vld.idx.msk [tilespmem:v3+s3+$0x0], $0xffff  }
0x7a: {  	v4 =	vld.idx.msk [tilespmem:v4+s3+$0x0], $0xffff  }
0x7b: {  	v5 =	vld.idx.msk [tilespmem:v5+s3+$0x0], $0xffff  }
0x7c: {  	v6 =	vld.idx.msk [tilespmem:v6+s3+$0x0], $0xffff  }
0x7d: {  	v7 =	vld.idx.msk [tilespmem:v7+s3+$0x0], $0xffff  }
0x7e: {  	v12 =	vld.idx.msk [tilespmem:v16+s3+$0x0], $0xffff  }
0x7f: {  	v16 =	vld.idx.msk [tilespmem:v17+s3+$0x0], $0xffff  }
0x80: {  	v11 =	vld.idx.msk [tilespmem:v11+s3+$0x0], $0xffff  }
0x81: {  	v10 =	vld.idx.msk [tilespmem:v10+s3+$0x0], $0xffff  }
0x82: {  	v17 =	vld.idx.msk [tilespmem:v8+s3+$0x0], $0xffff  }
0x83: {  	s28 =	sshra.s32 s26, $0x2;
	v8 =	vld.idx.msk [tilespmem:v9+s3+$0x0], $0xffff  }
0x84: {  	[tilespmem:v0+s28+$0x0 ss:$0x1] =	vst.idx.msk $0xffff, v12  }
0x85: {  	[tilespmem:v0+s28+$0x100 ss:$0x1] =	vst.idx.msk $0xffff, v16  }
0x86: {  	[tilespmem:v0+s28+$0x110 ss:$0x1] =	vst.idx.msk $0xffff, v11  }
.Ltmp2:
0x87: {  	[tilespmem:v0+s28+$0x120 ss:$0x1] =	vst.idx.msk $0xffff, v10;
	(pc) =	sbr.rel @p1 .LBB2_4-.Ltmp2, $4  }
0x88: {  	[tilespmem:v0+s28+$0x130 ss:$0x1] =	vst.idx.msk $0xffff, v17  }
0x89: {  	[tilespmem:v0+s28+$0x140 ss:$0x1] =	vst.idx.msk $0xffff, v15  }
0x8a: {  	[tilespmem:v0+s28+$0x150 ss:$0x1] =	vst.idx.msk $0xffff, v14  }
0x8b: {  	[tilespmem:v0+s28+$0x160 ss:$0x1] =	vst.idx.msk $0xffff, v13  }
0x8c: {  	_ =	sdelay $0x3  }
0x8d: {  	[tilespmem:v0+s28+$0x170 ss:$0x1] =	vst.idx.msk $0xffff, v1  }
0x8e: {  	[tilespmem:v0+s28+$0x10 ss:$0x1] =	vst.idx.msk $0xffff, v8  }
0x8f: {  	[tilespmem:v0+s28+$0x20 ss:$0x1] =	vst.idx.msk $0xffff, v7  }
0x90: {  	s24 =	sshll.u32 s21, $0xF;
	[tilespmem:v0+s28+$0x30 ss:$0x1] =	vst.idx.msk $0xffff, v6  }
0x91: {  	s24 =	sadd.s32 s20, s24;
	[tilespmem:v0+s28+$0x40 ss:$0x1] =	vst.idx.msk $0xffff, v5  }
0x92: {  	s24 =	sshrl.u32 s24, $0x3;
	[tilespmem:v0+s28+$0x50 ss:$0x1] =	vst.idx.msk $0xffff, v4  }
0x93: {  	s24 =	sadd.s32 s5, s24;
	[tilespmem:v0+s28+$0x60 ss:$0x1] =	vst.idx.msk $0xffff, v3  }
0x94: {  	s25 =	simm.s32 $0x80;
	s26 =	sadd.s32 $0x100, s23;
	[tilespmem:v0+s28+$0x70 ss:$0x1] =	vst.idx.msk $0xffff, v2;
	s28 =	sadd.s32 $0x0, s24  }
.LBB2_6:
0x95: {  	[hbm4b:s28+s3] =	stream.linear.scatter [tilespmem:s23], [sflag:$0x1], $0x80, $0x38;
	[tilespmem:$0x1E700] =	vst v63  }
0x96: {  	s28 =	smov.u32 s25;
	s23 =	smov.u32 s26;
	p1 =	sne.s32 s25, $0xF80  }
.Ltmp3:
0x97: {  	s25 =	sadd.s32 $0x80, s25;
	(pc) =	sbr.rel @p1 .LBB2_6-.Ltmp3, $2  }
0x98: {  	_ =	sdelay $0x2  }
0x99: {  	s26 =	sadd.s32 $0x100, s26;
	s28 =	sadd.s32 s28, s24  }
0x9a: {  	s21 =	sadd.s32 $0x1, s21  }
0x9b: {  	p1 =	sne.s32 s21, $0x4  }
.Ltmp4:
0x9c: {  	_ = 	snop;
	(pc) =	sbr.rel @p1 .LBB2_3-.Ltmp4, $3  }
0x9d: {  	_ =	sdelay $0x1  }
0x9e: {  	[hbm4b:s28+s3] =	stream.linear.scatter [tilespmem:s23], [sflag:$0x1], $0x80, $0x38;
	[tilespmem:$0x1E700] =	vst v63  }
0x9f: {  	s22 =	sadd.s32 $0x1000, s22;
	p0 =	por !p0, !p0  }
0xa0: {  	s18 =	sadd.s32 $0x1, s18  }
0xa1: {  	p0 =	sge.u32 s18, s9  }
.Ltmp5:
0xa2: {  	_ = 	snop;
	(pc) =	sbr.rel @p0 .LBB2_10-.Ltmp5, $1  }
0xa3: {  	_ =	sdelay $0x3  }
0xa4: {  	s19 =	sshrl.u32 s18, $0x5  }
0xa5: {  	s20 =	sand.u32 $0x18, s18;
	s19 =	smul.u32 $0x30E000, s19  }
.Ltmp6:
0xa6: {  	s20 =	sshrl.u32 s20, $0x3;
	(pc) =	sbr.rel .LBB2_2-.Ltmp6, $4  }
0xa7: {  	s20 =	smul.u32 $0xC3800, s20  }
0xa8: {  	s21 =	sshll.u32 s18, $0x7  }
0xa9: {  	s31 =	sand.u32 $0x380, s21;
	s19 =	sadd.s32 s19, s20  }
0xaa: {  	s19 =	sor.u32 s31, s19  }
.LBB2_11:
0xab: {  	_ =	sfence.sel $0x180000  }
0xac: {  	[bflag:$0x0] =	sbarrier.arrive $0xFFFF  }
0xad: {  	p0 =	sne.s32 s0, $0x0;
	_ =	strace $0x9000004A  }
0xae: {  	s0 =	sadd.s32 @!p0 $0x100000, s1;
	[bflag:$0x2] =	sbarrier.arrive $0xFFFF  }
0xaf: {  	[sflag:s0] =	ssyncadd.tile.s32 @!p0 $0x1;
	_ =	shalt  }
.Lfunc_end2:
_tile_overlayer_lowered:
.L_overlay_start_2:
0xb0: {  	(tag) =	ssettag $0x2  }
0xb1: {  	s0 =	rddreg [dreg:$0x0];
	s2 =	stileid.u32  }
0xb2: {  	s1 =	rddreg [dreg:$0x1];
	p0 =	sne.s32 s2, $0x0  }
0xb3: {  	s3 =	rddreg [dreg:$0x2];
	[bflag:$0x3] =	sbarrier.arrive $0xFFFF;
	s2 =	simm.s32 @!p0 $0x1C03  }
0xb4: {  	[timem:s3], [sflag:s2] =	dma.local @!p0 [hbm:s0], s1  }
0xb5: {  	s0 =	simm.s32 @!p0 $0x3  }
0xb6: {  	_ =	swait.ge @!p0 [sflag:s0], s1  }
0xb7: {  	s1 =	ssub.s32 @!p0 $0x0, s1;
	[sflag:s0] =	ssyncset.done @!p0 $0x0  }
0xb8: {  	[sflag:s0] =	ssyncadd.s32 @!p0 s1  }
0xb9: {  	[bflag:$0x3] =	sbarrier.arrive $0xFFFF  }
0xba: {  	_ =	shalt  }

// kernel: kernel.7.cloned.1.call-start
scs
__scs_entry_jumppad:
0x0: {  	(pc) =	sbr.rel $0x88, $3  }
0x1: {  	(tag) =	ssettag $0x0;
	lr =	simm.s32 $0x1  }
0x2: {  	[smem:$0x3F9C] =	sst lr;
	_ =	strace $0xD0000000  }
0x3: {  	_ = 	snop  }
0x4: {  	_ = 	snop  }
0x5: {  	_ = 	snop  }
0x6: {  	_ = 	snop  }
0x7: {  	_ = 	snop  }
__scs_overlays_trampoline_lowered:
0x8: {  	[smem:$0x3FAB] =	sst s0  }
0x9: {  	[smem:$0x3FAC] =	sst s1  }
0xa: {  	[smem:$0x3FAD] =	sst s2  }
0xb: {  	[smem:$0x3FAE] =	sst s3  }
0xc: {  	[smem:$0x3FAF] =	sst s4  }
0xd: {  	[smem:$0x3FB0] =	sst s5  }
0xe: {  	[smem:$0x3FB1] =	sst s6  }
0xf: {  	[smem:$0x3FB2] =	sst s7  }
0x10: {  	[smem:$0x3FB3] =	sst s8  }
0x11: {  	[smem:$0x3FB4] =	sst s9;
	s0 =	simm.s32 @!p0 $0x0  }
0x12: {  	s1 =	sld [smem:$0x3F9A];
	s0 =	simm.s32 @p0 $0x1  }
0x13: {  	[smem:$0x3FB5] =	sst s0;
	s0 =	simm.s32 @!p1 $0x0  }
0x14: {  	s2 =	sld [smem:$0x3F99];
	s0 =	simm.s32 @p1 $0x1  }
0x15: {  	[smem:$0x3FB6] =	sst s0;
	s0 =	simm.s32 @!p2 $0x0  }
0x16: {  	s3 =	sld [smem:$0x3FDB];
	s0 =	simm.s32 @p2 $0x1  }
0x17: {  	s4 =	simm.s32 $0x1BF5;
	[smem:$0x3FB8] =	sst s0  }
0x18: {  	s0 =	sld [smem:$0x3F9B];
	_ =	swait.ge [sflag:s4], $0x0  }
0x19: {  	s7 =	sld [smem:$0x3F9C]  }
0x1a: {  	s8 =	sadd.s32 $0xFFFFE003, lr  }
0x1b: {  	s9 =	sadd.s32 $0xFFFFFEF7, lr;
	s5 =	simm.s32 $0xFFFFFFFF;
	p2 =	slt.u32 s8, $0xFFFFF086  }
0x1c: {  	p1 =	slt.u32 s9, $0xF7A;
	s5 =	simm.s32 @!p2 $0x0  }
0x1d: {  	s5 =	simm.s32 @p1 $0x1;
	p0 =	seq.s32 s7, s2  }
0x1e: {  	s7 =	smul.u32 @!p0 $0xF7A, s2;
	p2 =	seq.s32 @!p0 s5, $0x0  }
0x1f: {  	s9 =	smul.u32 $0xF7A, s1;
	s8 =	simm.s32 @!p0 $0x1BF5;
	p2 =	por !p2, p0  }
0x20: {  	[sflag:s8] =	ssyncset.s32 @!p0 $0xFFFFF086;
	s6 =	sadd.s32 @!p0 s3, s7;
	s7 =	simm.s32 @!p0 $0x108  }
0x21: {  	s3 =	sadd.s32 s3, s9;
	s6 =	sadd.s32 @!p0 $0x88, s6;
	s7 =	simm.s32 @p2 $0x1082  }
0x22: {  	[simem:s7], [sflag:s8] =	dma.local @!p0 [hbm:s6], $0xF7A  }
0x23: {  	s9 =	sor.u32 $0xD0000000, s2;
	s6 =	simm.s32 $0x108;
	_ =	swait.ge @!p0 [sflag:s8], $0x0  }
0x24: {  	s3 =	sadd.s32 $0x88, s3;
	s6 =	simm.s32 @!p1 $0x1082;
	[sflag:s4] =	ssyncset.s32 $0xFFFFF086  }
0x25: {  	[simem:s6], [sflag:s4] =	dma.local [hbm:s3], $0xF7A  }
0x26: {  	[smem:$0x3F9C] =	sst s1;
	(tag) =	ssettag s2;
	_ =	strace s9  }
0x27: {  	s1 =	sld [smem:$0x3FAC]  }
0x28: {  	s2 =	sld [smem:$0x3FAD]  }
0x29: {  	s4 =	sld [smem:$0x3FAF]  }
0x2a: {  	p0 =	seq.s32 s5, $0x0;
	s5 =	sld [smem:$0x3FB0]  }
0x2b: {  	s6 =	sld [smem:$0x3FB1]  }
0x2c: {  	s7 =	sld [smem:$0x3FB2]  }
0x2d: {  	s3 =	simm.s32 $0x108;
	s8 =	sld [smem:$0x3FB3]  }
0x2e: {  	s3 =	simm.s32 @!p0 $0x1082;
	s9 =	sld [smem:$0x3FB4]  }
0x2f: {  	lr =	sadd.s32 s0, s3;
	s0 =	sld [smem:$0x3FAB]  }
0x30: {  	s3 =	sld [smem:$0x3FAE]  }
0x31: {  	[smem:$0x3FB7] =	sst s10  }
0x32: {  	s10 =	sld [smem:$0x3FB5];
	_ =	sdelay $0x3  }
0x33: {  	p0 =	seq.s32 s10, $0x1;
	s10 =	sld [smem:$0x3FB7];
	_ =	sdelay $0x3  }
0x34: {  	[smem:$0x3FB7] =	sst s10  }
0x35: {  	s10 =	sld [smem:$0x3FB6];
	_ =	sdelay $0x3  }
0x36: {  	p1 =	seq.s32 s10, $0x1;
	s10 =	sld [smem:$0x3FB7];
	_ =	sdelay $0x3  }
0x37: {  	[smem:$0x3FB7] =	sst s10  }
0x38: {  	s10 =	sld [smem:$0x3FB8]  }
0x39: {  	_ = 	snop;
	(pc) =	sbr.ind lr, $3  }
0x3a: {  	_ = 	snop  }
0x3b: {  	_ = 	snop  }
0x3c: {  	p2 =	seq.s32 s10, $0x1;
	s10 =	sld [smem:$0x3FB7]  }
0x3d: {  	_ =	shalt  }
0x3e: {  	_ =	shalt  }
0x3f: {  	_ =	shalt  }
0x40: {  	_ =	shalt  }
0x41: {  	_ =	shalt  }
0x42: {  	_ =	shalt  }
0x43: {  	_ =	shalt  }
0x44: {  	_ =	shalt  }
0x45: {  	_ =	shalt  }
0x46: {  	_ =	shalt  }
0x47: {  	_ =	shalt  }
0x48: {  	_ =	shalt  }
0x49: {  	_ =	shalt  }
0x4a: {  	_ =	shalt  }
0x4b: {  	_ =	shalt  }
0x4c: {  	_ =	shalt  }
0x4d: {  	_ =	shalt  }
0x4e: {  	_ =	shalt  }
0x4f: {  	_ =	shalt  }
0x50: {  	_ =	shalt  }
0x51: {  	_ =	shalt  }
0x52: {  	_ =	shalt  }
0x53: {  	_ =	shalt  }
0x54: {  	_ =	shalt  }
0x55: {  	_ =	shalt  }
0x56: {  	_ =	shalt  }
0x57: {  	_ =	shalt  }
0x58: {  	_ =	shalt  }
0x59: {  	_ =	shalt  }
0x5a: {  	_ =	shalt  }
0x5b: {  	_ =	shalt  }
0x5c: {  	_ =	shalt  }
0x5d: {  	_ =	shalt  }
0x5e: {  	_ =	shalt  }
0x5f: {  	_ =	shalt  }
0x60: {  	_ =	shalt  }
0x61: {  	_ =	shalt  }
0x62: {  	_ =	shalt  }
0x63: {  	_ =	shalt  }
0x64: {  	_ =	shalt  }
0x65: {  	_ =	shalt  }
0x66: {  	_ =	shalt  }
0x67: {  	_ =	shalt  }
0x68: {  	_ =	shalt  }
0x69: {  	_ =	shalt  }
0x6a: {  	_ =	shalt  }
0x6b: {  	_ =	shalt  }
0x6c: {  	_ =	shalt  }
0x6d: {  	_ =	shalt  }
0x6e: {  	_ =	shalt  }
0x6f: {  	_ =	shalt  }
0x70: {  	_ =	shalt  }
0x71: {  	_ =	shalt  }
0x72: {  	_ =	shalt  }
0x73: {  	_ =	shalt  }
0x74: {  	_ =	shalt  }
0x75: {  	_ =	shalt  }
0x76: {  	_ =	shalt  }
0x77: {  	_ =	shalt  }
0x78: {  	_ =	shalt  }
0x79: {  	_ =	shalt  }
0x7a: {  	_ =	shalt  }
0x7b: {  	_ =	shalt  }
0x7c: {  	_ =	shalt  }
0x7d: {  	_ =	shalt  }
0x7e: {  	_ =	shalt  }
0x7f: {  	_ =	shalt  }
0x80: {  	_ =	shalt  }
0x81: {  	_ =	shalt  }
0x82: {  	_ =	shalt  }
0x83: {  	_ =	shalt  }
0x84: {  	_ =	shalt  }
0x85: {  	_ =	shalt  }
0x86: {  	_ =	shalt  }
0x87: {  	_ =	shalt  }
.Lfunc_end0:
.L_simem_size_0:
called_computation_lowered:
.L_overlay_start_0:
0x88: {  	s2 =	sld [smem:$0x3FD9]  }
0x89: {  	s3 =	sld [smem:$0x3FFE];
	_ =	sdelay $0x1  }
0x8a: {  	s1 =	srdreg.scid  }
0x8b: {  	s0 =	sand.u32 $0x1, s1  }
0x8c: {  	s17 =	sshll.u32 s0, $0xA;
	s2 =	sadd.s32 s3, s2  }
0x8d: {  	s2 =	sadd.s32 s2, s17  }
0x8e: {  	[smem:$0x3FC3] =	sst s2  }
0x8f: {  	_ = 	snop  }
0x90: {  	s2 =	sld [smem:$0x3FC7];
	(tm) =	ssettm $0x1  }
0x91: {  	s18 =	sld [smem:$0x3FFB];
	_ =	sdelay $0x3  }
0x92: {  	_ =	strace s18  }
0x93: {  	s3 =	sld [smem:$0x3FFC];
	_ =	sdelay $0x3  }
0x94: {  	_ =	strace s3  }
0x95: {  	s3 =	sld [smem:$0x3FFD];
	_ =	sdelay $0x3  }
0x96: {  	_ =	strace s3  }
0x97: {  	_ =	strace $0x8FFFFFFF  }
0x98: {  	s19 =	sld [smem:$0x3FDB];
	_ =	sdelay $0x1  }
0x99: {  	s4 =	simm.s32 $_scs_section_size  }
0x9a: {  	s5 =	simm.s32 $_size__tile_overlayer_lowered;
	s6 =	simm.s32 $_tile_overlayer_lowered  }
0x9b: {  	s22 =	simm.s32 $0x1BFF;
	s21 =	sshll.u32 s6, $0x1;
	s3 =	sadd.s32 s4, s19  }
0x9c: {  	s7 =	simm.s32 $0x0;
	s20 =	sshll.u32 s5, $0x1;
	s5 =	sadd.s32 s21, s3  }
0x9d: {  	[timem:s7], [sflag:s22] =	dma.local [hbm:s5], s20  }
0x9e: {  	_ =	swait.ge [sflag:s22], s20  }
0x9f: {  	s4 =	ssub.s32 $0x0, s20;
	[sflag:s22] =	ssyncset.done $0x0  }
0xa0: {  	[sflag:s22] =	ssyncadd.s32 s4;
	_ =	sdelay $0x1  }
0xa1: {  	s23 =	simm.s32 $0x1B8B  }
0xa2: {  	_ =	swait.ge [sflag:s23], $0x1  }
0xa3: {  	[sflag:s23] =	ssyncset.done $0x0  }
0xa4: {  	s25 =	simm.s32 $0x1B8E;
	s24 =	sld [smem:$0x3FFE];
	[sflag:s23] =	ssyncadd.s32 $0xFFFFFFFF  }
0xa5: {  	s26 =	simm.s32 $execute0_lowered;
	[smem:$0x3FD2] =	sst s25  }
0xa6: {  	s5 =	sshll.u32 s26, $0x1;
	_ =	strace $0x80000046;
	[dreg:$0x1] =	wrdreg $0xFFFFFFFF  }
0xa7: {  	s28 =	simm.s32 $_size_execute0_lowered;
	s3 =	sadd.s32 s3, s5;
	[dreg:$0x0] =	wrdreg $0x0  }
0xa8: {  	s5 =	sshll.u32 s28, $0x1;
	[dreg:$0x2] =	wrdreg s3  }
0xa9: {  	[dreg:$0x3] =	wrdreg s5  }
0xaa: {  	[dreg:$0x4] =	wrdreg $0xC0  }
0xab: {  	_ =	task [dreg:s7], $0x5FFFF  }
0xac: {  	[dreg:$0x1] =	wrdreg $0xFFFFFFFF  }
0xad: {  	[dreg:$0x0] =	wrdreg $0x60  }
0xae: {  	[dreg:$0x2] =	wrdreg s2  }
0xaf: {  	[dreg:$0x3] =	wrdreg s24  }
0xb0: {  	[dreg:$0x4] =	wrdreg $0x9  }
0xb1: {  	_ =	task.clear_ibuf [dreg:s7], $0x5FFFF;
	_ =	strace $0x90000046  }
0xb2: {  	s29 =	simm.s32 $0x9;
	_ =	strace $0x80000048  }
0xb3: {  	_ =	swait.ge [sflag:s29], $0x1  }
0xb4: {  	[sflag:s29] =	ssyncadd.s32 $0xFFFFFFFF  }
0xb5: {  	_ =	strace $0x90000048  }
0xb6: {  	_ =	sfence  }
0xb7: {  	s30 =	sld [smem:$0x0];
	_ =	sdelay $0x2  }
0xb8: {  	s31 =	sshll.u32 s1, $0xD;
	s1 =	sshrl.u32 s1, $0x2  }
0xb9: {  	s3 =	sand.u32 $0x4000, s31;
	s1 =	sadd.s32 s1, s30  }
0xba: {  	s0 =	sor.u32 s3, s0;
	s1 =	sshll.u32 s1, $0x11  }
0xbb: {  	s0 =	sor.u32 s1, s0  }
0xbc: {  	s0 =	sadd.s32 $0x8F2B, s0  }
0xbd: {  	[sflag:s0] =	ssyncadd.remote.s32 $0x1  }
0xbe: {  	_ =	sfence.sel $0xFFFF  }
0xbf: {  	[dreg:$0x0] =	wrdreg $0xFFFFFFFF;
	(pc) =	sbr.abs _section_cstart, $3  }
0xc0: {  	[dreg:$0x1] =	wrdreg $0xFFFFFFFF  }
0xc1: {  	_ =	task.clear_ibuf [dreg:s7], $0x2FFFF;
	_ =	strace $0x9FFFFFFF  }
0xc2: {  	(tm) =	ssettm $0x7FFFFFFF  }
0xc3: {  	_ =	shalt  }
tec
execute0_lowered:
.L_overlay_start_1:
0x0: {  	(tag) =	ssettag $0x1  }
0x1: {  	s2 =	rddreg [dreg:$0x0]  }
0x2: {  	s1 =	srdreg.scid;
	s0 =	stileid.u32  }
0x3: {  	s6 =	rddreg [dreg:$0x1];
	s3 =	simm.s32 $0x0;
	s14 =	simm.s32 $0x3  }
0x4: {  	s15 =	simm.s32 $0x2;
	s16 =	simm.s32 $0x1;
	s17 =	simm.s32 $0x0  }
0x5: {  	s7 =	sand.u32 $0x1, s1;
	s4 =	sshll.u32 s0, $0x1;
	s1 =	rddreg [dreg:$0x2]  }
0x6: {  	[smem:$0x7FF] =	sst s3;
	s4 =	sor.u32 s7, s4;
	s7 =	ssub.s32 $0x2, s7  }
0x7: {  	s5 =	sadd.s32 $0xC00, s6;
	s4 =	smul.u32 $0xD, s4;
	s10 =	sshrl.u32 s7, $0x1  }
0x8: {  	s6 =	sadd.s32 $0x10C00, s6;
	_ =	strace $0x80000047;
	s10 =	ssub.s32 s7, s10  }
0x9: {  	s8 =	sshrl.u32 s4, $0x5;
	s9 =	sand.u32 $0x18, s4;
	s11 =	sshll.u32 s4, $0x6  }
0xa: {  	s12 =	sshrl.u32 s4, $0x1;
	s13 =	sshll.u32 s4, $0x7;
	s8 =	smul.u32 $0x30E000, s8  }
.Ltmp0:
0xb: {  	s10 =	smax.u32 s10, $0x1;
	s9 =	sshrl.u32 s9, $0x3;
	(pc) =	sbr.rel .LBB2_1-.Ltmp0, $4  }
0xc: {  	s11 =	sand.u32 $0x4000, s11;
	s12 =	sand.u32 $0x70, s12;
	s9 =	smul.u32 $0xC3800, s9  }
0xd: {  	s31 =	sand.u32 $0x380, s13;
	s13 =	simm.s32 $0x18700;
	s12 =	sadd.s32 s5, s12  }
0xe: {  	s7 =	sadd.s32 s11, s12;
	s11 =	simm.s32 $0x80;
	s8 =	sadd.s32 s8, s9  }
0xf: {  	s12 =	simm.s32 $0x400;
	s9 =	sadd.s32 $0xD, s4;
	s8 =	sor.u32 s31, s8  }
.LBB2_10:
0x10: {  	s17 =	sadd.s32 $0x1, s17  }
0x11: {  	_ =	swait.ge [sflag:s16], $0x1000;
	p0 =	sne.s32 s17, s10  }
.Ltmp1:
0x12: {  	[sflag:s16] =	ssyncset.done $0x0;
	(pc) =	sbr.rel @!p0 .LBB2_11-.Ltmp1, $4  }
0x13: {  	[sflag:s16] =	ssyncadd.s32 $0xFFFFF000  }
0x14: {  	_ =	swait.ge [sflag:s16], $0x1000  }
0x15: {  	[sflag:s16] =	ssyncset.done $0x0  }
0x16: {  	[sflag:s16] =	ssyncadd.s32 $0xFFFFF000  }
.LBB2_1:
0x17: {  	[tilespmem:s13], [sflag:$0x3] =	stream.strided.gather [hbm4b:s7+s11], $0x4000, s12, s11, $0x38;
	[tilespmem:$0x1E700] =	vst v63  }
0x18: {  	_ =	swait.ge [sflag:s14], $0x4000  }
0x19: {  	[sflag:s14] =	ssyncset.done $0x0  }
0x1a: {  	s19 =	smov.u32 s8;
	s18 =	smov.u32 s4;
	[sflag:s14] =	ssyncadd.s32 $0xFFFFC000  }
.LBB2_2:
0x1b: {  	s19 =	sshrl.u32 s19, $0x3  }
0x1c: {  	s19 =	sadd.s32 s2, s19  }
0x1d: {  	[tilespmem:s3], [sflag:$0x2] =	stream.strided.gather [hbm4b:s19+s11], $0x18700, s12, s11, $0x38;
	[tilespmem:$0x1E700] =	vst v63  }
0x1e: {  	p0 =	sle.u32 s18, s4;
	s19 =	sand.u32 $0x1F, s18  }
0x1f: {  	p1 =	sne.s32 @!p0 s19, $0x0  }
0x20: {  	s20 =	sshrl.u32 s18, $0x5;
	p0 =	por p1, p0  }
0x21: {  	s21 =	sshll.u32 @!p0 s20, $0xE;
	s22 =	sshll.u32 @!p0 s20, $0x7  }
0x22: {  	s21 =	sand.u32 @!p0 $0xFFFE0000, s21;
	s22 =	sand.u32 @!p0 $0x380, s22  }
0x23: {  	s21 =	sor.u32 @!p0 s22, s21  }
0x24: {  	s23 =	simm.s32 @!p0 $0x400;
	s21 =	sshrl.u32 @!p0 s21, $0x3  }
0x25: {  	s24 =	simm.s32 @!p0 $0x18700;
	s22 =	simm.s32 @!p0 $0x80;
	s21 =	sadd.s32 @!p0 s5, s21  }
0x26: {  	[tilespmem:s24], [sflag:$0x3] =	stream.strided.gather @!p0 [hbm4b:s21+s22], $0x4000, s23, s22, $0x38;
	[tilespmem:$0x1E700] =	vst v63  }
0x27: {  	s21 =	simm.s32 @!p0 $0x3  }
0x28: {  	s31 =	ssub.s32 s18, s4;
	s29 =	sshll.u32 s19, $0x7;
	_ =	swait.ge @!p0 [sflag:s21], $0x4000  }
0x29: {  	s19 =	sshll.u32 s19, $0xE;
	s30 =	sand.u32 $0x380, s29;
	[sflag:s21] =	ssyncset.done @!p0 $0x0  }
0x2a: {  	s19 =	sand.u32 $0x60000, s19;
	s20 =	sshll.u32 s20, $0x13;
	[sflag:s21] =	ssyncadd.s32 @!p0 $0xFFFFC000  }
0x2b: {  	s20 =	sor.u32 s20, s19;
	s19 =	sshll.u32 s31, $0x2;
	_ =	swait.ge [sflag:s15], $0x18700  }
0x2c: {  	s20 =	sor.u32 s30, s20;
	s22 =	simm.s32 $0x18780;
	[sflag:s15] =	ssyncset.done $0x0  }
0x2d: {  	s21 =	simm.s32 $0x0;
	p0 =	por $0x0, $0x0;
	[sflag:s15] =	ssyncadd.s32 $0xFFFE7900  }
.LBB2_3:
0x2e: {  	s23 =	sadd.s32 s19, s21  }
0x2f: {  	p1 =	slt.u32 s23, $0x2  }
0x30: {  	s23 =	simm.s32 @!p1 $0x1  }
0x31: {  	_ =	swait.ge @!p1 [sflag:s23], $0x1000  }
0x32: {  	[sflag:s23] =	ssyncset.done @!p1 $0x0  }
0x33: {  	[sflag:s23] =	ssyncadd.s32 @!p1 $0xFFFFF000  }
0x34: {  	v8 =	vld [tilespmem:s22+$0x30]  }
0x35: {  	v0 =	vld [tilespmem:s22+$0x70]  }
0x36: {  	v4 =	vld [tilespmem:s22+$0xFFFFFFD0]  }
0x37: {  	v5 =	vld [tilespmem:s22+$0xFFFFFFC0]  }
0x38: {  	v3 =	vld [tilespmem:s22+$0xFFFFFFE0]  }
0x39: {  	v2 =	vld [tilespmem:s22+$0x60]  }
0x3a: {  	v6 =	vld [tilespmem:s22+$0x50]  }
0x3b: {  	v7 =	vld [tilespmem:s22+$0x40]  }
0x3c: {  	v9 =	vld [tilespmem:s22+$0xFFFFFF90]  }
0x3d: {  	v10 =	vld [tilespmem:s22+$0x20]  }
0x3e: {  	v11 =	vld [tilespmem:s22+$0x10]  }
0x3f: {  	v15 =	vld [tilespmem:s22+$0xFFFFFF80]  }
0x40: {  	v16 =	vld [tilespmem:s22+$0x0]  }
0x41: {  	v1 =	vld.idx.msk [tilespmem:v0+s3+$0x0], $0xffff  }
0x42: {  	v0 =	vld [tilespmem:s22+$0xFFFFFFF0]  }
0x43: {  	v12 =	vld.idx.msk [tilespmem:v2+s3+$0x0], $0xffff  }
0x44: {  	v13 =	vld.idx.msk [tilespmem:v6+s3+$0x0], $0xffff  }
0x45: {  	v14 =	vld.idx.msk [tilespmem:v7+s3+$0x0], $0xffff  }
0x46: {  	v6 =	vld [tilespmem:s22+$0xFFFFFFB0]  }
0x47: {  	v7 =	vld [tilespmem:s22+$0xFFFFFFA0]  }
0x48: {  	v3 =	vld.idx.msk [tilespmem:v3+s3+$0x0], $0xffff  }
0x49: {  	v4 =	vld.idx.msk [tilespmem:v4+s3+$0x0], $0xffff  }
0x4a: {  	s23 =	simm.s32 $0x1;
	v5 =	vld.idx.msk [tilespmem:v5+s3+$0x0], $0xffff  }
0x4b: {  	s23 =	simm.s32 @!p0 $0x0;
	v15 =	vld.idx.msk [tilespmem:v15+s3+$0x0], $0xffff  }
0x4c: {  	s23 =	sshll.u32 s23, $0x7;
	v16 =	vld.idx.msk [tilespmem:v16+s3+$0x0], $0xffff  }
0x4d: {  	s23 =	sor.u32 $0x1C700, s23;
	v11 =	vld.idx.msk [tilespmem:v11+s3+$0x0], $0xffff  }
0x4e: {  	v2 =	vld.idx.msk [tilespmem:v0+s3+$0x0], $0xffff;
	v0 =	vmov s23  }
0x4f: {  	v10 =	vld.idx.msk [tilespmem:v10+s3+$0x0], $0xffff  }
0x50: {  	v17 =	vld.idx.msk [tilespmem:v8+s3+$0x0], $0xffff  }
0x51: {  	v8 =	vld.idx.msk [tilespmem:v9+s3+$0x0], $0xffff  }
0x52: {  	s28 =	simm.s32 $0x0;
	v6 =	vld.idx.msk [tilespmem:v6+s3+$0x0], $0xffff  }
0x53: {  	v7 =	vld.idx.msk [tilespmem:v7+s3+$0x0], $0xffff;
	[tilespmem:v0+s28+$0x0 ss:$0x1] =	vst.idx.msk $0xffff, v15  }
0x54: {  	[tilespmem:v0+s28+$0x100 ss:$0x1] =	vst.idx.msk $0xffff, v16  }
0x55: {  	[tilespmem:v0+s28+$0x110 ss:$0x1] =	vst.idx.msk $0xffff, v11  }
0x56: {  	[tilespmem:v0+s28+$0x120 ss:$0x1] =	vst.idx.msk $0xffff, v10  }
0x57: {  	[tilespmem:v0+s28+$0x130 ss:$0x1] =	vst.idx.msk $0xffff, v17  }
0x58: {  	[tilespmem:v0+s28+$0x140 ss:$0x1] =	vst.idx.msk $0xffff, v14  }
0x59: {  	[tilespmem:v0+s28+$0x150 ss:$0x1] =	vst.idx.msk $0xffff, v13  }
0x5a: {  	s24 =	simm.s32 $0x800;
	s25 =	smov.u32 s22;
	[tilespmem:v0+s28+$0x160 ss:$0x1] =	vst.idx.msk $0xffff, v12  }
.LBB2_4:
0x5b: {  	p1 =	sne.s32 s24, $0x7800  }
0x5c: {  	[tilespmem:v0+s28+$0x170 ss:$0x1] =	vst.idx.msk $0xffff, v1;
	s25 =	sadd.s32 $0x100, s25;
	s26 =	smov.u32 s24;
	s24 =	sadd.s32 $0x800, s24  }
0x5d: {  	[tilespmem:v0+s28+$0x10 ss:$0x1] =	vst.idx.msk $0xffff, v8  }
0x5e: {  	[tilespmem:v0+s28+$0x20 ss:$0x1] =	vst.idx.msk $0xffff, v7  }
0x5f: {  	[tilespmem:v0+s28+$0x30 ss:$0x1] =	vst.idx.msk $0xffff, v6  }
0x60: {  	[tilespmem:v0+s28+$0x40 ss:$0x1] =	vst.idx.msk $0xffff, v5  }
0x61: {  	[tilespmem:v0+s28+$0x50 ss:$0x1] =	vst.idx.msk $0xffff, v4  }
0x62: {  	[tilespmem:v0+s28+$0x60 ss:$0x1] =	vst.idx.msk $0xffff, v3  }
0x63: {  	[tilespmem:v0+s28+$0x70 ss:$0x1] =	vst.idx.msk $0xffff, v2  }
0x64: {  	v8 =	vld [tilespmem:s25+$0x30]  }
0x65: {  	v1 =	vld [tilespmem:s25+$0x70]  }
0x66: {  	v4 =	vld [tilespmem:s25+$0xFFFFFFD0]  }
0x67: {  	v5 =	vld [tilespmem:s25+$0xFFFFFFC0]  }
0x68: {  	v3 =	vld [tilespmem:s25+$0xFFFFFFE0]  }
0x69: {  	v2 =	vld [tilespmem:s25+$0x60]  }
0x6a: {  	v6 =	vld [tilespmem:s25+$0x50]  }
0x6b: {  	v7 =	vld [tilespmem:s25+$0x40]  }
0x6c: {  	v9 =	vld [tilespmem:s25+$0xFFFFFF90]  }
0x6d: {  	v1 =	vld.idx.msk [tilespmem:v1+s3+$0x0], $0xffff  }
0x6e: {  	v10 =	vld [tilespmem:s25+$0x20]  }
0x6f: {  	v11 =	vld [tilespmem:s25+$0x10]  }
0x70: {  	v12 =	vld [tilespmem:s25+$0xFFFFFFF0]  }
0x71: {  	v13 =	vld.idx.msk [tilespmem:v2+s3+$0x0], $0xffff  }
0x72: {  	v14 =	vld.idx.msk [tilespmem:v6+s3+$0x0], $0xffff  }
0x73: {  	v15 =	vld.idx.msk [tilespmem:v7+s3+$0x0], $0xffff  }
0x74: {  	v6 =	vld [tilespmem:s25+$0xFFFFFFB0]  }
0x75: {  	v7 =	vld [tilespmem:s25+$0xFFFFFFA0]  }
0x76: {  	v16 =	vld [tilespmem:s25+$0xFFFFFF80]  }
0x77: {  	v17 =	vld [tilespmem:s25+$0x0]  }
0x78: {  	v2 =	vld.idx.msk [tilespmem:v12+s3+$0x0], $0xffff  }
0x79: {  	v3 =	vld.idx.msk [tilespmem:v3+s3+$0x0], $0xffff  }
0x7a: {  	v4 =	vld.idx.msk [tilespmem:v4+s3+$0x0], $0xffff  }
0x7b: {  	v5 =	vld.idx.msk [tilespmem:v5+s3+$0x0], $0xffff  }
0x7c: {  	v6 =	vld.idx.msk [tilespmem:v6+s3+$0x0], $0xffff  }
0x7d: {  	v7 =	vld.idx.msk [tilespmem:v7+s3+$0x0], $0xffff  }
0x7e: {  	v12 =	vld.idx.msk [tilespmem:v16+s3+$0x0], $0xffff  }
0x7f: {  	v16 =	vld.idx.msk [tilespmem:v17+s3+$0x0], $0xffff  }
0x80: {  	v11 =	vld.idx.msk [tilespmem:v11+s3+$0x0], $0xffff  }
0x81: {  	v10 =	vld.idx.msk [tilespmem:v10+s3+$0x0], $0xffff  }
0x82: {  	v17 =	vld.idx.msk [tilespmem:v8+s3+$0x0], $0xffff  }
0x83: {  	s28 =	sshra.s32 s26, $0x2;
	v8 =	vld.idx.msk [tilespmem:v9+s3+$0x0], $0xffff  }
0x84: {  	[tilespmem:v0+s28+$0x0 ss:$0x1] =	vst.idx.msk $0xffff, v12  }
0x85: {  	[tilespmem:v0+s28+$0x100 ss:$0x1] =	vst.idx.msk $0xffff, v16  }
0x86: {  	[tilespmem:v0+s28+$0x110 ss:$0x1] =	vst.idx.msk $0xffff, v11  }
.Ltmp2:
0x87: {  	[tilespmem:v0+s28+$0x120 ss:$0x1] =	vst.idx.msk $0xffff, v10;
	(pc) =	sbr.rel @p1 .LBB2_4-.Ltmp2, $4  }
0x88: {  	[tilespmem:v0+s28+$0x130 ss:$0x1] =	vst.idx.msk $0xffff, v17  }
0x89: {  	[tilespmem:v0+s28+$0x140 ss:$0x1] =	vst.idx.msk $0xffff, v15  }
0x8a: {  	[tilespmem:v0+s28+$0x150 ss:$0x1] =	vst.idx.msk $0xffff, v14  }
0x8b: {  	[tilespmem:v0+s28+$0x160 ss:$0x1] =	vst.idx.msk $0xffff, v13  }
0x8c: {  	_ =	sdelay $0x3  }
0x8d: {  	[tilespmem:v0+s28+$0x170 ss:$0x1] =	vst.idx.msk $0xffff, v1  }
0x8e: {  	[tilespmem:v0+s28+$0x10 ss:$0x1] =	vst.idx.msk $0xffff, v8  }
0x8f: {  	[tilespmem:v0+s28+$0x20 ss:$0x1] =	vst.idx.msk $0xffff, v7  }
0x90: {  	s24 =	sshll.u32 s21, $0xF;
	[tilespmem:v0+s28+$0x30 ss:$0x1] =	vst.idx.msk $0xffff, v6  }
0x91: {  	s24 =	sadd.s32 s20, s24;
	[tilespmem:v0+s28+$0x40 ss:$0x1] =	vst.idx.msk $0xffff, v5  }
0x92: {  	s24 =	sshrl.u32 s24, $0x3;
	[tilespmem:v0+s28+$0x50 ss:$0x1] =	vst.idx.msk $0xffff, v4  }
0x93: {  	s24 =	sadd.s32 s6, s24;
	[tilespmem:v0+s28+$0x60 ss:$0x1] =	vst.idx.msk $0xffff, v3  }
0x94: {  	s25 =	simm.s32 $0x80;
	s26 =	sadd.s32 $0x100, s23;
	[tilespmem:v0+s28+$0x70 ss:$0x1] =	vst.idx.msk $0xffff, v2;
	s28 =	sadd.s32 $0x0, s24  }
.LBB2_6:
0x95: {  	[hbm4b:s28+s3] =	stream.linear.scatter [tilespmem:s23], [sflag:$0x1], $0x80, $0x38;
	[tilespmem:$0x1E700] =	vst v63  }
0x96: {  	s28 =	smov.u32 s25;
	s23 =	smov.u32 s26;
	p1 =	sne.s32 s25, $0xF80  }
.Ltmp3:
0x97: {  	s25 =	sadd.s32 $0x80, s25;
	(pc) =	sbr.rel @p1 .LBB2_6-.Ltmp3, $2  }
0x98: {  	_ =	sdelay $0x2  }
0x99: {  	s26 =	sadd.s32 $0x100, s26;
	s28 =	sadd.s32 s28, s24  }
0x9a: {  	s21 =	sadd.s32 $0x1, s21  }
0x9b: {  	p1 =	sne.s32 s21, $0x4  }
.Ltmp4:
0x9c: {  	_ = 	snop;
	(pc) =	sbr.rel @p1 .LBB2_3-.Ltmp4, $3  }
0x9d: {  	_ =	sdelay $0x1  }
0x9e: {  	[hbm4b:s28+s3] =	stream.linear.scatter [tilespmem:s23], [sflag:$0x1], $0x80, $0x38;
	[tilespmem:$0x1E700] =	vst v63  }
0x9f: {  	s22 =	sadd.s32 $0x1000, s22;
	p0 =	por !p0, !p0  }
0xa0: {  	s18 =	sadd.s32 $0x1, s18  }
0xa1: {  	p0 =	sge.u32 s18, s9  }
.Ltmp5:
0xa2: {  	_ = 	snop;
	(pc) =	sbr.rel @p0 .LBB2_10-.Ltmp5, $1  }
0xa3: {  	_ =	sdelay $0x3  }
0xa4: {  	s19 =	sshrl.u32 s18, $0x5  }
0xa5: {  	s20 =	sand.u32 $0x18, s18;
	s19 =	smul.u32 $0x30E000, s19  }
.Ltmp6:
0xa6: {  	s20 =	sshrl.u32 s20, $0x3;
	(pc) =	sbr.rel .LBB2_2-.Ltmp6, $4  }
0xa7: {  	s20 =	smul.u32 $0xC3800, s20  }
0xa8: {  	s21 =	sshll.u32 s18, $0x7  }
0xa9: {  	s31 =	sand.u32 $0x380, s21;
	s19 =	sadd.s32 s19, s20  }
0xaa: {  	s19 =	sor.u32 s31, s19  }
.LBB2_11:
0xab: {  	_ =	sfence.sel $0x180000  }
0xac: {  	[bflag:$0x0] =	sbarrier.arrive $0xFFFF  }
0xad: {  	p0 =	sne.s32 s0, $0x0;
	_ =	strace $0x90000047  }
0xae: {  	s0 =	sadd.s32 @!p0 $0x100000, s1;
	[bflag:$0x2] =	sbarrier.arrive $0xFFFF  }
0xaf: {  	[sflag:s0] =	ssyncadd.tile.s32 @!p0 $0x1;
	_ =	shalt  }
.Lfunc_end2:
_tile_overlayer_lowered:
.L_overlay_start_2:
0xb0: {  	(tag) =	ssettag $0x2  }
0xb1: {  	s0 =	rddreg [dreg:$0x0];
	s2 =	stileid.u32  }
0xb2: {  	s1 =	rddreg [dreg:$0x1];
	p0 =	sne.s32 s2, $0x0  }
0xb3: {  	s3 =	rddreg [dreg:$0x2];
	[bflag:$0x3] =	sbarrier.arrive $0xFFFF;
	s2 =	simm.s32 @!p0 $0x1C03  }
0xb4: {  	[timem:s3], [sflag:s2] =	dma.local @!p0 [hbm:s0], s1  }
0xb5: {  	s0 =	simm.s32 @!p0 $0x3  }
0xb6: {  	_ =	swait.ge @!p0 [sflag:s0], s1  }
0xb7: {  	s1 =	ssub.s32 @!p0 $0x0, s1;
	[sflag:s0] =	ssyncset.done @!p0 $0x0  }
0xb8: {  	[sflag:s0] =	ssyncadd.s32 @!p0 s1  }
0xb9: {  	[bflag:$0x3] =	sbarrier.arrive $0xFFFF  }
0xba: {  	_ =	shalt  }

</sc_bundles>
